<compile_context>
chip_gen: v7x
topology: tpu7x:2x2x1
jax: 0.10.2.dev20260603
libtpu: 0.0.44.dev20260713+nightly
codegen_flags: <defaults>
</compile_context>

<pallas_src>
import functools

import jax
import jax.numpy as jnp
from jax import lax
from jax.experimental import pallas as pl
from jax.experimental.pallas import tpu as pltpu
from jax.experimental.pallas import tpu_sc as plsc

_LANES = 16
_CH = 3200
_NWORKERS = 32
_UNROLL = 4


def _round_up(x, m):
    return (x + m - 1) // m * m


def _zero_ref(ref, n):
    zeros = jnp.zeros((_LANES,), jnp.float32)
    groups = n // _LANES
    uz = 8

    def body(i, c):
        for k in range(uz):
            ref[pl.ds((i * uz + k) * _LANES, _LANES)] = zeros
        return c

    lax.fori_loop(0, groups // uz, body, None)
    for g in range(groups - groups % uz, groups):
        ref[pl.ds(g * _LANES, _LANES)] = zeros


def _emit_groups(ngroups, group_fn):
    main = ngroups - ngroups % _UNROLL

    def body(i, c):
        for k in range(_UNROLL):
            group_fn(i * _UNROLL + k)
        return c

    if main:
        lax.fori_loop(0, main // _UNROLL, body, None)
    for g in range(main, ngroups):
        group_fn(g)


def _make_deg_kernel(np_, e):
    epw = e // _NWORKERS
    nch = epw // _CH
    rem = epw % _CH
    rem_groups = rem // _LANES
    rem_tail = rem % _LANES
    mesh = plsc.VectorSubcoreMesh(core_axis_name="c", subcore_axis_name="s")

    nchunks = nch + (1 if rem else 0)

    def _size(ci):
        return _CH if ci < nch else rem

    @functools.partial(
        pl.kernel,
        out_type=jax.ShapeDtypeStruct((_NWORKERS * np_,), jnp.float32),
        mesh=mesh,
        scratch_types=[
            pltpu.VMEM((np_,), jnp.float32),
            pltpu.VMEM((2 * _CH,), jnp.int32),
            pltpu.SemaphoreType.DMA((2,)),
        ],
        compiler_params=pltpu.CompilerParams(needs_layout_passes=False),
    )
    def deg_kernel(edge_hbm, out_hbm, acc, dbuf, dsem):
        wid = lax.axis_index("c") * 16 + lax.axis_index("s")
        ones = jnp.ones((_LANES,), jnp.float32)
        base = e + wid * epw

        def _pair(ci):
            sz = _size(ci)
            b = ci % 2
            return (edge_hbm.at[pl.ds(base + ci * _CH, sz)],
                    dbuf.at[pl.ds(b * _CH, sz)], dsem.at[b])

        pltpu.async_copy(*_pair(0))
        _zero_ref(acc, np_)
        for ci in range(nchunks):
            if ci + 1 < nchunks:
                pltpu.async_copy(*_pair(ci + 1))
            pltpu.make_async_copy(*_pair(ci)).wait()
            b = ci % 2

            def scat(g, b=b):
                idx = dbuf[pl.ds(b * _CH + g * _LANES, _LANES)]
                plsc.addupdate_scatter(acc, [idx], ones)

            _emit_groups(_size(ci) // _LANES, scat)
        if rem_tail:
            m = lax.iota(jnp.int32, 16) < rem_tail
            idx = dbuf[pl.ds(((nchunks - 1) % 2) * _CH + rem_groups * _LANES,
                             _LANES)]
            plsc.addupdate_scatter(acc, [idx], ones, mask=m)
        pltpu.sync_copy(acc, out_hbm.at[pl.ds(wid * np_, np_)])

    return deg_kernel


def _make_agg_kernel(np_, e):
    epw = e // _NWORKERS
    nch = epw // _CH
    rem = epw % _CH
    rem_groups = rem // _LANES
    rem_tail = rem % _LANES
    mesh = plsc.VectorSubcoreMesh(core_axis_name="c", subcore_axis_name="s")

    nchunks = nch + (1 if rem else 0)

    def _size(ci):
        return _CH if ci < nch else rem

    @functools.partial(
        pl.kernel,
        out_type=jax.ShapeDtypeStruct((_NWORKERS * np_,), jnp.float32),
        mesh=mesh,
        scratch_types=[
            pltpu.VMEM((np_,), jnp.float32),
            pltpu.VMEM((np_,), jnp.float32),
            pltpu.VMEM((2 * _CH,), jnp.int32),
            pltpu.VMEM((2 * _CH,), jnp.int32),
            pltpu.SemaphoreType.DMA((2,)),
            pltpu.SemaphoreType.DMA((2,)),
            pltpu.SemaphoreType.DMA,
        ],
        compiler_params=pltpu.CompilerParams(needs_layout_passes=False),
    )
    def agg_kernel(edge_hbm, u_hbm, out_hbm, u, tacc, sbuf, dbuf,
                   ssem, dsem, usem):
        wid = lax.axis_index("c") * 16 + lax.axis_index("s")
        base = wid * epw

        def _spair(ci):
            sz = _size(ci)
            b = ci % 2
            return (edge_hbm.at[pl.ds(base + ci * _CH, sz)],
                    sbuf.at[pl.ds(b * _CH, sz)], ssem.at[b])

        def _dpair(ci):
            sz = _size(ci)
            b = ci % 2
            return (edge_hbm.at[pl.ds(e + base + ci * _CH, sz)],
                    dbuf.at[pl.ds(b * _CH, sz)], dsem.at[b])

        pltpu.async_copy(*_spair(0))
        pltpu.async_copy(*_dpair(0))
        pltpu.async_copy(u_hbm, u, usem)
        _zero_ref(tacc, np_)
        pltpu.make_async_copy(u_hbm, u, usem).wait()
        for ci in range(nchunks):
            if ci + 1 < nchunks:
                pltpu.async_copy(*_spair(ci + 1))
                pltpu.async_copy(*_dpair(ci + 1))
            pltpu.make_async_copy(*_spair(ci)).wait()
            pltpu.make_async_copy(*_dpair(ci)).wait()
            b = ci % 2

            def gs(g, b=b):
                off = b * _CH + g * _LANES
                vals = plsc.load_gather(u, [sbuf[pl.ds(off, _LANES)]])
                plsc.addupdate_scatter(tacc, [dbuf[pl.ds(off, _LANES)]], vals)

            _emit_groups(_size(ci) // _LANES, gs)
        if rem_tail:
            m = lax.iota(jnp.int32, 16) < rem_tail
            off = ((nchunks - 1) % 2) * _CH + rem_groups * _LANES
            ds = pl.ds(off, _LANES)
            vals = plsc.load_gather(u, [sbuf[ds]], mask=m)
            plsc.addupdate_scatter(tacc, [dbuf[ds]], vals, mask=m)
        pltpu.sync_copy(tacc, out_hbm.at[pl.ds(wid * np_, np_)])

    return agg_kernel


def _u_body(degp_ref, state_ref, u_ref, dis_ref, acc_ref):
    i = pl.program_id(0)

    @pl.when(i == 0)
    def _init():
        acc_ref[:] = degp_ref[:]

    @pl.when(i > 0)
    def _accum():
        acc_ref[:] = acc_ref[:] + degp_ref[:]

    @pl.when(i == _NWORKERS - 1)
    def _emit():
        deg = acc_ref[:] + 1.0
        dis = lax.rsqrt(deg)
        dis_ref[:] = dis
        u_ref[:] = dis * state_ref[:]


def _head_body(n, tp_ref, dis_ref, st_ref, w_ref, g_ref, be_ref, lwt_ref,
               lb_ref, a0_ref, a1_ref, acc_ref):
    i = pl.program_id(0)

    @pl.when(i == 0)
    def _init():
        acc_ref[:] = tp_ref[:]

    @pl.when(i > 0)
    def _accum():
        acc_ref[:] = acc_ref[:] + tp_ref[:]

    @pl.when(i == _NWORKERS - 1)
    def _emit():
        t = acc_ref[:]
        dis = dis_ref[:]
        s = dis * (t + dis * st_ref[:])
        inv_n = jnp.float32(1.0 / n)
        m = jnp.sum(s) * inv_n
        var = jnp.sum(s * s) * inv_n - m * m
        w = w_ref[:]
        invstd = lax.rsqrt(var * w * w + 1e-5)
        cg = w * invstd * g_ref[:]
        a0c = jnp.sum(cg * lwt_ref[0:1, :])
        a1c = jnp.sum(cg * lwt_ref[1:2, :])
        b0c = jnp.sum(be_ref[:] * lwt_ref[0:1, :]) + lb_ref[0, 0]
        b1c = jnp.sum(be_ref[:] * lwt_ref[1:2, :]) + lb_ref[0, 1]
        z = s - m
        r0 = jnp.maximum(z * a0c + b0c, 0.0)
        r1 = jnp.maximum(z * a1c + b1c, 0.0)
        mx = jnp.maximum(r0, r1)
        e0 = jnp.exp(r0 - mx)
        e1 = jnp.exp(r1 - mx)
        tot = e0 + e1
        a0_ref[:] = e0 / tot
        a1_ref[:] = e1 / tot


def kernel(state, edge_index, edge_attr, W, b, gamma, beta, lin_W, lin_b):
    del edge_attr, b
    n = state.shape[0]
    e = edge_index.shape[1]
    hidden = W.shape[1]
    np_ = _round_up(n, 2048)
    rows = np_ // 128

    state_p = jnp.concatenate([state, jnp.zeros((np_ - n,), state.dtype)])
    state_2d = state_p.reshape(rows, 128)

    edges_flat = edge_index.reshape(2 * e)
    deg_parts = _make_deg_kernel(np_, e)(edges_flat)

    part_spec = pl.BlockSpec((rows, 128), lambda i: (i, 0))
    full_spec = pl.BlockSpec((rows, 128), lambda i: (0, 0))

    u2d, dis2d = pl.pallas_call(
        _u_body,
        grid=(_NWORKERS,),
        in_specs=[part_spec, full_spec],
        out_specs=[full_spec, full_spec],
        out_shape=[
            jax.ShapeDtypeStruct((rows, 128), jnp.float32),
            jax.ShapeDtypeStruct((rows, 128), jnp.float32),
        ],
        scratch_shapes=[pltpu.VMEM((rows, 128), jnp.float32)],
    )(deg_parts.reshape(_NWORKERS * rows, 128), state_2d)

    t_parts = _make_agg_kernel(np_, e)(edges_flat, u2d.reshape(np_))

    wf = pl.BlockSpec((1, hidden), lambda i: (0, 0))
    w2 = pl.BlockSpec((2, hidden), lambda i: (0, 0))
    wb = pl.BlockSpec((1, 2), lambda i: (0, 0))
    a0, a1 = pl.pallas_call(
        functools.partial(_head_body, n),
        grid=(_NWORKERS,),
        in_specs=[part_spec, full_spec, full_spec, wf, wf, wf, w2, wb],
        out_specs=[full_spec, full_spec],
        out_shape=[
            jax.ShapeDtypeStruct((rows, 128), jnp.float32),
            jax.ShapeDtypeStruct((rows, 128), jnp.float32),
        ],
        scratch_shapes=[pltpu.VMEM((rows, 128), jnp.float32)],
    )(
        t_parts.reshape(_NWORKERS * rows, 128),
        dis2d,
        state_2d,
        W.reshape(1, hidden),
        gamma.reshape(1, hidden),
        beta.reshape(1, hidden),
        lin_W.T.reshape(2, hidden),
        lin_b.reshape(1, 2),
    )
    return jnp.stack([a0.reshape(-1)[:n], a1.reshape(-1)[:n]], axis=1)

# --- scband reference (transcript-rebuilt; emitter-appended) ---
"""Pipeline reference for scband-actor-gcn-601295422144 (READ-ONLY COPY).

The authoritative reference and input builder live on the scoring server;
editing this copy changes nothing except your own understanding.
"""

import jax, jax.numpy as jnp
import numpy as np

N = 50000
E = 800000
HIDDEN = 64
OUT = 2


def setup_inputs(seed: int = 0) -> dict:
    key = jax.random.key(seed)
    ks = jax.random.split(key, 6)
    state = jax.random.normal(ks[0], (N,), dtype=jnp.float32)
    edge_index = jax.random.randint(ks[1], (2, E), 0, N, dtype=jnp.int32)
    edge_attr = jax.random.normal(ks[2], (E, 4), dtype=jnp.float32)
    W = jax.random.normal(ks[3], (1, HIDDEN), dtype=jnp.float32)
    b = jnp.zeros((HIDDEN,), dtype=jnp.float32)
    gamma = jnp.ones((HIDDEN,), dtype=jnp.float32)
    beta = jnp.zeros((HIDDEN,), dtype=jnp.float32)
    lin_W = jax.random.normal(ks[4], (HIDDEN, OUT), dtype=jnp.float32) * (1.0 / np.sqrt(HIDDEN))
    lin_b = jnp.zeros((OUT,), dtype=jnp.float32)
    return {"state": state, "edge_index": edge_index, "edge_attr": edge_attr,
            "W": W, "b": b, "gamma": gamma, "beta": beta,
            "lin_W": lin_W, "lin_b": lin_b}


def reference(state, edge_index, edge_attr, W, b, gamma, beta, lin_W, lin_b):
    # state is reshaped to (N, 1) as in the original forward
    x = jnp.reshape(state, (state.shape[0], 1))
    n = x.shape[0]
    # ---- GCNConv (PyG semantics: add self loops, symmetric normalization) ----
    h = x @ W  # (N, HIDDEN)
    loop = jnp.arange(n, dtype=edge_index.dtype)
    src = jnp.concatenate([edge_index[0], loop])
    dst = jnp.concatenate([edge_index[1], loop])
    deg = jnp.zeros((n,), dtype=h.dtype).at[dst].add(1.0)
    dis = jnp.where(deg > 0, jax.lax.rsqrt(deg), 0.0)
    norm = dis[src] * dis[dst]
    msg = h[src] * norm[:, None]
    agg = jnp.zeros((n, h.shape[1]), dtype=h.dtype).at[dst].add(msg) + b
    # ---- BatchNorm1d (training mode: batch statistics) ----
    mean = jnp.mean(agg, axis=0)
    var = jnp.var(agg, axis=0)
    xn = (agg - mean) / jnp.sqrt(var + 1e-5)
    xbn = xn * gamma + beta
    # ---- Linear + ReLU + Softmax ----
    logits = xbn @ lin_W + lin_b
    r = jax.nn.relu(logits)
    actor = jax.nn.softmax(r, axis=1)
    return actor

if __name__ == "__main__":
    import jax
    _d = setup_inputs()
    print(jax.jit(kernel)(*tuple(_d.values())))

</pallas_src>

<mosaic_0001>
#map = affine_map<(d0, d1) -> (0)>
module attributes {stable_mosaic.version = 14 : i64} {
  func.func @agg_kernel(%arg0: i32, %arg1: i32, %arg2: memref<1600000xi32, #tpu.memory_space<hbm>>, %arg3: memref<51200xf32, #tpu.memory_space<hbm>>, %arg4: memref<1638400xf32, #tpu.memory_space<hbm>>, %arg5: memref<51200xf32, #tpu.memory_space<vmem>>, %arg6: memref<51200xf32, #tpu.memory_space<vmem>>, %arg7: memref<6400xi32, #tpu.memory_space<vmem>>, %arg8: memref<6400xi32, #tpu.memory_space<vmem>>, %arg9: memref<2x!tpu.dma_semaphore, #tpu.memory_space<semaphore_mem>>, %arg10: memref<2x!tpu.dma_semaphore, #tpu.memory_space<semaphore_mem>>, %arg11: memref<!tpu.dma_semaphore, #tpu.memory_space<semaphore_mem>>) attributes {dimension_semantics = [#tpu.dimension_semantics<core_parallel>, #tpu.dimension_semantics<subcore_parallel>], iteration_bounds = array<i64: 2, 16>, scalar_prefetch = 0 : i64, scratch_operands = 7 : i64, tpu.core_type = #tpu.core_type<sc_vector_subcore>, window_params = [{transform_indices = #map}, {transform_indices = #map}, {transform_indices = #map}]} {
    %mul3A = arith.constant 16 : i32
    %mul3A_0 = arith.muli %arg0, %mul3A : i32
    %add3A = arith.addi %mul3A_0, %arg1 : i32
    %mul3A_1 = arith.constant 25000 : i32
    %mul3A_2 = arith.muli %add3A, %mul3A_1 : i32
    %add3A_3 = arith.constant 0 : i32
    %add3A_4 = arith.addi %mul3A_2, %add3A_3 : i32
    %dma_start3A = arith.constant 0 : i32
    %dma_start3A_5 = arith.constant 0 : i32
    %dma_start3A_6 = tpu.memref_slice %arg7[%dma_start3A_5] : memref<6400xi32, #tpu.memory_space<vmem>> -> memref<3200xi32, #tpu.memory_space<vmem>>
    %dma_start3A_7 = tpu.memref_slice %arg2[%add3A_4] : memref<1600000xi32, #tpu.memory_space<hbm>> -> memref<3200xi32, #tpu.memory_space<hbm>>
    %dma_start3A_8 = tpu.memref_slice %arg9[%dma_start3A] : memref<2x!tpu.dma_semaphore, #tpu.memory_space<semaphore_mem>> -> memref<1x!tpu.dma_semaphore, #tpu.memory_space<semaphore_mem>>
    %dma_start3A_9 = tpu.memref_squeeze %dma_start3A_8 : memref<1x!tpu.dma_semaphore, #tpu.memory_space<semaphore_mem>> -> memref<!tpu.dma_semaphore, #tpu.memory_space<semaphore_mem>>
    %dma_start3A_10 = arith.constant 0 : i32
    %dma_start3A_11 = tpu.memref_slice %arg7[%dma_start3A_10] : memref<6400xi32, #tpu.memory_space<vmem>> -> memref<3200xi32, #tpu.memory_space<vmem>>
    %dma_start3A_12 = tpu.memref_slice %arg2[%add3A_4] : memref<1600000xi32, #tpu.memory_space<hbm>> -> memref<3200xi32, #tpu.memory_space<hbm>>
    tpu.enqueue_dma source(%dma_start3A_12 : memref<3200xi32, #tpu.memory_space<hbm>>) target(%dma_start3A_11 : memref<3200xi32, #tpu.memory_space<vmem>>) target_semaphore(%dma_start3A_9 : memref<!tpu.dma_semaphore, #tpu.memory_space<semaphore_mem>>)
    %add3A_13 = arith.constant 800000 : i32
    %add3A_14 = arith.addi %add3A_13, %mul3A_2 : i32
    %add3A_15 = arith.constant 0 : i32
    %add3A_16 = arith.addi %add3A_14, %add3A_15 : i32
    %dma_start3A_17 = arith.constant 0 : i32
    %dma_start3A_18 = arith.constant 0 : i32
    %dma_start3A_19 = tpu.memref_slice %arg8[%dma_start3A_18] : memref<6400xi32, #tpu.memory_space<vmem>> -> memref<3200xi32, #tpu.memory_space<vmem>>
    %dma_start3A_20 = tpu.memref_slice %arg2[%add3A_16] : memref<1600000xi32, #tpu.memory_space<hbm>> -> memref<3200xi32, #tpu.memory_space<hbm>>
    %dma_start3A_21 = tpu.memref_slice %arg10[%dma_start3A_17] : memref<2x!tpu.dma_semaphore, #tpu.memory_space<semaphore_mem>> -> memref<1x!tpu.dma_semaphore, #tpu.memory_space<semaphore_mem>>
    %dma_start3A_22 = tpu.memref_squeeze %dma_start3A_21 : memref<1x!tpu.dma_semaphore, #tpu.memory_space<semaphore_mem>> -> memref<!tpu.dma_semaphore, #tpu.memory_space<semaphore_mem>>
    %dma_start3A_23 = arith.constant 0 : i32
    %dma_start3A_24 = tpu.memref_slice %arg8[%dma_start3A_23] : memref<6400xi32, #tpu.memory_space<vmem>> -> memref<3200xi32, #tpu.memory_space<vmem>>
    %dma_start3A_25 = tpu.memref_slice %arg2[%add3A_16] : memref<1600000xi32, #tpu.memory_space<hbm>> -> memref<3200xi32, #tpu.memory_space<hbm>>
    tpu.enqueue_dma source(%dma_start3A_25 : memref<3200xi32, #tpu.memory_space<hbm>>) target(%dma_start3A_24 : memref<3200xi32, #tpu.memory_space<vmem>>) target_semaphore(%dma_start3A_22 : memref<!tpu.dma_semaphore, #tpu.memory_space<semaphore_mem>>)
    tpu.enqueue_dma source(%arg3 : memref<51200xf32, #tpu.memory_space<hbm>>) target(%arg5 : memref<51200xf32, #tpu.memory_space<vmem>>) target_semaphore(%arg11 : memref<!tpu.dma_semaphore, #tpu.memory_space<semaphore_mem>>)
    %broadcast_in_dim3A = arith.constant 0.000000e+00 : f32
    %broadcast_in_dim3A_26 = vector.broadcast %broadcast_in_dim3A : f32 to vector<16xf32>
    %scan3A = arith.constant 0 : i32
    %scan3A_27 = arith.constant 400 : i32
    %scan3A_28 = arith.addi %scan3A, %scan3A_27 : i32
    %scan3A_29 = arith.constant 1 : i32
    scf.for %scan3A_447 = %scan3A to %scan3A_28 step %scan3A_29  : i32 {
      %mul3A_448 = arith.constant 8 : i32
      %mul3A_449 = arith.muli %scan3A_447, %mul3A_448 : i32
      %add3A_450 = arith.constant 0 : i32
      %add3A_451 = arith.addi %mul3A_449, %add3A_450 : i32
      %mul3A_452 = arith.constant 16 : i32
      %mul3A_453 = arith.muli %add3A_451, %mul3A_452 : i32
      %swap3A = arith.index_cast %mul3A_453 : i32 to index
      %swap3A_454 = tpu.vector_load %arg6[%swap3A] {strides = array<i32>} : memref<51200xf32, #tpu.memory_space<vmem>>, vector<16xf32>,
      tpu.vector_store %arg6[%swap3A], %broadcast_in_dim3A_26 {strides = array<i32>} : memref<51200xf32, #tpu.memory_space<vmem>>, vector<16xf32>,
      %mul3A_455 = arith.constant 8 : i32
      %mul3A_456 = arith.muli %scan3A_447, %mul3A_455 : i32
      %add3A_457 = arith.constant 1 : i32
      %add3A_458 = arith.addi %mul3A_456, %add3A_457 : i32
      %mul3A_459 = arith.constant 16 : i32
      %mul3A_460 = arith.muli %add3A_458, %mul3A_459 : i32
      %swap3A_461 = arith.index_cast %mul3A_460 : i32 to index
      %swap3A_462 = tpu.vector_load %arg6[%swap3A_461] {strides = array<i32>} : memref<51200xf32, #tpu.memory_space<vmem>>, vector<16xf32>,
      tpu.vector_store %arg6[%swap3A_461], %broadcast_in_dim3A_26 {strides = array<i32>} : memref<51200xf32, #tpu.memory_space<vmem>>, vector<16xf32>,
      %mul3A_463 = arith.constant 8 : i32
      %mul3A_464 = arith.muli %scan3A_447, %mul3A_463 : i32
      %add3A_465 = arith.constant 2 : i32
      %add3A_466 = arith.addi %mul3A_464, %add3A_465 : i32
      %mul3A_467 = arith.constant 16 : i32
      %mul3A_468 = arith.muli %add3A_466, %mul3A_467 : i32
      %swap3A_469 = arith.index_cast %mul3A_468 : i32 to index
      %swap3A_470 = tpu.vector_load %arg6[%swap3A_469] {strides = array<i32>} : memref<51200xf32, #tpu.memory_space<vmem>>, vector<16xf32>,
      tpu.vector_store %arg6[%swap3A_469], %broadcast_in_dim3A_26 {strides = array<i32>} : memref<51200xf32, #tpu.memory_space<vmem>>, vector<16xf32>,
      %mul3A_471 = arith.constant 8 : i32
      %mul3A_472 = arith.muli %scan3A_447, %mul3A_471 : i32
      %add3A_473 = arith.constant 3 : i32
      %add3A_474 = arith.addi %mul3A_472, %add3A_473 : i32
      %mul3A_475 = arith.constant 16 : i32
      %mul3A_476 = arith.muli %add3A_474, %mul3A_475 : i32
      %swap3A_477 = arith.index_cast %mul3A_476 : i32 to index
      %swap3A_478 = tpu.vector_load %arg6[%swap3A_477] {strides = array<i32>} : memref<51200xf32, #tpu.memory_space<vmem>>, vector<16xf32>,
      tpu.vector_store %arg6[%swap3A_477], %broadcast_in_dim3A_26 {strides = array<i32>} : memref<51200xf32, #tpu.memory_space<vmem>>, vector<16xf32>,
      %mul3A_479 = arith.constant 8 : i32
      %mul3A_480 = arith.muli %scan3A_447, %mul3A_479 : i32
      %add3A_481 = arith.constant 4 : i32
      %add3A_482 = arith.addi %mul3A_480, %add3A_481 : i32
      %mul3A_483 = arith.constant 16 : i32
      %mul3A_484 = arith.muli %add3A_482, %mul3A_483 : i32
      %swap3A_485 = arith.index_cast %mul3A_484 : i32 to index
      %swap3A_486 = tpu.vector_load %arg6[%swap3A_485] {strides = array<i32>} : memref<51200xf32, #tpu.memory_space<vmem>>, vector<16xf32>,
      tpu.vector_store %arg6[%swap3A_485], %broadcast_in_dim3A_26 {strides = array<i32>} : memref<51200xf32, #tpu.memory_space<vmem>>, vector<16xf32>,
      %mul3A_487 = arith.constant 8 : i32
      %mul3A_488 = arith.muli %scan3A_447, %mul3A_487 : i32
      %add3A_489 = arith.constant 5 : i32
      %add3A_490 = arith.addi %mul3A_488, %add3A_489 : i32
      %mul3A_491 = arith.constant 16 : i32
      %mul3A_492 = arith.muli %add3A_490, %mul3A_491 : i32
      %swap3A_493 = arith.index_cast %mul3A_492 : i32 to index
      %swap3A_494 = tpu.vector_load %arg6[%swap3A_493] {strides = array<i32>} : memref<51200xf32, #tpu.memory_space<vmem>>, vector<16xf32>,
      tpu.vector_store %arg6[%swap3A_493], %broadcast_in_dim3A_26 {strides = array<i32>} : memref<51200xf32, #tpu.memory_space<vmem>>, vector<16xf32>,
      %mul3A_495 = arith.constant 8 : i32
      %mul3A_496 = arith.muli %scan3A_447, %mul3A_495 : i32
      %add3A_497 = arith.constant 6 : i32
      %add3A_498 = arith.addi %mul3A_496, %add3A_497 : i32
      %mul3A_499 = arith.constant 16 : i32
      %mul3A_500 = arith.muli %add3A_498, %mul3A_499 : i32
      %swap3A_501 = arith.index_cast %mul3A_500 : i32 to index
      %swap3A_502 = tpu.vector_load %arg6[%swap3A_501] {strides = array<i32>} : memref<51200xf32, #tpu.memory_space<vmem>>, vector<16xf32>,
      tpu.vector_store %arg6[%swap3A_501], %broadcast_in_dim3A_26 {strides = array<i32>} : memref<51200xf32, #tpu.memory_space<vmem>>, vector<16xf32>,
      %mul3A_503 = arith.constant 8 : i32
      %mul3A_504 = arith.muli %scan3A_447, %mul3A_503 : i32
      %add3A_505 = arith.constant 7 : i32
      %add3A_506 = arith.addi %mul3A_504, %add3A_505 : i32
      %mul3A_507 = arith.constant 16 : i32
      %mul3A_508 = arith.muli %add3A_506, %mul3A_507 : i32
      %swap3A_509 = arith.index_cast %mul3A_508 : i32 to index
      %swap3A_510 = tpu.vector_load %arg6[%swap3A_509] {strides = array<i32>} : memref<51200xf32, #tpu.memory_space<vmem>>, vector<16xf32>,
      tpu.vector_store %arg6[%swap3A_509], %broadcast_in_dim3A_26 {strides = array<i32>} : memref<51200xf32, #tpu.memory_space<vmem>>, vector<16xf32>,
    }
    %scan3A_30 = arith.constant 400 : i32
    tpu.wait_dma2 semaphore(%arg11 : memref<!tpu.dma_semaphore, #tpu.memory_space<semaphore_mem>>) src(%arg3 : memref<51200xf32, #tpu.memory_space<hbm>>) dst(%arg5 : memref<51200xf32, #tpu.memory_space<vmem>>)
    %add3A_31 = arith.constant 3200 : i32
    %add3A_32 = arith.addi %mul3A_2, %add3A_31 : i32
    %dma_start3A_33 = arith.constant 1 : i32
    %dma_start3A_34 = arith.constant 3200 : i32
    %dma_start3A_35 = tpu.memref_slice %arg7[%dma_start3A_34] : memref<6400xi32, #tpu.memory_space<vmem>> -> memref<3200xi32, #tpu.memory_space<vmem>>
    %dma_start3A_36 = tpu.memref_slice %arg2[%add3A_32] : memref<1600000xi32, #tpu.memory_space<hbm>> -> memref<3200xi32, #tpu.memory_space<hbm>>
    %dma_start3A_37 = tpu.memref_slice %arg9[%dma_start3A_33] : memref<2x!tpu.dma_semaphore, #tpu.memory_space<semaphore_mem>> -> memref<1x!tpu.dma_semaphore, #tpu.memory_space<semaphore_mem>>
    %dma_start3A_38 = tpu.memref_squeeze %dma_start3A_37 : memref<1x!tpu.dma_semaphore, #tpu.memory_space<semaphore_mem>> -> memref<!tpu.dma_semaphore, #tpu.memory_space<semaphore_mem>>
    %dma_start3A_39 = arith.constant 3200 : i32
    %dma_start3A_40 = tpu.memref_slice %arg7[%dma_start3A_39] : memref<6400xi32, #tpu.memory_space<vmem>> -> memref<3200xi32, #tpu.memory_space<vmem>>
    %dma_start3A_41 = tpu.memref_slice %arg2[%add3A_32] : memref<1600000xi32, #tpu.memory_space<hbm>> -> memref<3200xi32, #tpu.memory_space<hbm>>
    tpu.enqueue_dma source(%dma_start3A_41 : memref<3200xi32, #tpu.memory_space<hbm>>) target(%dma_start3A_40 : memref<3200xi32, #tpu.memory_space<vmem>>) target_semaphore(%dma_start3A_38 : memref<!tpu.dma_semaphore, #tpu.memory_space<semaphore_mem>>)
    %add3A_42 = arith.constant 800000 : i32
    %add3A_43 = arith.addi %add3A_42, %mul3A_2 : i32
    %add3A_44 = arith.constant 3200 : i32
    %add3A_45 = arith.addi %add3A_43, %add3A_44 : i32
    %dma_start3A_46 = arith.constant 1 : i32
    %dma_start3A_47 = arith.constant 3200 : i32
    %dma_start3A_48 = tpu.memref_slice %arg8[%dma_start3A_47] : memref<6400xi32, #tpu.memory_space<vmem>> -> memref<3200xi32, #tpu.memory_space<vmem>>
    %dma_start3A_49 = tpu.memref_slice %arg2[%add3A_45] : memref<1600000xi32, #tpu.memory_space<hbm>> -> memref<3200xi32, #tpu.memory_space<hbm>>
    %dma_start3A_50 = tpu.memref_slice %arg10[%dma_start3A_46] : memref<2x!tpu.dma_semaphore, #tpu.memory_space<semaphore_mem>> -> memref<1x!tpu.dma_semaphore, #tpu.memory_space<semaphore_mem>>
    %dma_start3A_51 = tpu.memref_squeeze %dma_start3A_50 : memref<1x!tpu.dma_semaphore, #tpu.memory_space<semaphore_mem>> -> memref<!tpu.dma_semaphore, #tpu.memory_space<semaphore_mem>>
    %dma_start3A_52 = arith.constant 3200 : i32
    %dma_start3A_53 = tpu.memref_slice %arg8[%dma_start3A_52] : memref<6400xi32, #tpu.memory_space<vmem>> -> memref<3200xi32, #tpu.memory_space<vmem>>
    %dma_start3A_54 = tpu.memref_slice %arg2[%add3A_45] : memref<1600000xi32, #tpu.memory_space<hbm>> -> memref<3200xi32, #tpu.memory_space<hbm>>
    tpu.enqueue_dma source(%dma_start3A_54 : memref<3200xi32, #tpu.memory_space<hbm>>) target(%dma_start3A_53 : memref<3200xi32, #tpu.memory_space<vmem>>) target_semaphore(%dma_start3A_51 : memref<!tpu.dma_semaphore, #tpu.memory_space<semaphore_mem>>)
    %add3A_55 = arith.constant 0 : i32
    %add3A_56 = arith.addi %mul3A_2, %add3A_55 : i32
    %dma_wait3A = arith.constant 0 : i32
    %dma_wait3A_57 = arith.constant 0 : i32
    %dma_wait3A_58 = tpu.memref_slice %arg7[%dma_wait3A_57] : memref<6400xi32, #tpu.memory_space<vmem>> -> memref<3200xi32, #tpu.memory_space<vmem>>
    %dma_wait3A_59 = tpu.memref_slice %arg2[%add3A_56] : memref<1600000xi32, #tpu.memory_space<hbm>> -> memref<3200xi32, #tpu.memory_space<hbm>>
    %dma_wait3A_60 = tpu.memref_slice %arg9[%dma_wait3A] : memref<2x!tpu.dma_semaphore, #tpu.memory_space<semaphore_mem>> -> memref<1x!tpu.dma_semaphore, #tpu.memory_space<semaphore_mem>>
    %dma_wait3A_61 = tpu.memref_squeeze %dma_wait3A_60 : memref<1x!tpu.dma_semaphore, #tpu.memory_space<semaphore_mem>> -> memref<!tpu.dma_semaphore, #tpu.memory_space<semaphore_mem>>
    %dma_wait3A_62 = arith.constant 0 : i32
    %dma_wait3A_63 = tpu.memref_slice %arg7[%dma_wait3A_62] : memref<6400xi32, #tpu.memory_space<vmem>> -> memref<3200xi32, #tpu.memory_space<vmem>>
    %dma_wait3A_64 = tpu.memref_slice %arg2[%add3A_56] : memref<1600000xi32, #tpu.memory_space<hbm>> -> memref<3200xi32, #tpu.memory_space<hbm>>
    tpu.wait_dma2 semaphore(%dma_wait3A_61 : memref<!tpu.dma_semaphore, #tpu.memory_space<semaphore_mem>>) src(%dma_wait3A_64 : memref<3200xi32, #tpu.memory_space<hbm>>) dst(%dma_wait3A_63 : memref<3200xi32, #tpu.memory_space<vmem>>)
    %add3A_65 = arith.constant 800000 : i32
    %add3A_66 = arith.addi %add3A_65, %mul3A_2 : i32
    %add3A_67 = arith.constant 0 : i32
    %add3A_68 = arith.addi %add3A_66, %add3A_67 : i32
    %dma_wait3A_69 = arith.constant 0 : i32
    %dma_wait3A_70 = arith.constant 0 : i32
    %dma_wait3A_71 = tpu.memref_slice %arg8[%dma_wait3A_70] : memref<6400xi32, #tpu.memory_space<vmem>> -> memref<3200xi32, #tpu.memory_space<vmem>>
    %dma_wait3A_72 = tpu.memref_slice %arg2[%add3A_68] : memref<1600000xi32, #tpu.memory_space<hbm>> -> memref<3200xi32, #tpu.memory_space<hbm>>
    %dma_wait3A_73 = tpu.memref_slice %arg10[%dma_wait3A_69] : memref<2x!tpu.dma_semaphore, #tpu.memory_space<semaphore_mem>> -> memref<1x!tpu.dma_semaphore, #tpu.memory_space<semaphore_mem>>
    %dma_wait3A_74 = tpu.memref_squeeze %dma_wait3A_73 : memref<1x!tpu.dma_semaphore, #tpu.memory_space<semaphore_mem>> -> memref<!tpu.dma_semaphore, #tpu.memory_space<semaphore_mem>>
    %dma_wait3A_75 = arith.constant 0 : i32
    %dma_wait3A_76 = tpu.memref_slice %arg8[%dma_wait3A_75] : memref<6400xi32, #tpu.memory_space<vmem>> -> memref<3200xi32, #tpu.memory_space<vmem>>
    %dma_wait3A_77 = tpu.memref_slice %arg2[%add3A_68] : memref<1600000xi32, #tpu.memory_space<hbm>> -> memref<3200xi32, #tpu.memory_space<hbm>>
    tpu.wait_dma2 semaphore(%dma_wait3A_74 : memref<!tpu.dma_semaphore, #tpu.memory_space<semaphore_mem>>) src(%dma_wait3A_77 : memref<3200xi32, #tpu.memory_space<hbm>>) dst(%dma_wait3A_76 : memref<3200xi32, #tpu.memory_space<vmem>>)
    %scan3A_78 = arith.constant 0 : i32
    %scan3A_79 = arith.constant 50 : i32
    %scan3A_80 = arith.addi %scan3A_78, %scan3A_79 : i32
    %scan3A_81 = arith.constant 1 : i32
    scf.for %scan3A_447 = %scan3A_78 to %scan3A_80 step %scan3A_81  : i32 {
      %mul3A_448 = arith.constant 4 : i32
      %mul3A_449 = arith.muli %scan3A_447, %mul3A_448 : i32
      %add3A_450 = arith.constant 0 : i32
      %add3A_451 = arith.addi %mul3A_449, %add3A_450 : i32
      %mul3A_452 = arith.constant 16 : i32
      %mul3A_453 = arith.muli %add3A_451, %mul3A_452 : i32
      %add3A_454 = arith.constant 0 : i32
      %add3A_455 = arith.addi %add3A_454, %mul3A_453 : i32
      %get3A_456 = arith.index_cast %add3A_455 : i32 to index
      %get3A_457 = tpu.vector_load %arg7[%get3A_456] {strides = array<i32>} : memref<6400xi32, #tpu.memory_space<vmem>>, vector<16xi32>,
      %gather3A_458 = tpu.vector_load_idx %arg5[%get3A_457] : memref<51200xf32, #tpu.memory_space<vmem>>[vector<16xi32>], vector<16xf32>,
      %get3A_459 = arith.index_cast %add3A_455 : i32 to index
      %get3A_460 = tpu.vector_load %arg8[%get3A_459] {strides = array<i32>} : memref<6400xi32, #tpu.memory_space<vmem>>, vector<16xi32>,
      tpu.vector_store_idx %arg6[%get3A_460], %gather3A_458 {add = true} : memref<51200xf32, #tpu.memory_space<vmem>>[vector<16xi32>], vector<16xf32>,
      %mul3A_461 = arith.constant 4 : i32
      %mul3A_462 = arith.muli %scan3A_447, %mul3A_461 : i32
      %add3A_463 = arith.constant 1 : i32
      %add3A_464 = arith.addi %mul3A_462, %add3A_463 : i32
      %mul3A_465 = arith.constant 16 : i32
      %mul3A_466 = arith.muli %add3A_464, %mul3A_465 : i32
      %add3A_467 = arith.constant 0 : i32
      %add3A_468 = arith.addi %add3A_467, %mul3A_466 : i32
      %get3A_469 = arith.index_cast %add3A_468 : i32 to index
      %get3A_470 = tpu.vector_load %arg7[%get3A_469] {strides = array<i32>} : memref<6400xi32, #tpu.memory_space<vmem>>, vector<16xi32>,
      %gather3A_471 = tpu.vector_load_idx %arg5[%get3A_470] : memref<51200xf32, #tpu.memory_space<vmem>>[vector<16xi32>], vector<16xf32>,
      %get3A_472 = arith.index_cast %add3A_468 : i32 to index
      %get3A_473 = tpu.vector_load %arg8[%get3A_472] {strides = array<i32>} : memref<6400xi32, #tpu.memory_space<vmem>>, vector<16xi32>,
      tpu.vector_store_idx %arg6[%get3A_473], %gather3A_471 {add = true} : memref<51200xf32, #tpu.memory_space<vmem>>[vector<16xi32>], vector<16xf32>,
      %mul3A_474 = arith.constant 4 : i32
      %mul3A_475 = arith.muli %scan3A_447, %mul3A_474 : i32
      %add3A_476 = arith.constant 2 : i32
      %add3A_477 = arith.addi %mul3A_475, %add3A_476 : i32
      %mul3A_478 = arith.constant 16 : i32
      %mul3A_479 = arith.muli %add3A_477, %mul3A_478 : i32
      %add3A_480 = arith.constant 0 : i32
      %add3A_481 = arith.addi %add3A_480, %mul3A_479 : i32
      %get3A_482 = arith.index_cast %add3A_481 : i32 to index
      %get3A_483 = tpu.vector_load %arg7[%get3A_482] {strides = array<i32>} : memref<6400xi32, #tpu.memory_space<vmem>>, vector<16xi32>,
      %gather3A_484 = tpu.vector_load_idx %arg5[%get3A_483] : memref<51200xf32, #tpu.memory_space<vmem>>[vector<16xi32>], vector<16xf32>,
      %get3A_485 = arith.index_cast %add3A_481 : i32 to index
      %get3A_486 = tpu.vector_load %arg8[%get3A_485] {strides = array<i32>} : memref<6400xi32, #tpu.memory_space<vmem>>, vector<16xi32>,
      tpu.vector_store_idx %arg6[%get3A_486], %gather3A_484 {add = true} : memref<51200xf32, #tpu.memory_space<vmem>>[vector<16xi32>], vector<16xf32>,
      %mul3A_487 = arith.constant 4 : i32
      %mul3A_488 = arith.muli %scan3A_447, %mul3A_487 : i32
      %add3A_489 = arith.constant 3 : i32
      %add3A_490 = arith.addi %mul3A_488, %add3A_489 : i32
      %mul3A_491 = arith.constant 16 : i32
      %mul3A_492 = arith.muli %add3A_490, %mul3A_491 : i32
      %add3A_493 = arith.constant 0 : i32
      %add3A_494 = arith.addi %add3A_493, %mul3A_492 : i32
      %get3A_495 = arith.index_cast %add3A_494 : i32 to index
      %get3A_496 = tpu.vector_load %arg7[%get3A_495] {strides = array<i32>} : memref<6400xi32, #tpu.memory_space<vmem>>, vector<16xi32>,
      %gather3A_497 = tpu.vector_load_idx %arg5[%get3A_496] : memref<51200xf32, #tpu.memory_space<vmem>>[vector<16xi32>], vector<16xf32>,
      %get3A_498 = arith.index_cast %add3A_494 : i32 to index
      %get3A_499 = tpu.vector_load %arg8[%get3A_498] {strides = array<i32>} : memref<6400xi32, #tpu.memory_space<vmem>>, vector<16xi32>,
      tpu.vector_store_idx %arg6[%get3A_499], %gather3A_497 {add = true} : memref<51200xf32, #tpu.memory_space<vmem>>[vector<16xi32>], vector<16xf32>,
    }
    %scan3A_82 = arith.constant 50 : i32
    %add3A_83 = arith.constant 6400 : i32
    %add3A_84 = arith.addi %mul3A_2, %add3A_83 : i32
    %dma_start3A_85 = arith.constant 0 : i32
    %dma_start3A_86 = arith.constant 0 : i32
    %dma_start3A_87 = tpu.memref_slice %arg7[%dma_start3A_86] : memref<6400xi32, #tpu.memory_space<vmem>> -> memref<3200xi32, #tpu.memory_space<vmem>>
    %dma_start3A_88 = tpu.memref_slice %arg2[%add3A_84] : memref<1600000xi32, #tpu.memory_space<hbm>> -> memref<3200xi32, #tpu.memory_space<hbm>>
    %dma_start3A_89 = tpu.memref_slice %arg9[%dma_start3A_85] : memref<2x!tpu.dma_semaphore, #tpu.memory_space<semaphore_mem>> -> memref<1x!tpu.dma_semaphore, #tpu.memory_space<semaphore_mem>>
    %dma_start3A_90 = tpu.memref_squeeze %dma_start3A_89 : memref<1x!tpu.dma_semaphore, #tpu.memory_space<semaphore_mem>> -> memref<!tpu.dma_semaphore, #tpu.memory_space<semaphore_mem>>
    %dma_start3A_91 = arith.constant 0 : i32
    %dma_start3A_92 = tpu.memref_slice %arg7[%dma_start3A_91] : memref<6400xi32, #tpu.memory_space<vmem>> -> memref<3200xi32, #tpu.memory_space<vmem>>
    %dma_start3A_93 = tpu.memref_slice %arg2[%add3A_84] : memref<1600000xi32, #tpu.memory_space<hbm>> -> memref<3200xi32, #tpu.memory_space<hbm>>
    tpu.enqueue_dma source(%dma_start3A_93 : memref<3200xi32, #tpu.memory_space<hbm>>) target(%dma_start3A_92 : memref<3200xi32, #tpu.memory_space<vmem>>) target_semaphore(%dma_start3A_90 : memref<!tpu.dma_semaphore, #tpu.memory_space<semaphore_mem>>)
    %add3A_94 = arith.constant 800000 : i32
    %add3A_95 = arith.addi %add3A_94, %mul3A_2 : i32
    %add3A_96 = arith.constant 6400 : i32
    %add3A_97 = arith.addi %add3A_95, %add3A_96 : i32
    %dma_start3A_98 = arith.constant 0 : i32
    %dma_start3A_99 = arith.constant 0 : i32
    %dma_start3A_100 = tpu.memref_slice %arg8[%dma_start3A_99] : memref<6400xi32, #tpu.memory_space<vmem>> -> memref<3200xi32, #tpu.memory_space<vmem>>
    %dma_start3A_101 = tpu.memref_slice %arg2[%add3A_97] : memref<1600000xi32, #tpu.memory_space<hbm>> -> memref<3200xi32, #tpu.memory_space<hbm>>
    %dma_start3A_102 = tpu.memref_slice %arg10[%dma_start3A_98] : memref<2x!tpu.dma_semaphore, #tpu.memory_space<semaphore_mem>> -> memref<1x!tpu.dma_semaphore, #tpu.memory_space<semaphore_mem>>
    %dma_start3A_103 = tpu.memref_squeeze %dma_start3A_102 : memref<1x!tpu.dma_semaphore, #tpu.memory_space<semaphore_mem>> -> memref<!tpu.dma_semaphore, #tpu.memory_space<semaphore_mem>>
    %dma_start3A_104 = arith.constant 0 : i32
    %dma_start3A_105 = tpu.memref_slice %arg8[%dma_start3A_104] : memref<6400xi32, #tpu.memory_space<vmem>> -> memref<3200xi32, #tpu.memory_space<vmem>>
    %dma_start3A_106 = tpu.memref_slice %arg2[%add3A_97] : memref<1600000xi32, #tpu.memory_space<hbm>> -> memref<3200xi32, #tpu.memory_space<hbm>>
    tpu.enqueue_dma source(%dma_start3A_106 : memref<3200xi32, #tpu.memory_space<hbm>>) target(%dma_start3A_105 : memref<3200xi32, #tpu.memory_space<vmem>>) target_semaphore(%dma_start3A_103 : memref<!tpu.dma_semaphore, #tpu.memory_space<semaphore_mem>>)
    %add3A_107 = arith.constant 3200 : i32
    %add3A_108 = arith.addi %mul3A_2, %add3A_107 : i32
    %dma_wait3A_109 = arith.constant 1 : i32
    %dma_wait3A_110 = arith.constant 3200 : i32
    %dma_wait3A_111 = tpu.memref_slice %arg7[%dma_wait3A_110] : memref<6400xi32, #tpu.memory_space<vmem>> -> memref<3200xi32, #tpu.memory_space<vmem>>
    %dma_wait3A_112 = tpu.memref_slice %arg2[%add3A_108] : memref<1600000xi32, #tpu.memory_space<hbm>> -> memref<3200xi32, #tpu.memory_space<hbm>>
    %dma_wait3A_113 = tpu.memref_slice %arg9[%dma_wait3A_109] : memref<2x!tpu.dma_semaphore, #tpu.memory_space<semaphore_mem>> -> memref<1x!tpu.dma_semaphore, #tpu.memory_space<semaphore_mem>>
    %dma_wait3A_114 = tpu.memref_squeeze %dma_wait3A_113 : memref<1x!tpu.dma_semaphore, #tpu.memory_space<semaphore_mem>> -> memref<!tpu.dma_semaphore, #tpu.memory_space<semaphore_mem>>
    %dma_wait3A_115 = arith.constant 3200 : i32
    %dma_wait3A_116 = tpu.memref_slice %arg7[%dma_wait3A_115] : memref<6400xi32, #tpu.memory_space<vmem>> -> memref<3200xi32, #tpu.memory_space<vmem>>
    %dma_wait3A_117 = tpu.memref_slice %arg2[%add3A_108] : memref<1600000xi32, #tpu.memory_space<hbm>> -> memref<3200xi32, #tpu.memory_space<hbm>>
    tpu.wait_dma2 semaphore(%dma_wait3A_114 : memref<!tpu.dma_semaphore, #tpu.memory_space<semaphore_mem>>) src(%dma_wait3A_117 : memref<3200xi32, #tpu.memory_space<hbm>>) dst(%dma_wait3A_116 : memref<3200xi32, #tpu.memory_space<vmem>>)
    %add3A_118 = arith.constant 800000 : i32
    %add3A_119 = arith.addi %add3A_118, %mul3A_2 : i32
    %add3A_120 = arith.constant 3200 : i32
    %add3A_121 = arith.addi %add3A_119, %add3A_120 : i32
    %dma_wait3A_122 = arith.constant 1 : i32
    %dma_wait3A_123 = arith.constant 3200 : i32
    %dma_wait3A_124 = tpu.memref_slice %arg8[%dma_wait3A_123] : memref<6400xi32, #tpu.memory_space<vmem>> -> memref<3200xi32, #tpu.memory_space<vmem>>
    %dma_wait3A_125 = tpu.memref_slice %arg2[%add3A_121] : memref<1600000xi32, #tpu.memory_space<hbm>> -> memref<3200xi32, #tpu.memory_space<hbm>>
    %dma_wait3A_126 = tpu.memref_slice %arg10[%dma_wait3A_122] : memref<2x!tpu.dma_semaphore, #tpu.memory_space<semaphore_mem>> -> memref<1x!tpu.dma_semaphore, #tpu.memory_space<semaphore_mem>>
    %dma_wait3A_127 = tpu.memref_squeeze %dma_wait3A_126 : memref<1x!tpu.dma_semaphore, #tpu.memory_space<semaphore_mem>> -> memref<!tpu.dma_semaphore, #tpu.memory_space<semaphore_mem>>
    %dma_wait3A_128 = arith.constant 3200 : i32
    %dma_wait3A_129 = tpu.memref_slice %arg8[%dma_wait3A_128] : memref<6400xi32, #tpu.memory_space<vmem>> -> memref<3200xi32, #tpu.memory_space<vmem>>
    %dma_wait3A_130 = tpu.memref_slice %arg2[%add3A_121] : memref<1600000xi32, #tpu.memory_space<hbm>> -> memref<3200xi32, #tpu.memory_space<hbm>>
    tpu.wait_dma2 semaphore(%dma_wait3A_127 : memref<!tpu.dma_semaphore, #tpu.memory_space<semaphore_mem>>) src(%dma_wait3A_130 : memref<3200xi32, #tpu.memory_space<hbm>>) dst(%dma_wait3A_129 : memref<3200xi32, #tpu.memory_space<vmem>>)
    %scan3A_131 = arith.constant 0 : i32
    %scan3A_132 = arith.constant 50 : i32
    %scan3A_133 = arith.addi %scan3A_131, %scan3A_132 : i32
    %scan3A_134 = arith.constant 1 : i32
    scf.for %scan3A_447 = %scan3A_131 to %scan3A_133 step %scan3A_134  : i32 {
      %mul3A_448 = arith.constant 4 : i32
      %mul3A_449 = arith.muli %scan3A_447, %mul3A_448 : i32
      %add3A_450 = arith.constant 0 : i32
      %add3A_451 = arith.addi %mul3A_449, %add3A_450 : i32
      %mul3A_452 = arith.constant 16 : i32
      %mul3A_453 = arith.muli %add3A_451, %mul3A_452 : i32
      %add3A_454 = arith.constant 3200 : i32
      %add3A_455 = arith.addi %add3A_454, %mul3A_453 : i32
      %get3A_456 = arith.index_cast %add3A_455 : i32 to index
      %get3A_457 = tpu.vector_load %arg7[%get3A_456] {strides = array<i32>} : memref<6400xi32, #tpu.memory_space<vmem>>, vector<16xi32>,
      %gather3A_458 = tpu.vector_load_idx %arg5[%get3A_457] : memref<51200xf32, #tpu.memory_space<vmem>>[vector<16xi32>], vector<16xf32>,
      %get3A_459 = arith.index_cast %add3A_455 : i32 to index
      %get3A_460 = tpu.vector_load %arg8[%get3A_459] {strides = array<i32>} : memref<6400xi32, #tpu.memory_space<vmem>>, vector<16xi32>,
      tpu.vector_store_idx %arg6[%get3A_460], %gather3A_458 {add = true} : memref<51200xf32, #tpu.memory_space<vmem>>[vector<16xi32>], vector<16xf32>,
      %mul3A_461 = arith.constant 4 : i32
      %mul3A_462 = arith.muli %scan3A_447, %mul3A_461 : i32
      %add3A_463 = arith.constant 1 : i32
      %add3A_464 = arith.addi %mul3A_462, %add3A_463 : i32
      %mul3A_465 = arith.constant 16 : i32
      %mul3A_466 = arith.muli %add3A_464, %mul3A_465 : i32
      %add3A_467 = arith.constant 3200 : i32
      %add3A_468 = arith.addi %add3A_467, %mul3A_466 : i32
      %get3A_469 = arith.index_cast %add3A_468 : i32 to index
      %get3A_470 = tpu.vector_load %arg7[%get3A_469] {strides = array<i32>} : memref<6400xi32, #tpu.memory_space<vmem>>, vector<16xi32>,
      %gather3A_471 = tpu.vector_load_idx %arg5[%get3A_470] : memref<51200xf32, #tpu.memory_space<vmem>>[vector<16xi32>], vector<16xf32>,
      %get3A_472 = arith.index_cast %add3A_468 : i32 to index
      %get3A_473 = tpu.vector_load %arg8[%get3A_472] {strides = array<i32>} : memref<6400xi32, #tpu.memory_space<vmem>>, vector<16xi32>,
      tpu.vector_store_idx %arg6[%get3A_473], %gather3A_471 {add = true} : memref<51200xf32, #tpu.memory_space<vmem>>[vector<16xi32>], vector<16xf32>,
      %mul3A_474 = arith.constant 4 : i32
      %mul3A_475 = arith.muli %scan3A_447, %mul3A_474 : i32
      %add3A_476 = arith.constant 2 : i32
      %add3A_477 = arith.addi %mul3A_475, %add3A_476 : i32
      %mul3A_478 = arith.constant 16 : i32
      %mul3A_479 = arith.muli %add3A_477, %mul3A_478 : i32
      %add3A_480 = arith.constant 3200 : i32
      %add3A_481 = arith.addi %add3A_480, %mul3A_479 : i32
      %get3A_482 = arith.index_cast %add3A_481 : i32 to index
      %get3A_483 = tpu.vector_load %arg7[%get3A_482] {strides = array<i32>} : memref<6400xi32, #tpu.memory_space<vmem>>, vector<16xi32>,
      %gather3A_484 = tpu.vector_load_idx %arg5[%get3A_483] : memref<51200xf32, #tpu.memory_space<vmem>>[vector<16xi32>], vector<16xf32>,
      %get3A_485 = arith.index_cast %add3A_481 : i32 to index
      %get3A_486 = tpu.vector_load %arg8[%get3A_485] {strides = array<i32>} : memref<6400xi32, #tpu.memory_space<vmem>>, vector<16xi32>,
      tpu.vector_store_idx %arg6[%get3A_486], %gather3A_484 {add = true} : memref<51200xf32, #tpu.memory_space<vmem>>[vector<16xi32>], vector<16xf32>,
      %mul3A_487 = arith.constant 4 : i32
      %mul3A_488 = arith.muli %scan3A_447, %mul3A_487 : i32
      %add3A_489 = arith.constant 3 : i32
      %add3A_490 = arith.addi %mul3A_488, %add3A_489 : i32
      %mul3A_491 = arith.constant 16 : i32
      %mul3A_492 = arith.muli %add3A_490, %mul3A_491 : i32
      %add3A_493 = arith.constant 3200 : i32
      %add3A_494 = arith.addi %add3A_493, %mul3A_492 : i32
      %get3A_495 = arith.index_cast %add3A_494 : i32 to index
      %get3A_496 = tpu.vector_load %arg7[%get3A_495] {strides = array<i32>} : memref<6400xi32, #tpu.memory_space<vmem>>, vector<16xi32>,
      %gather3A_497 = tpu.vector_load_idx %arg5[%get3A_496] : memref<51200xf32, #tpu.memory_space<vmem>>[vector<16xi32>], vector<16xf32>,
      %get3A_498 = arith.index_cast %add3A_494 : i32 to index
      %get3A_499 = tpu.vector_load %arg8[%get3A_498] {strides = array<i32>} : memref<6400xi32, #tpu.memory_space<vmem>>, vector<16xi32>,
      tpu.vector_store_idx %arg6[%get3A_499], %gather3A_497 {add = true} : memref<51200xf32, #tpu.memory_space<vmem>>[vector<16xi32>], vector<16xf32>,
    }
    %scan3A_135 = arith.constant 50 : i32
    %add3A_136 = arith.constant 9600 : i32
    %add3A_137 = arith.addi %mul3A_2, %add3A_136 : i32
    %dma_start3A_138 = arith.constant 1 : i32
    %dma_start3A_139 = arith.constant 3200 : i32
    %dma_start3A_140 = tpu.memref_slice %arg7[%dma_start3A_139] : memref<6400xi32, #tpu.memory_space<vmem>> -> memref<3200xi32, #tpu.memory_space<vmem>>
    %dma_start3A_141 = tpu.memref_slice %arg2[%add3A_137] : memref<1600000xi32, #tpu.memory_space<hbm>> -> memref<3200xi32, #tpu.memory_space<hbm>>
    %dma_start3A_142 = tpu.memref_slice %arg9[%dma_start3A_138] : memref<2x!tpu.dma_semaphore, #tpu.memory_space<semaphore_mem>> -> memref<1x!tpu.dma_semaphore, #tpu.memory_space<semaphore_mem>>
    %dma_start3A_143 = tpu.memref_squeeze %dma_start3A_142 : memref<1x!tpu.dma_semaphore, #tpu.memory_space<semaphore_mem>> -> memref<!tpu.dma_semaphore, #tpu.memory_space<semaphore_mem>>
    %dma_start3A_144 = arith.constant 3200 : i32
    %dma_start3A_145 = tpu.memref_slice %arg7[%dma_start3A_144] : memref<6400xi32, #tpu.memory_space<vmem>> -> memref<3200xi32, #tpu.memory_space<vmem>>
    %dma_start3A_146 = tpu.memref_slice %arg2[%add3A_137] : memref<1600000xi32, #tpu.memory_space<hbm>> -> memref<3200xi32, #tpu.memory_space<hbm>>
    tpu.enqueue_dma source(%dma_start3A_146 : memref<3200xi32, #tpu.memory_space<hbm>>) target(%dma_start3A_145 : memref<3200xi32, #tpu.memory_space<vmem>>) target_semaphore(%dma_start3A_143 : memref<!tpu.dma_semaphore, #tpu.memory_space<semaphore_mem>>)
    %add3A_147 = arith.constant 800000 : i32
    %add3A_148 = arith.addi %add3A_147, %mul3A_2 : i32
    %add3A_149 = arith.constant 9600 : i32
    %add3A_150 = arith.addi %add3A_148, %add3A_149 : i32
    %dma_start3A_151 = arith.constant 1 : i32
    %dma_start3A_152 = arith.constant 3200 : i32
    %dma_start3A_153 = tpu.memref_slice %arg8[%dma_start3A_152] : memref<6400xi32, #tpu.memory_space<vmem>> -> memref<3200xi32, #tpu.memory_space<vmem>>
    %dma_start3A_154 = tpu.memref_slice %arg2[%add3A_150] : memref<1600000xi32, #tpu.memory_space<hbm>> -> memref<3200xi32, #tpu.memory_space<hbm>>
    %dma_start3A_155 = tpu.memref_slice %arg10[%dma_start3A_151] : memref<2x!tpu.dma_semaphore, #tpu.memory_space<semaphore_mem>> -> memref<1x!tpu.dma_semaphore, #tpu.memory_space<semaphore_mem>>
    %dma_start3A_156 = tpu.memref_squeeze %dma_start3A_155 : memref<1x!tpu.dma_semaphore, #tpu.memory_space<semaphore_mem>> -> memref<!tpu.dma_semaphore, #tpu.memory_space<semaphore_mem>>
    %dma_start3A_157 = arith.constant 3200 : i32
    %dma_start3A_158 = tpu.memref_slice %arg8[%dma_start3A_157] : memref<6400xi32, #tpu.memory_space<vmem>> -> memref<3200xi32, #tpu.memory_space<vmem>>
    %dma_start3A_159 = tpu.memref_slice %arg2[%add3A_150] : memref<1600000xi32, #tpu.memory_space<hbm>> -> memref<3200xi32, #tpu.memory_space<hbm>>
    tpu.enqueue_dma source(%dma_start3A_159 : memref<3200xi32, #tpu.memory_space<hbm>>) target(%dma_start3A_158 : memref<3200xi32, #tpu.memory_space<vmem>>) target_semaphore(%dma_start3A_156 : memref<!tpu.dma_semaphore, #tpu.memory_space<semaphore_mem>>)
    %add3A_160 = arith.constant 6400 : i32
    %add3A_161 = arith.addi %mul3A_2, %add3A_160 : i32
    %dma_wait3A_162 = arith.constant 0 : i32
    %dma_wait3A_163 = arith.constant 0 : i32
    %dma_wait3A_164 = tpu.memref_slice %arg7[%dma_wait3A_163] : memref<6400xi32, #tpu.memory_space<vmem>> -> memref<3200xi32, #tpu.memory_space<vmem>>
    %dma_wait3A_165 = tpu.memref_slice %arg2[%add3A_161] : memref<1600000xi32, #tpu.memory_space<hbm>> -> memref<3200xi32, #tpu.memory_space<hbm>>
    %dma_wait3A_166 = tpu.memref_slice %arg9[%dma_wait3A_162] : memref<2x!tpu.dma_semaphore, #tpu.memory_space<semaphore_mem>> -> memref<1x!tpu.dma_semaphore, #tpu.memory_space<semaphore_mem>>
    %dma_wait3A_167 = tpu.memref_squeeze %dma_wait3A_166 : memref<1x!tpu.dma_semaphore, #tpu.memory_space<semaphore_mem>> -> memref<!tpu.dma_semaphore, #tpu.memory_space<semaphore_mem>>
    %dma_wait3A_168 = arith.constant 0 : i32
    %dma_wait3A_169 = tpu.memref_slice %arg7[%dma_wait3A_168] : memref<6400xi32, #tpu.memory_space<vmem>> -> memref<3200xi32, #tpu.memory_space<vmem>>
    %dma_wait3A_170 = tpu.memref_slice %arg2[%add3A_161] : memref<1600000xi32, #tpu.memory_space<hbm>> -> memref<3200xi32, #tpu.memory_space<hbm>>
    tpu.wait_dma2 semaphore(%dma_wait3A_167 : memref<!tpu.dma_semaphore, #tpu.memory_space<semaphore_mem>>) src(%dma_wait3A_170 : memref<3200xi32, #tpu.memory_space<hbm>>) dst(%dma_wait3A_169 : memref<3200xi32, #tpu.memory_space<vmem>>)
    %add3A_171 = arith.constant 800000 : i32
    %add3A_172 = arith.addi %add3A_171, %mul3A_2 : i32
    %add3A_173 = arith.constant 6400 : i32
    %add3A_174 = arith.addi %add3A_172, %add3A_173 : i32
    %dma_wait3A_175 = arith.constant 0 : i32
    %dma_wait3A_176 = arith.constant 0 : i32
    %dma_wait3A_177 = tpu.memref_slice %arg8[%dma_wait3A_176] : memref<6400xi32, #tpu.memory_space<vmem>> -> memref<3200xi32, #tpu.memory_space<vmem>>
    %dma_wait3A_178 = tpu.memref_slice %arg2[%add3A_174] : memref<1600000xi32, #tpu.memory_space<hbm>> -> memref<3200xi32, #tpu.memory_space<hbm>>
    %dma_wait3A_179 = tpu.memref_slice %arg10[%dma_wait3A_175] : memref<2x!tpu.dma_semaphore, #tpu.memory_space<semaphore_mem>> -> memref<1x!tpu.dma_semaphore, #tpu.memory_space<semaphore_mem>>
    %dma_wait3A_180 = tpu.memref_squeeze %dma_wait3A_179 : memref<1x!tpu.dma_semaphore, #tpu.memory_space<semaphore_mem>> -> memref<!tpu.dma_semaphore, #tpu.memory_space<semaphore_mem>>
    %dma_wait3A_181 = arith.constant 0 : i32
    %dma_wait3A_182 = tpu.memref_slice %arg8[%dma_wait3A_181] : memref<6400xi32, #tpu.memory_space<vmem>> -> memref<3200xi32, #tpu.memory_space<vmem>>
    %dma_wait3A_183 = tpu.memref_slice %arg2[%add3A_174] : memref<1600000xi32, #tpu.memory_space<hbm>> -> memref<3200xi32, #tpu.memory_space<hbm>>
    tpu.wait_dma2 semaphore(%dma_wait3A_180 : memref<!tpu.dma_semaphore, #tpu.memory_space<semaphore_mem>>) src(%dma_wait3A_183 : memref<3200xi32, #tpu.memory_space<hbm>>) dst(%dma_wait3A_182 : memref<3200xi32, #tpu.memory_space<vmem>>)
    %scan3A_184 = arith.constant 0 : i32
    %scan3A_185 = arith.constant 50 : i32
    %scan3A_186 = arith.addi %scan3A_184, %scan3A_185 : i32
    %scan3A_187 = arith.constant 1 : i32
    scf.for %scan3A_447 = %scan3A_184 to %scan3A_186 step %scan3A_187  : i32 {
      %mul3A_448 = arith.constant 4 : i32
      %mul3A_449 = arith.muli %scan3A_447, %mul3A_448 : i32
      %add3A_450 = arith.constant 0 : i32
      %add3A_451 = arith.addi %mul3A_449, %add3A_450 : i32
      %mul3A_452 = arith.constant 16 : i32
      %mul3A_453 = arith.muli %add3A_451, %mul3A_452 : i32
      %add3A_454 = arith.constant 0 : i32
      %add3A_455 = arith.addi %add3A_454, %mul3A_453 : i32
      %get3A_456 = arith.index_cast %add3A_455 : i32 to index
      %get3A_457 = tpu.vector_load %arg7[%get3A_456] {strides = array<i32>} : memref<6400xi32, #tpu.memory_space<vmem>>, vector<16xi32>,
      %gather3A_458 = tpu.vector_load_idx %arg5[%get3A_457] : memref<51200xf32, #tpu.memory_space<vmem>>[vector<16xi32>], vector<16xf32>,
      %get3A_459 = arith.index_cast %add3A_455 : i32 to index
      %get3A_460 = tpu.vector_load %arg8[%get3A_459] {strides = array<i32>} : memref<6400xi32, #tpu.memory_space<vmem>>, vector<16xi32>,
      tpu.vector_store_idx %arg6[%get3A_460], %gather3A_458 {add = true} : memref<51200xf32, #tpu.memory_space<vmem>>[vector<16xi32>], vector<16xf32>,
      %mul3A_461 = arith.constant 4 : i32
      %mul3A_462 = arith.muli %scan3A_447, %mul3A_461 : i32
      %add3A_463 = arith.constant 1 : i32
      %add3A_464 = arith.addi %mul3A_462, %add3A_463 : i32
      %mul3A_465 = arith.constant 16 : i32
      %mul3A_466 = arith.muli %add3A_464, %mul3A_465 : i32
      %add3A_467 = arith.constant 0 : i32
      %add3A_468 = arith.addi %add3A_467, %mul3A_466 : i32
      %get3A_469 = arith.index_cast %add3A_468 : i32 to index
      %get3A_470 = tpu.vector_load %arg7[%get3A_469] {strides = array<i32>} : memref<6400xi32, #tpu.memory_space<vmem>>, vector<16xi32>,
      %gather3A_471 = tpu.vector_load_idx %arg5[%get3A_470] : memref<51200xf32, #tpu.memory_space<vmem>>[vector<16xi32>], vector<16xf32>,
      %get3A_472 = arith.index_cast %add3A_468 : i32 to index
      %get3A_473 = tpu.vector_load %arg8[%get3A_472] {strides = array<i32>} : memref<6400xi32, #tpu.memory_space<vmem>>, vector<16xi32>,
      tpu.vector_store_idx %arg6[%get3A_473], %gather3A_471 {add = true} : memref<51200xf32, #tpu.memory_space<vmem>>[vector<16xi32>], vector<16xf32>,
      %mul3A_474 = arith.constant 4 : i32
      %mul3A_475 = arith.muli %scan3A_447, %mul3A_474 : i32
      %add3A_476 = arith.constant 2 : i32
      %add3A_477 = arith.addi %mul3A_475, %add3A_476 : i32
      %mul3A_478 = arith.constant 16 : i32
      %mul3A_479 = arith.muli %add3A_477, %mul3A_478 : i32
      %add3A_480 = arith.constant 0 : i32
      %add3A_481 = arith.addi %add3A_480, %mul3A_479 : i32
      %get3A_482 = arith.index_cast %add3A_481 : i32 to index
      %get3A_483 = tpu.vector_load %arg7[%get3A_482] {strides = array<i32>} : memref<6400xi32, #tpu.memory_space<vmem>>, vector<16xi32>,
      %gather3A_484 = tpu.vector_load_idx %arg5[%get3A_483] : memref<51200xf32, #tpu.memory_space<vmem>>[vector<16xi32>], vector<16xf32>,
      %get3A_485 = arith.index_cast %add3A_481 : i32 to index
      %get3A_486 = tpu.vector_load %arg8[%get3A_485] {strides = array<i32>} : memref<6400xi32, #tpu.memory_space<vmem>>, vector<16xi32>,
      tpu.vector_store_idx %arg6[%get3A_486], %gather3A_484 {add = true} : memref<51200xf32, #tpu.memory_space<vmem>>[vector<16xi32>], vector<16xf32>,
      %mul3A_487 = arith.constant 4 : i32
      %mul3A_488 = arith.muli %scan3A_447, %mul3A_487 : i32
      %add3A_489 = arith.constant 3 : i32
      %add3A_490 = arith.addi %mul3A_488, %add3A_489 : i32
      %mul3A_491 = arith.constant 16 : i32
      %mul3A_492 = arith.muli %add3A_490, %mul3A_491 : i32
      %add3A_493 = arith.constant 0 : i32
      %add3A_494 = arith.addi %add3A_493, %mul3A_492 : i32
      %get3A_495 = arith.index_cast %add3A_494 : i32 to index
      %get3A_496 = tpu.vector_load %arg7[%get3A_495] {strides = array<i32>} : memref<6400xi32, #tpu.memory_space<vmem>>, vector<16xi32>,
      %gather3A_497 = tpu.vector_load_idx %arg5[%get3A_496] : memref<51200xf32, #tpu.memory_space<vmem>>[vector<16xi32>], vector<16xf32>,
      %get3A_498 = arith.index_cast %add3A_494 : i32 to index
      %get3A_499 = tpu.vector_load %arg8[%get3A_498] {strides = array<i32>} : memref<6400xi32, #tpu.memory_space<vmem>>, vector<16xi32>,
      tpu.vector_store_idx %arg6[%get3A_499], %gather3A_497 {add = true} : memref<51200xf32, #tpu.memory_space<vmem>>[vector<16xi32>], vector<16xf32>,
    }
    %scan3A_188 = arith.constant 50 : i32
    %add3A_189 = arith.constant 12800 : i32
    %add3A_190 = arith.addi %mul3A_2, %add3A_189 : i32
    %dma_start3A_191 = arith.constant 0 : i32
    %dma_start3A_192 = arith.constant 0 : i32
    %dma_start3A_193 = tpu.memref_slice %arg7[%dma_start3A_192] : memref<6400xi32, #tpu.memory_space<vmem>> -> memref<3200xi32, #tpu.memory_space<vmem>>
    %dma_start3A_194 = tpu.memref_slice %arg2[%add3A_190] : memref<1600000xi32, #tpu.memory_space<hbm>> -> memref<3200xi32, #tpu.memory_space<hbm>>
    %dma_start3A_195 = tpu.memref_slice %arg9[%dma_start3A_191] : memref<2x!tpu.dma_semaphore, #tpu.memory_space<semaphore_mem>> -> memref<1x!tpu.dma_semaphore, #tpu.memory_space<semaphore_mem>>
    %dma_start3A_196 = tpu.memref_squeeze %dma_start3A_195 : memref<1x!tpu.dma_semaphore, #tpu.memory_space<semaphore_mem>> -> memref<!tpu.dma_semaphore, #tpu.memory_space<semaphore_mem>>
    %dma_start3A_197 = arith.constant 0 : i32
    %dma_start3A_198 = tpu.memref_slice %arg7[%dma_start3A_197] : memref<6400xi32, #tpu.memory_space<vmem>> -> memref<3200xi32, #tpu.memory_space<vmem>>
    %dma_start3A_199 = tpu.memref_slice %arg2[%add3A_190] : memref<1600000xi32, #tpu.memory_space<hbm>> -> memref<3200xi32, #tpu.memory_space<hbm>>
    tpu.enqueue_dma source(%dma_start3A_199 : memref<3200xi32, #tpu.memory_space<hbm>>) target(%dma_start3A_198 : memref<3200xi32, #tpu.memory_space<vmem>>) target_semaphore(%dma_start3A_196 : memref<!tpu.dma_semaphore, #tpu.memory_space<semaphore_mem>>)
    %add3A_200 = arith.constant 800000 : i32
    %add3A_201 = arith.addi %add3A_200, %mul3A_2 : i32
    %add3A_202 = arith.constant 12800 : i32
    %add3A_203 = arith.addi %add3A_201, %add3A_202 : i32
    %dma_start3A_204 = arith.constant 0 : i32
    %dma_start3A_205 = arith.constant 0 : i32
    %dma_start3A_206 = tpu.memref_slice %arg8[%dma_start3A_205] : memref<6400xi32, #tpu.memory_space<vmem>> -> memref<3200xi32, #tpu.memory_space<vmem>>
    %dma_start3A_207 = tpu.memref_slice %arg2[%add3A_203] : memref<1600000xi32, #tpu.memory_space<hbm>> -> memref<3200xi32, #tpu.memory_space<hbm>>
    %dma_start3A_208 = tpu.memref_slice %arg10[%dma_start3A_204] : memref<2x!tpu.dma_semaphore, #tpu.memory_space<semaphore_mem>> -> memref<1x!tpu.dma_semaphore, #tpu.memory_space<semaphore_mem>>
    %dma_start3A_209 = tpu.memref_squeeze %dma_start3A_208 : memref<1x!tpu.dma_semaphore, #tpu.memory_space<semaphore_mem>> -> memref<!tpu.dma_semaphore, #tpu.memory_space<semaphore_mem>>
    %dma_start3A_210 = arith.constant 0 : i32
    %dma_start3A_211 = tpu.memref_slice %arg8[%dma_start3A_210] : memref<6400xi32, #tpu.memory_space<vmem>> -> memref<3200xi32, #tpu.memory_space<vmem>>
    %dma_start3A_212 = tpu.memref_slice %arg2[%add3A_203] : memref<1600000xi32, #tpu.memory_space<hbm>> -> memref<3200xi32, #tpu.memory_space<hbm>>
    tpu.enqueue_dma source(%dma_start3A_212 : memref<3200xi32, #tpu.memory_space<hbm>>) target(%dma_start3A_211 : memref<3200xi32, #tpu.memory_space<vmem>>) target_semaphore(%dma_start3A_209 : memref<!tpu.dma_semaphore, #tpu.memory_space<semaphore_mem>>)
    %add3A_213 = arith.constant 9600 : i32
    %add3A_214 = arith.addi %mul3A_2, %add3A_213 : i32
    %dma_wait3A_215 = arith.constant 1 : i32
    %dma_wait3A_216 = arith.constant 3200 : i32
    %dma_wait3A_217 = tpu.memref_slice %arg7[%dma_wait3A_216] : memref<6400xi32, #tpu.memory_space<vmem>> -> memref<3200xi32, #tpu.memory_space<vmem>>
    %dma_wait3A_218 = tpu.memref_slice %arg2[%add3A_214] : memref<1600000xi32, #tpu.memory_space<hbm>> -> memref<3200xi32, #tpu.memory_space<hbm>>
    %dma_wait3A_219 = tpu.memref_slice %arg9[%dma_wait3A_215] : memref<2x!tpu.dma_semaphore, #tpu.memory_space<semaphore_mem>> -> memref<1x!tpu.dma_semaphore, #tpu.memory_space<semaphore_mem>>
    %dma_wait3A_220 = tpu.memref_squeeze %dma_wait3A_219 : memref<1x!tpu.dma_semaphore, #tpu.memory_space<semaphore_mem>> -> memref<!tpu.dma_semaphore, #tpu.memory_space<semaphore_mem>>
    %dma_wait3A_221 = arith.constant 3200 : i32
    %dma_wait3A_222 = tpu.memref_slice %arg7[%dma_wait3A_221] : memref<6400xi32, #tpu.memory_space<vmem>> -> memref<3200xi32, #tpu.memory_space<vmem>>
    %dma_wait3A_223 = tpu.memref_slice %arg2[%add3A_214] : memref<1600000xi32, #tpu.memory_space<hbm>> -> memref<3200xi32, #tpu.memory_space<hbm>>
    tpu.wait_dma2 semaphore(%dma_wait3A_220 : memref<!tpu.dma_semaphore, #tpu.memory_space<semaphore_mem>>) src(%dma_wait3A_223 : memref<3200xi32, #tpu.memory_space<hbm>>) dst(%dma_wait3A_222 : memref<3200xi32, #tpu.memory_space<vmem>>)
    %add3A_224 = arith.constant 800000 : i32
    %add3A_225 = arith.addi %add3A_224, %mul3A_2 : i32
    %add3A_226 = arith.constant 9600 : i32
    %add3A_227 = arith.addi %add3A_225, %add3A_226 : i32
    %dma_wait3A_228 = arith.constant 1 : i32
    %dma_wait3A_229 = arith.constant 3200 : i32
    %dma_wait3A_230 = tpu.memref_slice %arg8[%dma_wait3A_229] : memref<6400xi32, #tpu.memory_space<vmem>> -> memref<3200xi32, #tpu.memory_space<vmem>>
    %dma_wait3A_231 = tpu.memref_slice %arg2[%add3A_227] : memref<1600000xi32, #tpu.memory_space<hbm>> -> memref<3200xi32, #tpu.memory_space<hbm>>
    %dma_wait3A_232 = tpu.memref_slice %arg10[%dma_wait3A_228] : memref<2x!tpu.dma_semaphore, #tpu.memory_space<semaphore_mem>> -> memref<1x!tpu.dma_semaphore, #tpu.memory_space<semaphore_mem>>
    %dma_wait3A_233 = tpu.memref_squeeze %dma_wait3A_232 : memref<1x!tpu.dma_semaphore, #tpu.memory_space<semaphore_mem>> -> memref<!tpu.dma_semaphore, #tpu.memory_space<semaphore_mem>>
    %dma_wait3A_234 = arith.constant 3200 : i32
    %dma_wait3A_235 = tpu.memref_slice %arg8[%dma_wait3A_234] : memref<6400xi32, #tpu.memory_space<vmem>> -> memref<3200xi32, #tpu.memory_space<vmem>>
    %dma_wait3A_236 = tpu.memref_slice %arg2[%add3A_227] : memref<1600000xi32, #tpu.memory_space<hbm>> -> memref<3200xi32, #tpu.memory_space<hbm>>
    tpu.wait_dma2 semaphore(%dma_wait3A_233 : memref<!tpu.dma_semaphore, #tpu.memory_space<semaphore_mem>>) src(%dma_wait3A_236 : memref<3200xi32, #tpu.memory_space<hbm>>) dst(%dma_wait3A_235 : memref<3200xi32, #tpu.memory_space<vmem>>)
    %scan3A_237 = arith.constant 0 : i32
    %scan3A_238 = arith.constant 50 : i32
    %scan3A_239 = arith.addi %scan3A_237, %scan3A_238 : i32
    %scan3A_240 = arith.constant 1 : i32
    scf.for %scan3A_447 = %scan3A_237 to %scan3A_239 step %scan3A_240  : i32 {
      %mul3A_448 = arith.constant 4 : i32
      %mul3A_449 = arith.muli %scan3A_447, %mul3A_448 : i32
      %add3A_450 = arith.constant 0 : i32
      %add3A_451 = arith.addi %mul3A_449, %add3A_450 : i32
      %mul3A_452 = arith.constant 16 : i32
      %mul3A_453 = arith.muli %add3A_451, %mul3A_452 : i32
      %add3A_454 = arith.constant 3200 : i32
      %add3A_455 = arith.addi %add3A_454, %mul3A_453 : i32
      %get3A_456 = arith.index_cast %add3A_455 : i32 to index
      %get3A_457 = tpu.vector_load %arg7[%get3A_456] {strides = array<i32>} : memref<6400xi32, #tpu.memory_space<vmem>>, vector<16xi32>,
      %gather3A_458 = tpu.vector_load_idx %arg5[%get3A_457] : memref<51200xf32, #tpu.memory_space<vmem>>[vector<16xi32>], vector<16xf32>,
      %get3A_459 = arith.index_cast %add3A_455 : i32 to index
      %get3A_460 = tpu.vector_load %arg8[%get3A_459] {strides = array<i32>} : memref<6400xi32, #tpu.memory_space<vmem>>, vector<16xi32>,
      tpu.vector_store_idx %arg6[%get3A_460], %gather3A_458 {add = true} : memref<51200xf32, #tpu.memory_space<vmem>>[vector<16xi32>], vector<16xf32>,
      %mul3A_461 = arith.constant 4 : i32
      %mul3A_462 = arith.muli %scan3A_447, %mul3A_461 : i32
      %add3A_463 = arith.constant 1 : i32
      %add3A_464 = arith.addi %mul3A_462, %add3A_463 : i32
      %mul3A_465 = arith.constant 16 : i32
      %mul3A_466 = arith.muli %add3A_464, %mul3A_465 : i32
      %add3A_467 = arith.constant 3200 : i32
      %add3A_468 = arith.addi %add3A_467, %mul3A_466 : i32
      %get3A_469 = arith.index_cast %add3A_468 : i32 to index
      %get3A_470 = tpu.vector_load %arg7[%get3A_469] {strides = array<i32>} : memref<6400xi32, #tpu.memory_space<vmem>>, vector<16xi32>,
      %gather3A_471 = tpu.vector_load_idx %arg5[%get3A_470] : memref<51200xf32, #tpu.memory_space<vmem>>[vector<16xi32>], vector<16xf32>,
      %get3A_472 = arith.index_cast %add3A_468 : i32 to index
      %get3A_473 = tpu.vector_load %arg8[%get3A_472] {strides = array<i32>} : memref<6400xi32, #tpu.memory_space<vmem>>, vector<16xi32>,
      tpu.vector_store_idx %arg6[%get3A_473], %gather3A_471 {add = true} : memref<51200xf32, #tpu.memory_space<vmem>>[vector<16xi32>], vector<16xf32>,
      %mul3A_474 = arith.constant 4 : i32
      %mul3A_475 = arith.muli %scan3A_447, %mul3A_474 : i32
      %add3A_476 = arith.constant 2 : i32
      %add3A_477 = arith.addi %mul3A_475, %add3A_476 : i32
      %mul3A_478 = arith.constant 16 : i32
      %mul3A_479 = arith.muli %add3A_477, %mul3A_478 : i32
      %add3A_480 = arith.constant 3200 : i32
      %add3A_481 = arith.addi %add3A_480, %mul3A_479 : i32
      %get3A_482 = arith.index_cast %add3A_481 : i32 to index
      %get3A_483 = tpu.vector_load %arg7[%get3A_482] {strides = array<i32>} : memref<6400xi32, #tpu.memory_space<vmem>>, vector<16xi32>,
      %gather3A_484 = tpu.vector_load_idx %arg5[%get3A_483] : memref<51200xf32, #tpu.memory_space<vmem>>[vector<16xi32>], vector<16xf32>,
      %get3A_485 = arith.index_cast %add3A_481 : i32 to index
      %get3A_486 = tpu.vector_load %arg8[%get3A_485] {strides = array<i32>} : memref<6400xi32, #tpu.memory_space<vmem>>, vector<16xi32>,
      tpu.vector_store_idx %arg6[%get3A_486], %gather3A_484 {add = true} : memref<51200xf32, #tpu.memory_space<vmem>>[vector<16xi32>], vector<16xf32>,
      %mul3A_487 = arith.constant 4 : i32
      %mul3A_488 = arith.muli %scan3A_447, %mul3A_487 : i32
      %add3A_489 = arith.constant 3 : i32
      %add3A_490 = arith.addi %mul3A_488, %add3A_489 : i32
      %mul3A_491 = arith.constant 16 : i32
      %mul3A_492 = arith.muli %add3A_490, %mul3A_491 : i32
      %add3A_493 = arith.constant 3200 : i32
      %add3A_494 = arith.addi %add3A_493, %mul3A_492 : i32
      %get3A_495 = arith.index_cast %add3A_494 : i32 to index
      %get3A_496 = tpu.vector_load %arg7[%get3A_495] {strides = array<i32>} : memref<6400xi32, #tpu.memory_space<vmem>>, vector<16xi32>,
      %gather3A_497 = tpu.vector_load_idx %arg5[%get3A_496] : memref<51200xf32, #tpu.memory_space<vmem>>[vector<16xi32>], vector<16xf32>,
      %get3A_498 = arith.index_cast %add3A_494 : i32 to index
      %get3A_499 = tpu.vector_load %arg8[%get3A_498] {strides = array<i32>} : memref<6400xi32, #tpu.memory_space<vmem>>, vector<16xi32>,
      tpu.vector_store_idx %arg6[%get3A_499], %gather3A_497 {add = true} : memref<51200xf32, #tpu.memory_space<vmem>>[vector<16xi32>], vector<16xf32>,
    }
    %scan3A_241 = arith.constant 50 : i32
    %add3A_242 = arith.constant 16000 : i32
    %add3A_243 = arith.addi %mul3A_2, %add3A_242 : i32
    %dma_start3A_244 = arith.constant 1 : i32
    %dma_start3A_245 = arith.constant 3200 : i32
    %dma_start3A_246 = tpu.memref_slice %arg7[%dma_start3A_245] : memref<6400xi32, #tpu.memory_space<vmem>> -> memref<3200xi32, #tpu.memory_space<vmem>>
    %dma_start3A_247 = tpu.memref_slice %arg2[%add3A_243] : memref<1600000xi32, #tpu.memory_space<hbm>> -> memref<3200xi32, #tpu.memory_space<hbm>>
    %dma_start3A_248 = tpu.memref_slice %arg9[%dma_start3A_244] : memref<2x!tpu.dma_semaphore, #tpu.memory_space<semaphore_mem>> -> memref<1x!tpu.dma_semaphore, #tpu.memory_space<semaphore_mem>>
    %dma_start3A_249 = tpu.memref_squeeze %dma_start3A_248 : memref<1x!tpu.dma_semaphore, #tpu.memory_space<semaphore_mem>> -> memref<!tpu.dma_semaphore, #tpu.memory_space<semaphore_mem>>
    %dma_start3A_250 = arith.constant 3200 : i32
    %dma_start3A_251 = tpu.memref_slice %arg7[%dma_start3A_250] : memref<6400xi32, #tpu.memory_space<vmem>> -> memref<3200xi32, #tpu.memory_space<vmem>>
    %dma_start3A_252 = tpu.memref_slice %arg2[%add3A_243] : memref<1600000xi32, #tpu.memory_space<hbm>> -> memref<3200xi32, #tpu.memory_space<hbm>>
    tpu.enqueue_dma source(%dma_start3A_252 : memref<3200xi32, #tpu.memory_space<hbm>>) target(%dma_start3A_251 : memref<3200xi32, #tpu.memory_space<vmem>>) target_semaphore(%dma_start3A_249 : memref<!tpu.dma_semaphore, #tpu.memory_space<semaphore_mem>>)
    %add3A_253 = arith.constant 800000 : i32
    %add3A_254 = arith.addi %add3A_253, %mul3A_2 : i32
    %add3A_255 = arith.constant 16000 : i32
    %add3A_256 = arith.addi %add3A_254, %add3A_255 : i32
    %dma_start3A_257 = arith.constant 1 : i32
    %dma_start3A_258 = arith.constant 3200 : i32
    %dma_start3A_259 = tpu.memref_slice %arg8[%dma_start3A_258] : memref<6400xi32, #tpu.memory_space<vmem>> -> memref<3200xi32, #tpu.memory_space<vmem>>
    %dma_start3A_260 = tpu.memref_slice %arg2[%add3A_256] : memref<1600000xi32, #tpu.memory_space<hbm>> -> memref<3200xi32, #tpu.memory_space<hbm>>
    %dma_start3A_261 = tpu.memref_slice %arg10[%dma_start3A_257] : memref<2x!tpu.dma_semaphore, #tpu.memory_space<semaphore_mem>> -> memref<1x!tpu.dma_semaphore, #tpu.memory_space<semaphore_mem>>
    %dma_start3A_262 = tpu.memref_squeeze %dma_start3A_261 : memref<1x!tpu.dma_semaphore, #tpu.memory_space<semaphore_mem>> -> memref<!tpu.dma_semaphore, #tpu.memory_space<semaphore_mem>>
    %dma_start3A_263 = arith.constant 3200 : i32
    %dma_start3A_264 = tpu.memref_slice %arg8[%dma_start3A_263] : memref<6400xi32, #tpu.memory_space<vmem>> -> memref<3200xi32, #tpu.memory_space<vmem>>
    %dma_start3A_265 = tpu.memref_slice %arg2[%add3A_256] : memref<1600000xi32, #tpu.memory_space<hbm>> -> memref<3200xi32, #tpu.memory_space<hbm>>
    tpu.enqueue_dma source(%dma_start3A_265 : memref<3200xi32, #tpu.memory_space<hbm>>) target(%dma_start3A_264 : memref<3200xi32, #tpu.memory_space<vmem>>) target_semaphore(%dma_start3A_262 : memref<!tpu.dma_semaphore, #tpu.memory_space<semaphore_mem>>)
    %add3A_266 = arith.constant 12800 : i32
    %add3A_267 = arith.addi %mul3A_2, %add3A_266 : i32
    %dma_wait3A_268 = arith.constant 0 : i32
    %dma_wait3A_269 = arith.constant 0 : i32
    %dma_wait3A_270 = tpu.memref_slice %arg7[%dma_wait3A_269] : memref<6400xi32, #tpu.memory_space<vmem>> -> memref<3200xi32, #tpu.memory_space<vmem>>
    %dma_wait3A_271 = tpu.memref_slice %arg2[%add3A_267] : memref<1600000xi32, #tpu.memory_space<hbm>> -> memref<3200xi32, #tpu.memory_space<hbm>>
    %dma_wait3A_272 = tpu.memref_slice %arg9[%dma_wait3A_268] : memref<2x!tpu.dma_semaphore, #tpu.memory_space<semaphore_mem>> -> memref<1x!tpu.dma_semaphore, #tpu.memory_space<semaphore_mem>>
    %dma_wait3A_273 = tpu.memref_squeeze %dma_wait3A_272 : memref<1x!tpu.dma_semaphore, #tpu.memory_space<semaphore_mem>> -> memref<!tpu.dma_semaphore, #tpu.memory_space<semaphore_mem>>
    %dma_wait3A_274 = arith.constant 0 : i32
    %dma_wait3A_275 = tpu.memref_slice %arg7[%dma_wait3A_274] : memref<6400xi32, #tpu.memory_space<vmem>> -> memref<3200xi32, #tpu.memory_space<vmem>>
    %dma_wait3A_276 = tpu.memref_slice %arg2[%add3A_267] : memref<1600000xi32, #tpu.memory_space<hbm>> -> memref<3200xi32, #tpu.memory_space<hbm>>
    tpu.wait_dma2 semaphore(%dma_wait3A_273 : memref<!tpu.dma_semaphore, #tpu.memory_space<semaphore_mem>>) src(%dma_wait3A_276 : memref<3200xi32, #tpu.memory_space<hbm>>) dst(%dma_wait3A_275 : memref<3200xi32, #tpu.memory_space<vmem>>)
    %add3A_277 = arith.constant 800000 : i32
    %add3A_278 = arith.addi %add3A_277, %mul3A_2 : i32
    %add3A_279 = arith.constant 12800 : i32
    %add3A_280 = arith.addi %add3A_278, %add3A_279 : i32
    %dma_wait3A_281 = arith.constant 0 : i32
    %dma_wait3A_282 = arith.constant 0 : i32
    %dma_wait3A_283 = tpu.memref_slice %arg8[%dma_wait3A_282] : memref<6400xi32, #tpu.memory_space<vmem>> -> memref<3200xi32, #tpu.memory_space<vmem>>
    %dma_wait3A_284 = tpu.memref_slice %arg2[%add3A_280] : memref<1600000xi32, #tpu.memory_space<hbm>> -> memref<3200xi32, #tpu.memory_space<hbm>>
    %dma_wait3A_285 = tpu.memref_slice %arg10[%dma_wait3A_281] : memref<2x!tpu.dma_semaphore, #tpu.memory_space<semaphore_mem>> -> memref<1x!tpu.dma_semaphore, #tpu.memory_space<semaphore_mem>>
    %dma_wait3A_286 = tpu.memref_squeeze %dma_wait3A_285 : memref<1x!tpu.dma_semaphore, #tpu.memory_space<semaphore_mem>> -> memref<!tpu.dma_semaphore, #tpu.memory_space<semaphore_mem>>
    %dma_wait3A_287 = arith.constant 0 : i32
    %dma_wait3A_288 = tpu.memref_slice %arg8[%dma_wait3A_287] : memref<6400xi32, #tpu.memory_space<vmem>> -> memref<3200xi32, #tpu.memory_space<vmem>>
    %dma_wait3A_289 = tpu.memref_slice %arg2[%add3A_280] : memref<1600000xi32, #tpu.memory_space<hbm>> -> memref<3200xi32, #tpu.memory_space<hbm>>
    tpu.wait_dma2 semaphore(%dma_wait3A_286 : memref<!tpu.dma_semaphore, #tpu.memory_space<semaphore_mem>>) src(%dma_wait3A_289 : memref<3200xi32, #tpu.memory_space<hbm>>) dst(%dma_wait3A_288 : memref<3200xi32, #tpu.memory_space<vmem>>)
    %scan3A_290 = arith.constant 0 : i32
    %scan3A_291 = arith.constant 50 : i32
    %scan3A_292 = arith.addi %scan3A_290, %scan3A_291 : i32
    %scan3A_293 = arith.constant 1 : i32
    scf.for %scan3A_447 = %scan3A_290 to %scan3A_292 step %scan3A_293  : i32 {
      %mul3A_448 = arith.constant 4 : i32
      %mul3A_449 = arith.muli %scan3A_447, %mul3A_448 : i32
      %add3A_450 = arith.constant 0 : i32
      %add3A_451 = arith.addi %mul3A_449, %add3A_450 : i32
      %mul3A_452 = arith.constant 16 : i32
      %mul3A_453 = arith.muli %add3A_451, %mul3A_452 : i32
      %add3A_454 = arith.constant 0 : i32
      %add3A_455 = arith.addi %add3A_454, %mul3A_453 : i32
      %get3A_456 = arith.index_cast %add3A_455 : i32 to index
      %get3A_457 = tpu.vector_load %arg7[%get3A_456] {strides = array<i32>} : memref<6400xi32, #tpu.memory_space<vmem>>, vector<16xi32>,
      %gather3A_458 = tpu.vector_load_idx %arg5[%get3A_457] : memref<51200xf32, #tpu.memory_space<vmem>>[vector<16xi32>], vector<16xf32>,
      %get3A_459 = arith.index_cast %add3A_455 : i32 to index
      %get3A_460 = tpu.vector_load %arg8[%get3A_459] {strides = array<i32>} : memref<6400xi32, #tpu.memory_space<vmem>>, vector<16xi32>,
      tpu.vector_store_idx %arg6[%get3A_460], %gather3A_458 {add = true} : memref<51200xf32, #tpu.memory_space<vmem>>[vector<16xi32>], vector<16xf32>,
      %mul3A_461 = arith.constant 4 : i32
      %mul3A_462 = arith.muli %scan3A_447, %mul3A_461 : i32
      %add3A_463 = arith.constant 1 : i32
      %add3A_464 = arith.addi %mul3A_462, %add3A_463 : i32
      %mul3A_465 = arith.constant 16 : i32
      %mul3A_466 = arith.muli %add3A_464, %mul3A_465 : i32
      %add3A_467 = arith.constant 0 : i32
      %add3A_468 = arith.addi %add3A_467, %mul3A_466 : i32
      %get3A_469 = arith.index_cast %add3A_468 : i32 to index
      %get3A_470 = tpu.vector_load %arg7[%get3A_469] {strides = array<i32>} : memref<6400xi32, #tpu.memory_space<vmem>>, vector<16xi32>,
      %gather3A_471 = tpu.vector_load_idx %arg5[%get3A_470] : memref<51200xf32, #tpu.memory_space<vmem>>[vector<16xi32>], vector<16xf32>,
      %get3A_472 = arith.index_cast %add3A_468 : i32 to index
      %get3A_473 = tpu.vector_load %arg8[%get3A_472] {strides = array<i32>} : memref<6400xi32, #tpu.memory_space<vmem>>, vector<16xi32>,
      tpu.vector_store_idx %arg6[%get3A_473], %gather3A_471 {add = true} : memref<51200xf32, #tpu.memory_space<vmem>>[vector<16xi32>], vector<16xf32>,
      %mul3A_474 = arith.constant 4 : i32
      %mul3A_475 = arith.muli %scan3A_447, %mul3A_474 : i32
      %add3A_476 = arith.constant 2 : i32
      %add3A_477 = arith.addi %mul3A_475, %add3A_476 : i32
      %mul3A_478 = arith.constant 16 : i32
      %mul3A_479 = arith.muli %add3A_477, %mul3A_478 : i32
      %add3A_480 = arith.constant 0 : i32
      %add3A_481 = arith.addi %add3A_480, %mul3A_479 : i32
      %get3A_482 = arith.index_cast %add3A_481 : i32 to index
      %get3A_483 = tpu.vector_load %arg7[%get3A_482] {strides = array<i32>} : memref<6400xi32, #tpu.memory_space<vmem>>, vector<16xi32>,
      %gather3A_484 = tpu.vector_load_idx %arg5[%get3A_483] : memref<51200xf32, #tpu.memory_space<vmem>>[vector<16xi32>], vector<16xf32>,
      %get3A_485 = arith.index_cast %add3A_481 : i32 to index
      %get3A_486 = tpu.vector_load %arg8[%get3A_485] {strides = array<i32>} : memref<6400xi32, #tpu.memory_space<vmem>>, vector<16xi32>,
      tpu.vector_store_idx %arg6[%get3A_486], %gather3A_484 {add = true} : memref<51200xf32, #tpu.memory_space<vmem>>[vector<16xi32>], vector<16xf32>,
      %mul3A_487 = arith.constant 4 : i32
      %mul3A_488 = arith.muli %scan3A_447, %mul3A_487 : i32
      %add3A_489 = arith.constant 3 : i32
      %add3A_490 = arith.addi %mul3A_488, %add3A_489 : i32
      %mul3A_491 = arith.constant 16 : i32
      %mul3A_492 = arith.muli %add3A_490, %mul3A_491 : i32
      %add3A_493 = arith.constant 0 : i32
      %add3A_494 = arith.addi %add3A_493, %mul3A_492 : i32
      %get3A_495 = arith.index_cast %add3A_494 : i32 to index
      %get3A_496 = tpu.vector_load %arg7[%get3A_495] {strides = array<i32>} : memref<6400xi32, #tpu.memory_space<vmem>>, vector<16xi32>,
      %gather3A_497 = tpu.vector_load_idx %arg5[%get3A_496] : memref<51200xf32, #tpu.memory_space<vmem>>[vector<16xi32>], vector<16xf32>,
      %get3A_498 = arith.index_cast %add3A_494 : i32 to index
      %get3A_499 = tpu.vector_load %arg8[%get3A_498] {strides = array<i32>} : memref<6400xi32, #tpu.memory_space<vmem>>, vector<16xi32>,
      tpu.vector_store_idx %arg6[%get3A_499], %gather3A_497 {add = true} : memref<51200xf32, #tpu.memory_space<vmem>>[vector<16xi32>], vector<16xf32>,
    }
    %scan3A_294 = arith.constant 50 : i32
    %add3A_295 = arith.constant 19200 : i32
    %add3A_296 = arith.addi %mul3A_2, %add3A_295 : i32
    %dma_start3A_297 = arith.constant 0 : i32
    %dma_start3A_298 = arith.constant 0 : i32
    %dma_start3A_299 = tpu.memref_slice %arg7[%dma_start3A_298] : memref<6400xi32, #tpu.memory_space<vmem>> -> memref<3200xi32, #tpu.memory_space<vmem>>
    %dma_start3A_300 = tpu.memref_slice %arg2[%add3A_296] : memref<1600000xi32, #tpu.memory_space<hbm>> -> memref<3200xi32, #tpu.memory_space<hbm>>
    %dma_start3A_301 = tpu.memref_slice %arg9[%dma_start3A_297] : memref<2x!tpu.dma_semaphore, #tpu.memory_space<semaphore_mem>> -> memref<1x!tpu.dma_semaphore, #tpu.memory_space<semaphore_mem>>
    %dma_start3A_302 = tpu.memref_squeeze %dma_start3A_301 : memref<1x!tpu.dma_semaphore, #tpu.memory_space<semaphore_mem>> -> memref<!tpu.dma_semaphore, #tpu.memory_space<semaphore_mem>>
    %dma_start3A_303 = arith.constant 0 : i32
    %dma_start3A_304 = tpu.memref_slice %arg7[%dma_start3A_303] : memref<6400xi32, #tpu.memory_space<vmem>> -> memref<3200xi32, #tpu.memory_space<vmem>>
    %dma_start3A_305 = tpu.memref_slice %arg2[%add3A_296] : memref<1600000xi32, #tpu.memory_space<hbm>> -> memref<3200xi32, #tpu.memory_space<hbm>>
    tpu.enqueue_dma source(%dma_start3A_305 : memref<3200xi32, #tpu.memory_space<hbm>>) target(%dma_start3A_304 : memref<3200xi32, #tpu.memory_space<vmem>>) target_semaphore(%dma_start3A_302 : memref<!tpu.dma_semaphore, #tpu.memory_space<semaphore_mem>>)
    %add3A_306 = arith.constant 800000 : i32
    %add3A_307 = arith.addi %add3A_306, %mul3A_2 : i32
    %add3A_308 = arith.constant 19200 : i32
    %add3A_309 = arith.addi %add3A_307, %add3A_308 : i32
    %dma_start3A_310 = arith.constant 0 : i32
    %dma_start3A_311 = arith.constant 0 : i32
    %dma_start3A_312 = tpu.memref_slice %arg8[%dma_start3A_311] : memref<6400xi32, #tpu.memory_space<vmem>> -> memref<3200xi32, #tpu.memory_space<vmem>>
    %dma_start3A_313 = tpu.memref_slice %arg2[%add3A_309] : memref<1600000xi32, #tpu.memory_space<hbm>> -> memref<3200xi32, #tpu.memory_space<hbm>>
    %dma_start3A_314 = tpu.memref_slice %arg10[%dma_start3A_310] : memref<2x!tpu.dma_semaphore, #tpu.memory_space<semaphore_mem>> -> memref<1x!tpu.dma_semaphore, #tpu.memory_space<semaphore_mem>>
    %dma_start3A_315 = tpu.memref_squeeze %dma_start3A_314 : memref<1x!tpu.dma_semaphore, #tpu.memory_space<semaphore_mem>> -> memref<!tpu.dma_semaphore, #tpu.memory_space<semaphore_mem>>
    %dma_start3A_316 = arith.constant 0 : i32
    %dma_start3A_317 = tpu.memref_slice %arg8[%dma_start3A_316] : memref<6400xi32, #tpu.memory_space<vmem>> -> memref<3200xi32, #tpu.memory_space<vmem>>
    %dma_start3A_318 = tpu.memref_slice %arg2[%add3A_309] : memref<1600000xi32, #tpu.memory_space<hbm>> -> memref<3200xi32, #tpu.memory_space<hbm>>
    tpu.enqueue_dma source(%dma_start3A_318 : memref<3200xi32, #tpu.memory_space<hbm>>) target(%dma_start3A_317 : memref<3200xi32, #tpu.memory_space<vmem>>) target_semaphore(%dma_start3A_315 : memref<!tpu.dma_semaphore, #tpu.memory_space<semaphore_mem>>)
    %add3A_319 = arith.constant 16000 : i32
    %add3A_320 = arith.addi %mul3A_2, %add3A_319 : i32
    %dma_wait3A_321 = arith.constant 1 : i32
    %dma_wait3A_322 = arith.constant 3200 : i32
    %dma_wait3A_323 = tpu.memref_slice %arg7[%dma_wait3A_322] : memref<6400xi32, #tpu.memory_space<vmem>> -> memref<3200xi32, #tpu.memory_space<vmem>>
    %dma_wait3A_324 = tpu.memref_slice %arg2[%add3A_320] : memref<1600000xi32, #tpu.memory_space<hbm>> -> memref<3200xi32, #tpu.memory_space<hbm>>
    %dma_wait3A_325 = tpu.memref_slice %arg9[%dma_wait3A_321] : memref<2x!tpu.dma_semaphore, #tpu.memory_space<semaphore_mem>> -> memref<1x!tpu.dma_semaphore, #tpu.memory_space<semaphore_mem>>
    %dma_wait3A_326 = tpu.memref_squeeze %dma_wait3A_325 : memref<1x!tpu.dma_semaphore, #tpu.memory_space<semaphore_mem>> -> memref<!tpu.dma_semaphore, #tpu.memory_space<semaphore_mem>>
    %dma_wait3A_327 = arith.constant 3200 : i32
    %dma_wait3A_328 = tpu.memref_slice %arg7[%dma_wait3A_327] : memref<6400xi32, #tpu.memory_space<vmem>> -> memref<3200xi32, #tpu.memory_space<vmem>>
    %dma_wait3A_329 = tpu.memref_slice %arg2[%add3A_320] : memref<1600000xi32, #tpu.memory_space<hbm>> -> memref<3200xi32, #tpu.memory_space<hbm>>
    tpu.wait_dma2 semaphore(%dma_wait3A_326 : memref<!tpu.dma_semaphore, #tpu.memory_space<semaphore_mem>>) src(%dma_wait3A_329 : memref<3200xi32, #tpu.memory_space<hbm>>) dst(%dma_wait3A_328 : memref<3200xi32, #tpu.memory_space<vmem>>)
    %add3A_330 = arith.constant 800000 : i32
    %add3A_331 = arith.addi %add3A_330, %mul3A_2 : i32
    %add3A_332 = arith.constant 16000 : i32
    %add3A_333 = arith.addi %add3A_331, %add3A_332 : i32
    %dma_wait3A_334 = arith.constant 1 : i32
    %dma_wait3A_335 = arith.constant 3200 : i32
    %dma_wait3A_336 = tpu.memref_slice %arg8[%dma_wait3A_335] : memref<6400xi32, #tpu.memory_space<vmem>> -> memref<3200xi32, #tpu.memory_space<vmem>>
    %dma_wait3A_337 = tpu.memref_slice %arg2[%add3A_333] : memref<1600000xi32, #tpu.memory_space<hbm>> -> memref<3200xi32, #tpu.memory_space<hbm>>
    %dma_wait3A_338 = tpu.memref_slice %arg10[%dma_wait3A_334] : memref<2x!tpu.dma_semaphore, #tpu.memory_space<semaphore_mem>> -> memref<1x!tpu.dma_semaphore, #tpu.memory_space<semaphore_mem>>
    %dma_wait3A_339 = tpu.memref_squeeze %dma_wait3A_338 : memref<1x!tpu.dma_semaphore, #tpu.memory_space<semaphore_mem>> -> memref<!tpu.dma_semaphore, #tpu.memory_space<semaphore_mem>>
    %dma_wait3A_340 = arith.constant 3200 : i32
    %dma_wait3A_341 = tpu.memref_slice %arg8[%dma_wait3A_340] : memref<6400xi32, #tpu.memory_space<vmem>> -> memref<3200xi32, #tpu.memory_space<vmem>>
    %dma_wait3A_342 = tpu.memref_slice %arg2[%add3A_333] : memref<1600000xi32, #tpu.memory_space<hbm>> -> memref<3200xi32, #tpu.memory_space<hbm>>
    tpu.wait_dma2 semaphore(%dma_wait3A_339 : memref<!tpu.dma_semaphore, #tpu.memory_space<semaphore_mem>>) src(%dma_wait3A_342 : memref<3200xi32, #tpu.memory_space<hbm>>) dst(%dma_wait3A_341 : memref<3200xi32, #tpu.memory_space<vmem>>)
    %scan3A_343 = arith.constant 0 : i32
    %scan3A_344 = arith.constant 50 : i32
    %scan3A_345 = arith.addi %scan3A_343, %scan3A_344 : i32
    %scan3A_346 = arith.constant 1 : i32
    scf.for %scan3A_447 = %scan3A_343 to %scan3A_345 step %scan3A_346  : i32 {
      %mul3A_448 = arith.constant 4 : i32
      %mul3A_449 = arith.muli %scan3A_447, %mul3A_448 : i32
      %add3A_450 = arith.constant 0 : i32
      %add3A_451 = arith.addi %mul3A_449, %add3A_450 : i32
      %mul3A_452 = arith.constant 16 : i32
      %mul3A_453 = arith.muli %add3A_451, %mul3A_452 : i32
      %add3A_454 = arith.constant 3200 : i32
      %add3A_455 = arith.addi %add3A_454, %mul3A_453 : i32
      %get3A_456 = arith.index_cast %add3A_455 : i32 to index
      %get3A_457 = tpu.vector_load %arg7[%get3A_456] {strides = array<i32>} : memref<6400xi32, #tpu.memory_space<vmem>>, vector<16xi32>,
      %gather3A_458 = tpu.vector_load_idx %arg5[%get3A_457] : memref<51200xf32, #tpu.memory_space<vmem>>[vector<16xi32>], vector<16xf32>,
      %get3A_459 = arith.index_cast %add3A_455 : i32 to index
      %get3A_460 = tpu.vector_load %arg8[%get3A_459] {strides = array<i32>} : memref<6400xi32, #tpu.memory_space<vmem>>, vector<16xi32>,
      tpu.vector_store_idx %arg6[%get3A_460], %gather3A_458 {add = true} : memref<51200xf32, #tpu.memory_space<vmem>>[vector<16xi32>], vector<16xf32>,
      %mul3A_461 = arith.constant 4 : i32
      %mul3A_462 = arith.muli %scan3A_447, %mul3A_461 : i32
      %add3A_463 = arith.constant 1 : i32
      %add3A_464 = arith.addi %mul3A_462, %add3A_463 : i32
      %mul3A_465 = arith.constant 16 : i32
      %mul3A_466 = arith.muli %add3A_464, %mul3A_465 : i32
      %add3A_467 = arith.constant 3200 : i32
      %add3A_468 = arith.addi %add3A_467, %mul3A_466 : i32
      %get3A_469 = arith.index_cast %add3A_468 : i32 to index
      %get3A_470 = tpu.vector_load %arg7[%get3A_469] {strides = array<i32>} : memref<6400xi32, #tpu.memory_space<vmem>>, vector<16xi32>,
      %gather3A_471 = tpu.vector_load_idx %arg5[%get3A_470] : memref<51200xf32, #tpu.memory_space<vmem>>[vector<16xi32>], vector<16xf32>,
      %get3A_472 = arith.index_cast %add3A_468 : i32 to index
      %get3A_473 = tpu.vector_load %arg8[%get3A_472] {strides = array<i32>} : memref<6400xi32, #tpu.memory_space<vmem>>, vector<16xi32>,
      tpu.vector_store_idx %arg6[%get3A_473], %gather3A_471 {add = true} : memref<51200xf32, #tpu.memory_space<vmem>>[vector<16xi32>], vector<16xf32>,
      %mul3A_474 = arith.constant 4 : i32
      %mul3A_475 = arith.muli %scan3A_447, %mul3A_474 : i32
      %add3A_476 = arith.constant 2 : i32
      %add3A_477 = arith.addi %mul3A_475, %add3A_476 : i32
      %mul3A_478 = arith.constant 16 : i32
      %mul3A_479 = arith.muli %add3A_477, %mul3A_478 : i32
      %add3A_480 = arith.constant 3200 : i32
      %add3A_481 = arith.addi %add3A_480, %mul3A_479 : i32
      %get3A_482 = arith.index_cast %add3A_481 : i32 to index
      %get3A_483 = tpu.vector_load %arg7[%get3A_482] {strides = array<i32>} : memref<6400xi32, #tpu.memory_space<vmem>>, vector<16xi32>,
      %gather3A_484 = tpu.vector_load_idx %arg5[%get3A_483] : memref<51200xf32, #tpu.memory_space<vmem>>[vector<16xi32>], vector<16xf32>,
      %get3A_485 = arith.index_cast %add3A_481 : i32 to index
      %get3A_486 = tpu.vector_load %arg8[%get3A_485] {strides = array<i32>} : memref<6400xi32, #tpu.memory_space<vmem>>, vector<16xi32>,
      tpu.vector_store_idx %arg6[%get3A_486], %gather3A_484 {add = true} : memref<51200xf32, #tpu.memory_space<vmem>>[vector<16xi32>], vector<16xf32>,
      %mul3A_487 = arith.constant 4 : i32
      %mul3A_488 = arith.muli %scan3A_447, %mul3A_487 : i32
      %add3A_489 = arith.constant 3 : i32
      %add3A_490 = arith.addi %mul3A_488, %add3A_489 : i32
      %mul3A_491 = arith.constant 16 : i32
      %mul3A_492 = arith.muli %add3A_490, %mul3A_491 : i32
      %add3A_493 = arith.constant 3200 : i32
      %add3A_494 = arith.addi %add3A_493, %mul3A_492 : i32
      %get3A_495 = arith.index_cast %add3A_494 : i32 to index
      %get3A_496 = tpu.vector_load %arg7[%get3A_495] {strides = array<i32>} : memref<6400xi32, #tpu.memory_space<vmem>>, vector<16xi32>,
      %gather3A_497 = tpu.vector_load_idx %arg5[%get3A_496] : memref<51200xf32, #tpu.memory_space<vmem>>[vector<16xi32>], vector<16xf32>,
      %get3A_498 = arith.index_cast %add3A_494 : i32 to index
      %get3A_499 = tpu.vector_load %arg8[%get3A_498] {strides = array<i32>} : memref<6400xi32, #tpu.memory_space<vmem>>, vector<16xi32>,
      tpu.vector_store_idx %arg6[%get3A_499], %gather3A_497 {add = true} : memref<51200xf32, #tpu.memory_space<vmem>>[vector<16xi32>], vector<16xf32>,
    }
    %scan3A_347 = arith.constant 50 : i32
    %add3A_348 = arith.constant 22400 : i32
    %add3A_349 = arith.addi %mul3A_2, %add3A_348 : i32
    %dma_start3A_350 = arith.constant 1 : i32
    %dma_start3A_351 = arith.constant 3200 : i32
    %dma_start3A_352 = tpu.memref_slice %arg7[%dma_start3A_351] : memref<6400xi32, #tpu.memory_space<vmem>> -> memref<2600xi32, #tpu.memory_space<vmem>>
    %dma_start3A_353 = tpu.memref_slice %arg2[%add3A_349] : memref<1600000xi32, #tpu.memory_space<hbm>> -> memref<2600xi32, #tpu.memory_space<hbm>>
    %dma_start3A_354 = tpu.memref_slice %arg9[%dma_start3A_350] : memref<2x!tpu.dma_semaphore, #tpu.memory_space<semaphore_mem>> -> memref<1x!tpu.dma_semaphore, #tpu.memory_space<semaphore_mem>>
    %dma_start3A_355 = tpu.memref_squeeze %dma_start3A_354 : memref<1x!tpu.dma_semaphore, #tpu.memory_space<semaphore_mem>> -> memref<!tpu.dma_semaphore, #tpu.memory_space<semaphore_mem>>
    %dma_start3A_356 = arith.constant 3200 : i32
    %dma_start3A_357 = tpu.memref_slice %arg7[%dma_start3A_356] : memref<6400xi32, #tpu.memory_space<vmem>> -> memref<2600xi32, #tpu.memory_space<vmem>>
    %dma_start3A_358 = tpu.memref_slice %arg2[%add3A_349] : memref<1600000xi32, #tpu.memory_space<hbm>> -> memref<2600xi32, #tpu.memory_space<hbm>>
    tpu.enqueue_dma source(%dma_start3A_358 : memref<2600xi32, #tpu.memory_space<hbm>>) target(%dma_start3A_357 : memref<2600xi32, #tpu.memory_space<vmem>>) target_semaphore(%dma_start3A_355 : memref<!tpu.dma_semaphore, #tpu.memory_space<semaphore_mem>>)
    %add3A_359 = arith.constant 800000 : i32
    %add3A_360 = arith.addi %add3A_359, %mul3A_2 : i32
    %add3A_361 = arith.constant 22400 : i32
    %add3A_362 = arith.addi %add3A_360, %add3A_361 : i32
    %dma_start3A_363 = arith.constant 1 : i32
    %dma_start3A_364 = arith.constant 3200 : i32
    %dma_start3A_365 = tpu.memref_slice %arg8[%dma_start3A_364] : memref<6400xi32, #tpu.memory_space<vmem>> -> memref<2600xi32, #tpu.memory_space<vmem>>
    %dma_start3A_366 = tpu.memref_slice %arg2[%add3A_362] : memref<1600000xi32, #tpu.memory_space<hbm>> -> memref<2600xi32, #tpu.memory_space<hbm>>
    %dma_start3A_367 = tpu.memref_slice %arg10[%dma_start3A_363] : memref<2x!tpu.dma_semaphore, #tpu.memory_space<semaphore_mem>> -> memref<1x!tpu.dma_semaphore, #tpu.memory_space<semaphore_mem>>
    %dma_start3A_368 = tpu.memref_squeeze %dma_start3A_367 : memref<1x!tpu.dma_semaphore, #tpu.memory_space<semaphore_mem>> -> memref<!tpu.dma_semaphore, #tpu.memory_space<semaphore_mem>>
    %dma_start3A_369 = arith.constant 3200 : i32
    %dma_start3A_370 = tpu.memref_slice %arg8[%dma_start3A_369] : memref<6400xi32, #tpu.memory_space<vmem>> -> memref<2600xi32, #tpu.memory_space<vmem>>
    %dma_start3A_371 = tpu.memref_slice %arg2[%add3A_362] : memref<1600000xi32, #tpu.memory_space<hbm>> -> memref<2600xi32, #tpu.memory_space<hbm>>
    tpu.enqueue_dma source(%dma_start3A_371 : memref<2600xi32, #tpu.memory_space<hbm>>) target(%dma_start3A_370 : memref<2600xi32, #tpu.memory_space<vmem>>) target_semaphore(%dma_start3A_368 : memref<!tpu.dma_semaphore, #tpu.memory_space<semaphore_mem>>)
    %add3A_372 = arith.constant 19200 : i32
    %add3A_373 = arith.addi %mul3A_2, %add3A_372 : i32
    %dma_wait3A_374 = arith.constant 0 : i32
    %dma_wait3A_375 = arith.constant 0 : i32
    %dma_wait3A_376 = tpu.memref_slice %arg7[%dma_wait3A_375] : memref<6400xi32, #tpu.memory_space<vmem>> -> memref<3200xi32, #tpu.memory_space<vmem>>
    %dma_wait3A_377 = tpu.memref_slice %arg2[%add3A_373] : memref<1600000xi32, #tpu.memory_space<hbm>> -> memref<3200xi32, #tpu.memory_space<hbm>>
    %dma_wait3A_378 = tpu.memref_slice %arg9[%dma_wait3A_374] : memref<2x!tpu.dma_semaphore, #tpu.memory_space<semaphore_mem>> -> memref<1x!tpu.dma_semaphore, #tpu.memory_space<semaphore_mem>>
    %dma_wait3A_379 = tpu.memref_squeeze %dma_wait3A_378 : memref<1x!tpu.dma_semaphore, #tpu.memory_space<semaphore_mem>> -> memref<!tpu.dma_semaphore, #tpu.memory_space<semaphore_mem>>
    %dma_wait3A_380 = arith.constant 0 : i32
    %dma_wait3A_381 = tpu.memref_slice %arg7[%dma_wait3A_380] : memref<6400xi32, #tpu.memory_space<vmem>> -> memref<3200xi32, #tpu.memory_space<vmem>>
    %dma_wait3A_382 = tpu.memref_slice %arg2[%add3A_373] : memref<1600000xi32, #tpu.memory_space<hbm>> -> memref<3200xi32, #tpu.memory_space<hbm>>
    tpu.wait_dma2 semaphore(%dma_wait3A_379 : memref<!tpu.dma_semaphore, #tpu.memory_space<semaphore_mem>>) src(%dma_wait3A_382 : memref<3200xi32, #tpu.memory_space<hbm>>) dst(%dma_wait3A_381 : memref<3200xi32, #tpu.memory_space<vmem>>)
    %add3A_383 = arith.constant 800000 : i32
    %add3A_384 = arith.addi %add3A_383, %mul3A_2 : i32
    %add3A_385 = arith.constant 19200 : i32
    %add3A_386 = arith.addi %add3A_384, %add3A_385 : i32
    %dma_wait3A_387 = arith.constant 0 : i32
    %dma_wait3A_388 = arith.constant 0 : i32
    %dma_wait3A_389 = tpu.memref_slice %arg8[%dma_wait3A_388] : memref<6400xi32, #tpu.memory_space<vmem>> -> memref<3200xi32, #tpu.memory_space<vmem>>
    %dma_wait3A_390 = tpu.memref_slice %arg2[%add3A_386] : memref<1600000xi32, #tpu.memory_space<hbm>> -> memref<3200xi32, #tpu.memory_space<hbm>>
    %dma_wait3A_391 = tpu.memref_slice %arg10[%dma_wait3A_387] : memref<2x!tpu.dma_semaphore, #tpu.memory_space<semaphore_mem>> -> memref<1x!tpu.dma_semaphore, #tpu.memory_space<semaphore_mem>>
    %dma_wait3A_392 = tpu.memref_squeeze %dma_wait3A_391 : memref<1x!tpu.dma_semaphore, #tpu.memory_space<semaphore_mem>> -> memref<!tpu.dma_semaphore, #tpu.memory_space<semaphore_mem>>
    %dma_wait3A_393 = arith.constant 0 : i32
    %dma_wait3A_394 = tpu.memref_slice %arg8[%dma_wait3A_393] : memref<6400xi32, #tpu.memory_space<vmem>> -> memref<3200xi32, #tpu.memory_space<vmem>>
    %dma_wait3A_395 = tpu.memref_slice %arg2[%add3A_386] : memref<1600000xi32, #tpu.memory_space<hbm>> -> memref<3200xi32, #tpu.memory_space<hbm>>
    tpu.wait_dma2 semaphore(%dma_wait3A_392 : memref<!tpu.dma_semaphore, #tpu.memory_space<semaphore_mem>>) src(%dma_wait3A_395 : memref<3200xi32, #tpu.memory_space<hbm>>) dst(%dma_wait3A_394 : memref<3200xi32, #tpu.memory_space<vmem>>)
    %scan3A_396 = arith.constant 0 : i32
    %scan3A_397 = arith.constant 50 : i32
    %scan3A_398 = arith.addi %scan3A_396, %scan3A_397 : i32
    %scan3A_399 = arith.constant 1 : i32
    scf.for %scan3A_447 = %scan3A_396 to %scan3A_398 step %scan3A_399  : i32 {
      %mul3A_448 = arith.constant 4 : i32
      %mul3A_449 = arith.muli %scan3A_447, %mul3A_448 : i32
      %add3A_450 = arith.constant 0 : i32
      %add3A_451 = arith.addi %mul3A_449, %add3A_450 : i32
      %mul3A_452 = arith.constant 16 : i32
      %mul3A_453 = arith.muli %add3A_451, %mul3A_452 : i32
      %add3A_454 = arith.constant 0 : i32
      %add3A_455 = arith.addi %add3A_454, %mul3A_453 : i32
      %get3A_456 = arith.index_cast %add3A_455 : i32 to index
      %get3A_457 = tpu.vector_load %arg7[%get3A_456] {strides = array<i32>} : memref<6400xi32, #tpu.memory_space<vmem>>, vector<16xi32>,
      %gather3A_458 = tpu.vector_load_idx %arg5[%get3A_457] : memref<51200xf32, #tpu.memory_space<vmem>>[vector<16xi32>], vector<16xf32>,
      %get3A_459 = arith.index_cast %add3A_455 : i32 to index
      %get3A_460 = tpu.vector_load %arg8[%get3A_459] {strides = array<i32>} : memref<6400xi32, #tpu.memory_space<vmem>>, vector<16xi32>,
      tpu.vector_store_idx %arg6[%get3A_460], %gather3A_458 {add = true} : memref<51200xf32, #tpu.memory_space<vmem>>[vector<16xi32>], vector<16xf32>,
      %mul3A_461 = arith.constant 4 : i32
      %mul3A_462 = arith.muli %scan3A_447, %mul3A_461 : i32
      %add3A_463 = arith.constant 1 : i32
      %add3A_464 = arith.addi %mul3A_462, %add3A_463 : i32
      %mul3A_465 = arith.constant 16 : i32
      %mul3A_466 = arith.muli %add3A_464, %mul3A_465 : i32
      %add3A_467 = arith.constant 0 : i32
      %add3A_468 = arith.addi %add3A_467, %mul3A_466 : i32
      %get3A_469 = arith.index_cast %add3A_468 : i32 to index
      %get3A_470 = tpu.vector_load %arg7[%get3A_469] {strides = array<i32>} : memref<6400xi32, #tpu.memory_space<vmem>>, vector<16xi32>,
      %gather3A_471 = tpu.vector_load_idx %arg5[%get3A_470] : memref<51200xf32, #tpu.memory_space<vmem>>[vector<16xi32>], vector<16xf32>,
      %get3A_472 = arith.index_cast %add3A_468 : i32 to index
      %get3A_473 = tpu.vector_load %arg8[%get3A_472] {strides = array<i32>} : memref<6400xi32, #tpu.memory_space<vmem>>, vector<16xi32>,
      tpu.vector_store_idx %arg6[%get3A_473], %gather3A_471 {add = true} : memref<51200xf32, #tpu.memory_space<vmem>>[vector<16xi32>], vector<16xf32>,
      %mul3A_474 = arith.constant 4 : i32
      %mul3A_475 = arith.muli %scan3A_447, %mul3A_474 : i32
      %add3A_476 = arith.constant 2 : i32
      %add3A_477 = arith.addi %mul3A_475, %add3A_476 : i32
      %mul3A_478 = arith.constant 16 : i32
      %mul3A_479 = arith.muli %add3A_477, %mul3A_478 : i32
      %add3A_480 = arith.constant 0 : i32
      %add3A_481 = arith.addi %add3A_480, %mul3A_479 : i32
      %get3A_482 = arith.index_cast %add3A_481 : i32 to index
      %get3A_483 = tpu.vector_load %arg7[%get3A_482] {strides = array<i32>} : memref<6400xi32, #tpu.memory_space<vmem>>, vector<16xi32>,
      %gather3A_484 = tpu.vector_load_idx %arg5[%get3A_483] : memref<51200xf32, #tpu.memory_space<vmem>>[vector<16xi32>], vector<16xf32>,
      %get3A_485 = arith.index_cast %add3A_481 : i32 to index
      %get3A_486 = tpu.vector_load %arg8[%get3A_485] {strides = array<i32>} : memref<6400xi32, #tpu.memory_space<vmem>>, vector<16xi32>,
      tpu.vector_store_idx %arg6[%get3A_486], %gather3A_484 {add = true} : memref<51200xf32, #tpu.memory_space<vmem>>[vector<16xi32>], vector<16xf32>,
      %mul3A_487 = arith.constant 4 : i32
      %mul3A_488 = arith.muli %scan3A_447, %mul3A_487 : i32
      %add3A_489 = arith.constant 3 : i32
      %add3A_490 = arith.addi %mul3A_488, %add3A_489 : i32
      %mul3A_491 = arith.constant 16 : i32
      %mul3A_492 = arith.muli %add3A_490, %mul3A_491 : i32
      %add3A_493 = arith.constant 0 : i32
      %add3A_494 = arith.addi %add3A_493, %mul3A_492 : i32
      %get3A_495 = arith.index_cast %add3A_494 : i32 to index
      %get3A_496 = tpu.vector_load %arg7[%get3A_495] {strides = array<i32>} : memref<6400xi32, #tpu.memory_space<vmem>>, vector<16xi32>,
      %gather3A_497 = tpu.vector_load_idx %arg5[%get3A_496] : memref<51200xf32, #tpu.memory_space<vmem>>[vector<16xi32>], vector<16xf32>,
      %get3A_498 = arith.index_cast %add3A_494 : i32 to index
      %get3A_499 = tpu.vector_load %arg8[%get3A_498] {strides = array<i32>} : memref<6400xi32, #tpu.memory_space<vmem>>, vector<16xi32>,
      tpu.vector_store_idx %arg6[%get3A_499], %gather3A_497 {add = true} : memref<51200xf32, #tpu.memory_space<vmem>>[vector<16xi32>], vector<16xf32>,
    }
    %scan3A_400 = arith.constant 50 : i32
    %add3A_401 = arith.constant 22400 : i32
    %add3A_402 = arith.addi %mul3A_2, %add3A_401 : i32
    %dma_wait3A_403 = arith.constant 1 : i32
    %dma_wait3A_404 = arith.constant 3200 : i32
    %dma_wait3A_405 = tpu.memref_slice %arg7[%dma_wait3A_404] : memref<6400xi32, #tpu.memory_space<vmem>> -> memref<2600xi32, #tpu.memory_space<vmem>>
    %dma_wait3A_406 = tpu.memref_slice %arg2[%add3A_402] : memref<1600000xi32, #tpu.memory_space<hbm>> -> memref<2600xi32, #tpu.memory_space<hbm>>
    %dma_wait3A_407 = tpu.memref_slice %arg9[%dma_wait3A_403] : memref<2x!tpu.dma_semaphore, #tpu.memory_space<semaphore_mem>> -> memref<1x!tpu.dma_semaphore, #tpu.memory_space<semaphore_mem>>
    %dma_wait3A_408 = tpu.memref_squeeze %dma_wait3A_407 : memref<1x!tpu.dma_semaphore, #tpu.memory_space<semaphore_mem>> -> memref<!tpu.dma_semaphore, #tpu.memory_space<semaphore_mem>>
    %dma_wait3A_409 = arith.constant 3200 : i32
    %dma_wait3A_410 = tpu.memref_slice %arg7[%dma_wait3A_409] : memref<6400xi32, #tpu.memory_space<vmem>> -> memref<2600xi32, #tpu.memory_space<vmem>>
    %dma_wait3A_411 = tpu.memref_slice %arg2[%add3A_402] : memref<1600000xi32, #tpu.memory_space<hbm>> -> memref<2600xi32, #tpu.memory_space<hbm>>
    tpu.wait_dma2 semaphore(%dma_wait3A_408 : memref<!tpu.dma_semaphore, #tpu.memory_space<semaphore_mem>>) src(%dma_wait3A_411 : memref<2600xi32, #tpu.memory_space<hbm>>) dst(%dma_wait3A_410 : memref<2600xi32, #tpu.memory_space<vmem>>)
    %add3A_412 = arith.constant 800000 : i32
    %add3A_413 = arith.addi %add3A_412, %mul3A_2 : i32
    %add3A_414 = arith.constant 22400 : i32
    %add3A_415 = arith.addi %add3A_413, %add3A_414 : i32
    %dma_wait3A_416 = arith.constant 1 : i32
    %dma_wait3A_417 = arith.constant 3200 : i32
    %dma_wait3A_418 = tpu.memref_slice %arg8[%dma_wait3A_417] : memref<6400xi32, #tpu.memory_space<vmem>> -> memref<2600xi32, #tpu.memory_space<vmem>>
    %dma_wait3A_419 = tpu.memref_slice %arg2[%add3A_415] : memref<1600000xi32, #tpu.memory_space<hbm>> -> memref<2600xi32, #tpu.memory_space<hbm>>
    %dma_wait3A_420 = tpu.memref_slice %arg10[%dma_wait3A_416] : memref<2x!tpu.dma_semaphore, #tpu.memory_space<semaphore_mem>> -> memref<1x!tpu.dma_semaphore, #tpu.memory_space<semaphore_mem>>
    %dma_wait3A_421 = tpu.memref_squeeze %dma_wait3A_420 : memref<1x!tpu.dma_semaphore, #tpu.memory_space<semaphore_mem>> -> memref<!tpu.dma_semaphore, #tpu.memory_space<semaphore_mem>>
    %dma_wait3A_422 = arith.constant 3200 : i32
    %dma_wait3A_423 = tpu.memref_slice %arg8[%dma_wait3A_422] : memref<6400xi32, #tpu.memory_space<vmem>> -> memref<2600xi32, #tpu.memory_space<vmem>>
    %dma_wait3A_424 = tpu.memref_slice %arg2[%add3A_415] : memref<1600000xi32, #tpu.memory_space<hbm>> -> memref<2600xi32, #tpu.memory_space<hbm>>
    tpu.wait_dma2 semaphore(%dma_wait3A_421 : memref<!tpu.dma_semaphore, #tpu.memory_space<semaphore_mem>>) src(%dma_wait3A_424 : memref<2600xi32, #tpu.memory_space<hbm>>) dst(%dma_wait3A_423 : memref<2600xi32, #tpu.memory_space<vmem>>)
    %scan3A_425 = arith.constant 0 : i32
    %scan3A_426 = arith.constant 40 : i32
    %scan3A_427 = arith.addi %scan3A_425, %scan3A_426 : i32
    %scan3A_428 = arith.constant 1 : i32
    scf.for %scan3A_447 = %scan3A_425 to %scan3A_427 step %scan3A_428  : i32 {
      %mul3A_448 = arith.constant 4 : i32
      %mul3A_449 = arith.muli %scan3A_447, %mul3A_448 : i32
      %add3A_450 = arith.constant 0 : i32
      %add3A_451 = arith.addi %mul3A_449, %add3A_450 : i32
      %mul3A_452 = arith.constant 16 : i32
      %mul3A_453 = arith.muli %add3A_451, %mul3A_452 : i32
      %add3A_454 = arith.constant 3200 : i32
      %add3A_455 = arith.addi %add3A_454, %mul3A_453 : i32
      %get3A_456 = arith.index_cast %add3A_455 : i32 to index
      %get3A_457 = tpu.vector_load %arg7[%get3A_456] {strides = array<i32>} : memref<6400xi32, #tpu.memory_space<vmem>>, vector<16xi32>,
      %gather3A_458 = tpu.vector_load_idx %arg5[%get3A_457] : memref<51200xf32, #tpu.memory_space<vmem>>[vector<16xi32>], vector<16xf32>,
      %get3A_459 = arith.index_cast %add3A_455 : i32 to index
      %get3A_460 = tpu.vector_load %arg8[%get3A_459] {strides = array<i32>} : memref<6400xi32, #tpu.memory_space<vmem>>, vector<16xi32>,
      tpu.vector_store_idx %arg6[%get3A_460], %gather3A_458 {add = true} : memref<51200xf32, #tpu.memory_space<vmem>>[vector<16xi32>], vector<16xf32>,
      %mul3A_461 = arith.constant 4 : i32
      %mul3A_462 = arith.muli %scan3A_447, %mul3A_461 : i32
      %add3A_463 = arith.constant 1 : i32
      %add3A_464 = arith.addi %mul3A_462, %add3A_463 : i32
      %mul3A_465 = arith.constant 16 : i32
      %mul3A_466 = arith.muli %add3A_464, %mul3A_465 : i32
      %add3A_467 = arith.constant 3200 : i32
      %add3A_468 = arith.addi %add3A_467, %mul3A_466 : i32
      %get3A_469 = arith.index_cast %add3A_468 : i32 to index
      %get3A_470 = tpu.vector_load %arg7[%get3A_469] {strides = array<i32>} : memref<6400xi32, #tpu.memory_space<vmem>>, vector<16xi32>,
      %gather3A_471 = tpu.vector_load_idx %arg5[%get3A_470] : memref<51200xf32, #tpu.memory_space<vmem>>[vector<16xi32>], vector<16xf32>,
      %get3A_472 = arith.index_cast %add3A_468 : i32 to index
      %get3A_473 = tpu.vector_load %arg8[%get3A_472] {strides = array<i32>} : memref<6400xi32, #tpu.memory_space<vmem>>, vector<16xi32>,
      tpu.vector_store_idx %arg6[%get3A_473], %gather3A_471 {add = true} : memref<51200xf32, #tpu.memory_space<vmem>>[vector<16xi32>], vector<16xf32>,
      %mul3A_474 = arith.constant 4 : i32
      %mul3A_475 = arith.muli %scan3A_447, %mul3A_474 : i32
      %add3A_476 = arith.constant 2 : i32
      %add3A_477 = arith.addi %mul3A_475, %add3A_476 : i32
      %mul3A_478 = arith.constant 16 : i32
      %mul3A_479 = arith.muli %add3A_477, %mul3A_478 : i32
      %add3A_480 = arith.constant 3200 : i32
      %add3A_481 = arith.addi %add3A_480, %mul3A_479 : i32
      %get3A_482 = arith.index_cast %add3A_481 : i32 to index
      %get3A_483 = tpu.vector_load %arg7[%get3A_482] {strides = array<i32>} : memref<6400xi32, #tpu.memory_space<vmem>>, vector<16xi32>,
      %gather3A_484 = tpu.vector_load_idx %arg5[%get3A_483] : memref<51200xf32, #tpu.memory_space<vmem>>[vector<16xi32>], vector<16xf32>,
      %get3A_485 = arith.index_cast %add3A_481 : i32 to index
      %get3A_486 = tpu.vector_load %arg8[%get3A_485] {strides = array<i32>} : memref<6400xi32, #tpu.memory_space<vmem>>, vector<16xi32>,
      tpu.vector_store_idx %arg6[%get3A_486], %gather3A_484 {add = true} : memref<51200xf32, #tpu.memory_space<vmem>>[vector<16xi32>], vector<16xf32>,
      %mul3A_487 = arith.constant 4 : i32
      %mul3A_488 = arith.muli %scan3A_447, %mul3A_487 : i32
      %add3A_489 = arith.constant 3 : i32
      %add3A_490 = arith.addi %mul3A_488, %add3A_489 : i32
      %mul3A_491 = arith.constant 16 : i32
      %mul3A_492 = arith.muli %add3A_490, %mul3A_491 : i32
      %add3A_493 = arith.constant 3200 : i32
      %add3A_494 = arith.addi %add3A_493, %mul3A_492 : i32
      %get3A_495 = arith.index_cast %add3A_494 : i32 to index
      %get3A_496 = tpu.vector_load %arg7[%get3A_495] {strides = array<i32>} : memref<6400xi32, #tpu.memory_space<vmem>>, vector<16xi32>,
      %gather3A_497 = tpu.vector_load_idx %arg5[%get3A_496] : memref<51200xf32, #tpu.memory_space<vmem>>[vector<16xi32>], vector<16xf32>,
      %get3A_498 = arith.index_cast %add3A_494 : i32 to index
      %get3A_499 = tpu.vector_load %arg8[%get3A_498] {strides = array<i32>} : memref<6400xi32, #tpu.memory_space<vmem>>, vector<16xi32>,
      tpu.vector_store_idx %arg6[%get3A_499], %gather3A_497 {add = true} : memref<51200xf32, #tpu.memory_space<vmem>>[vector<16xi32>], vector<16xf32>,
    }
    %scan3A_429 = arith.constant 40 : i32
    %get3A = arith.constant 5760 : index
    %get3A_430 = tpu.vector_load %arg7[%get3A] {strides = array<i32>} : memref<6400xi32, #tpu.memory_space<vmem>>, vector<16xi32>,
    %gather3A = tpu.vector_load_idx %arg5[%get3A_430] : memref<51200xf32, #tpu.memory_space<vmem>>[vector<16xi32>], vector<16xf32>,
    %get3A_431 = arith.constant 5760 : index
    %get3A_432 = tpu.vector_load %arg8[%get3A_431] {strides = array<i32>} : memref<6400xi32, #tpu.memory_space<vmem>>, vector<16xi32>,
    tpu.vector_store_idx %arg6[%get3A_432], %gather3A {add = true} : memref<51200xf32, #tpu.memory_space<vmem>>[vector<16xi32>], vector<16xf32>,
    %get3A_433 = arith.constant 5776 : index
    %get3A_434 = tpu.vector_load %arg7[%get3A_433] {strides = array<i32>} : memref<6400xi32, #tpu.memory_space<vmem>>, vector<16xi32>,
    %gather3A_435 = tpu.vector_load_idx %arg5[%get3A_434] : memref<51200xf32, #tpu.memory_space<vmem>>[vector<16xi32>], vector<16xf32>,
    %get3A_436 = arith.constant 5776 : index
    %get3A_437 = tpu.vector_load %arg8[%get3A_436] {strides = array<i32>} : memref<6400xi32, #tpu.memory_space<vmem>>, vector<16xi32>,
    tpu.vector_store_idx %arg6[%get3A_437], %gather3A_435 {add = true} : memref<51200xf32, #tpu.memory_space<vmem>>[vector<16xi32>], vector<16xf32>,
    %iota3A = tpu.iota {dimensions = array<i32: 0>} : vector<16xi32>
    %lt3A = arith.constant 8 : i32
    %lt3A_438 = vector.broadcast %lt3A : i32 to vector<16xi32>
    %lt3A_439 = arith.cmpi slt, %iota3A, %lt3A_438 : vector<16xi32>
    %get3A_440 = arith.constant 5792 : index
    %get3A_441 = tpu.vector_load %arg7[%get3A_440] {strides = array<i32>} : memref<6400xi32, #tpu.memory_space<vmem>>, vector<16xi32>,
    %gather3A_442 = tpu.vector_load_idx %arg5[%get3A_441] masked %lt3A_439 : memref<51200xf32, #tpu.memory_space<vmem>>[vector<16xi32>], vector<16xf32>, vector<16xi1>
    %get3A_443 = arith.constant 5792 : index
    %get3A_444 = tpu.vector_load %arg8[%get3A_443] {strides = array<i32>} : memref<6400xi32, #tpu.memory_space<vmem>>, vector<16xi32>,
    tpu.vector_store_idx %arg6[%get3A_444], %gather3A_442 masked %lt3A_439 {add = true} : memref<51200xf32, #tpu.memory_space<vmem>>[vector<16xi32>], vector<16xf32>, vector<16xi1>
    %mul3A_445 = arith.constant 51200 : i32
    %mul3A_446 = arith.muli %add3A, %mul3A_445 : i32
    "tpu.region"() ({
      %run_scoped3A = tpu.sem_alloc : memref<!tpu.dma_semaphore, #tpu.memory_space<semaphore_mem>>
      %dma_start3A_447 = tpu.memref_slice %arg4[%mul3A_446] : memref<1638400xf32, #tpu.memory_space<hbm>> -> memref<51200xf32, #tpu.memory_space<hbm>>
      %dma_start3A_448 = tpu.memref_slice %arg4[%mul3A_446] : memref<1638400xf32, #tpu.memory_space<hbm>> -> memref<51200xf32, #tpu.memory_space<hbm>>
      tpu.enqueue_dma source(%arg6 : memref<51200xf32, #tpu.memory_space<vmem>>) target(%dma_start3A_448 : memref<51200xf32, #tpu.memory_space<hbm>>) target_semaphore(%run_scoped3A : memref<!tpu.dma_semaphore, #tpu.memory_space<semaphore_mem>>)
      %dma_wait3A_449 = tpu.memref_slice %arg4[%mul3A_446] : memref<1638400xf32, #tpu.memory_space<hbm>> -> memref<51200xf32, #tpu.memory_space<hbm>>
      %dma_wait3A_450 = tpu.memref_slice %arg4[%mul3A_446] : memref<1638400xf32, #tpu.memory_space<hbm>> -> memref<51200xf32, #tpu.memory_space<hbm>>
      tpu.wait_dma2 semaphore(%run_scoped3A : memref<!tpu.dma_semaphore, #tpu.memory_space<semaphore_mem>>) src(%arg6 : memref<51200xf32, #tpu.memory_space<vmem>>) dst(%dma_wait3A_450 : memref<51200xf32, #tpu.memory_space<hbm>>)
      tpu.yield
    }) : () -> ()
    return
  }
}

#map = affine_map<(d0, d1) -> (0)>
module attributes {stable_mosaic.version = 14 : i64} {
  func.func @deg_kernel(%arg0: i32, %arg1: i32, %arg2: memref<1600000xi32, #tpu.memory_space<hbm>>, %arg3: memref<1638400xf32, #tpu.memory_space<hbm>>, %arg4: memref<51200xf32, #tpu.memory_space<vmem>>, %arg5: memref<6400xi32, #tpu.memory_space<vmem>>, %arg6: memref<2x!tpu.dma_semaphore, #tpu.memory_space<semaphore_mem>>) attributes {dimension_semantics = [#tpu.dimension_semantics<core_parallel>, #tpu.dimension_semantics<subcore_parallel>], iteration_bounds = array<i64: 2, 16>, scalar_prefetch = 0 : i64, scratch_operands = 3 : i64, tpu.core_type = #tpu.core_type<sc_vector_subcore>, window_params = [{transform_indices = #map}, {transform_indices = #map}]} {
    %mul3A = arith.constant 16 : i32
    %mul3A_0 = arith.muli %arg0, %mul3A : i32
    %add3A = arith.addi %mul3A_0, %arg1 : i32
    %broadcast_in_dim3A = arith.constant 1.000000e+00 : f32
    %broadcast_in_dim3A_1 = vector.broadcast %broadcast_in_dim3A : f32 to vector<16xf32>
    %mul3A_2 = arith.constant 25000 : i32
    %mul3A_3 = arith.muli %add3A, %mul3A_2 : i32
    %add3A_4 = arith.constant 800000 : i32
    %add3A_5 = arith.addi %add3A_4, %mul3A_3 : i32
    %add3A_6 = arith.constant 0 : i32
    %add3A_7 = arith.addi %add3A_5, %add3A_6 : i32
    %dma_start3A = arith.constant 0 : i32
    %dma_start3A_8 = arith.constant 0 : i32
    %dma_start3A_9 = tpu.memref_slice %arg5[%dma_start3A_8] : memref<6400xi32, #tpu.memory_space<vmem>> -> memref<3200xi32, #tpu.memory_space<vmem>>
    %dma_start3A_10 = tpu.memref_slice %arg2[%add3A_7] : memref<1600000xi32, #tpu.memory_space<hbm>> -> memref<3200xi32, #tpu.memory_space<hbm>>
    %dma_start3A_11 = tpu.memref_slice %arg6[%dma_start3A] : memref<2x!tpu.dma_semaphore, #tpu.memory_space<semaphore_mem>> -> memref<1x!tpu.dma_semaphore, #tpu.memory_space<semaphore_mem>>
    %dma_start3A_12 = tpu.memref_squeeze %dma_start3A_11 : memref<1x!tpu.dma_semaphore, #tpu.memory_space<semaphore_mem>> -> memref<!tpu.dma_semaphore, #tpu.memory_space<semaphore_mem>>
    %dma_start3A_13 = arith.constant 0 : i32
    %dma_start3A_14 = tpu.memref_slice %arg5[%dma_start3A_13] : memref<6400xi32, #tpu.memory_space<vmem>> -> memref<3200xi32, #tpu.memory_space<vmem>>
    %dma_start3A_15 = tpu.memref_slice %arg2[%add3A_7] : memref<1600000xi32, #tpu.memory_space<hbm>> -> memref<3200xi32, #tpu.memory_space<hbm>>
    tpu.enqueue_dma source(%dma_start3A_15 : memref<3200xi32, #tpu.memory_space<hbm>>) target(%dma_start3A_14 : memref<3200xi32, #tpu.memory_space<vmem>>) target_semaphore(%dma_start3A_12 : memref<!tpu.dma_semaphore, #tpu.memory_space<semaphore_mem>>)
    %broadcast_in_dim3A_16 = arith.constant 0.000000e+00 : f32
    %broadcast_in_dim3A_17 = vector.broadcast %broadcast_in_dim3A_16 : f32 to vector<16xf32>
    %scan3A = arith.constant 0 : i32
    %scan3A_18 = arith.constant 400 : i32
    %scan3A_19 = arith.addi %scan3A, %scan3A_18 : i32
    %scan3A_20 = arith.constant 1 : i32
    scf.for %scan3A_235 = %scan3A to %scan3A_19 step %scan3A_20  : i32 {
      %mul3A_236 = arith.constant 8 : i32
      %mul3A_237 = arith.muli %scan3A_235, %mul3A_236 : i32
      %add3A_238 = arith.constant 0 : i32
      %add3A_239 = arith.addi %mul3A_237, %add3A_238 : i32
      %mul3A_240 = arith.constant 16 : i32
      %mul3A_241 = arith.muli %add3A_239, %mul3A_240 : i32
      %swap3A = arith.index_cast %mul3A_241 : i32 to index
      %swap3A_242 = tpu.vector_load %arg4[%swap3A] {strides = array<i32>} : memref<51200xf32, #tpu.memory_space<vmem>>, vector<16xf32>,
      tpu.vector_store %arg4[%swap3A], %broadcast_in_dim3A_17 {strides = array<i32>} : memref<51200xf32, #tpu.memory_space<vmem>>, vector<16xf32>,
      %mul3A_243 = arith.constant 8 : i32
      %mul3A_244 = arith.muli %scan3A_235, %mul3A_243 : i32
      %add3A_245 = arith.constant 1 : i32
      %add3A_246 = arith.addi %mul3A_244, %add3A_245 : i32
      %mul3A_247 = arith.constant 16 : i32
      %mul3A_248 = arith.muli %add3A_246, %mul3A_247 : i32
      %swap3A_249 = arith.index_cast %mul3A_248 : i32 to index
      %swap3A_250 = tpu.vector_load %arg4[%swap3A_249] {strides = array<i32>} : memref<51200xf32, #tpu.memory_space<vmem>>, vector<16xf32>,
      tpu.vector_store %arg4[%swap3A_249], %broadcast_in_dim3A_17 {strides = array<i32>} : memref<51200xf32, #tpu.memory_space<vmem>>, vector<16xf32>,
      %mul3A_251 = arith.constant 8 : i32
      %mul3A_252 = arith.muli %scan3A_235, %mul3A_251 : i32
      %add3A_253 = arith.constant 2 : i32
      %add3A_254 = arith.addi %mul3A_252, %add3A_253 : i32
      %mul3A_255 = arith.constant 16 : i32
      %mul3A_256 = arith.muli %add3A_254, %mul3A_255 : i32
      %swap3A_257 = arith.index_cast %mul3A_256 : i32 to index
      %swap3A_258 = tpu.vector_load %arg4[%swap3A_257] {strides = array<i32>} : memref<51200xf32, #tpu.memory_space<vmem>>, vector<16xf32>,
      tpu.vector_store %arg4[%swap3A_257], %broadcast_in_dim3A_17 {strides = array<i32>} : memref<51200xf32, #tpu.memory_space<vmem>>, vector<16xf32>,
      %mul3A_259 = arith.constant 8 : i32
      %mul3A_260 = arith.muli %scan3A_235, %mul3A_259 : i32
      %add3A_261 = arith.constant 3 : i32
      %add3A_262 = arith.addi %mul3A_260, %add3A_261 : i32
      %mul3A_263 = arith.constant 16 : i32
      %mul3A_264 = arith.muli %add3A_262, %mul3A_263 : i32
      %swap3A_265 = arith.index_cast %mul3A_264 : i32 to index
      %swap3A_266 = tpu.vector_load %arg4[%swap3A_265] {strides = array<i32>} : memref<51200xf32, #tpu.memory_space<vmem>>, vector<16xf32>,
      tpu.vector_store %arg4[%swap3A_265], %broadcast_in_dim3A_17 {strides = array<i32>} : memref<51200xf32, #tpu.memory_space<vmem>>, vector<16xf32>,
      %mul3A_267 = arith.constant 8 : i32
      %mul3A_268 = arith.muli %scan3A_235, %mul3A_267 : i32
      %add3A_269 = arith.constant 4 : i32
      %add3A_270 = arith.addi %mul3A_268, %add3A_269 : i32
      %mul3A_271 = arith.constant 16 : i32
      %mul3A_272 = arith.muli %add3A_270, %mul3A_271 : i32
      %swap3A_273 = arith.index_cast %mul3A_272 : i32 to index
      %swap3A_274 = tpu.vector_load %arg4[%swap3A_273] {strides = array<i32>} : memref<51200xf32, #tpu.memory_space<vmem>>, vector<16xf32>,
      tpu.vector_store %arg4[%swap3A_273], %broadcast_in_dim3A_17 {strides = array<i32>} : memref<51200xf32, #tpu.memory_space<vmem>>, vector<16xf32>,
      %mul3A_275 = arith.constant 8 : i32
      %mul3A_276 = arith.muli %scan3A_235, %mul3A_275 : i32
      %add3A_277 = arith.constant 5 : i32
      %add3A_278 = arith.addi %mul3A_276, %add3A_277 : i32
      %mul3A_279 = arith.constant 16 : i32
      %mul3A_280 = arith.muli %add3A_278, %mul3A_279 : i32
      %swap3A_281 = arith.index_cast %mul3A_280 : i32 to index
      %swap3A_282 = tpu.vector_load %arg4[%swap3A_281] {strides = array<i32>} : memref<51200xf32, #tpu.memory_space<vmem>>, vector<16xf32>,
      tpu.vector_store %arg4[%swap3A_281], %broadcast_in_dim3A_17 {strides = array<i32>} : memref<51200xf32, #tpu.memory_space<vmem>>, vector<16xf32>,
      %mul3A_283 = arith.constant 8 : i32
      %mul3A_284 = arith.muli %scan3A_235, %mul3A_283 : i32
      %add3A_285 = arith.constant 6 : i32
      %add3A_286 = arith.addi %mul3A_284, %add3A_285 : i32
      %mul3A_287 = arith.constant 16 : i32
      %mul3A_288 = arith.muli %add3A_286, %mul3A_287 : i32
      %swap3A_289 = arith.index_cast %mul3A_288 : i32 to index
      %swap3A_290 = tpu.vector_load %arg4[%swap3A_289] {strides = array<i32>} : memref<51200xf32, #tpu.memory_space<vmem>>, vector<16xf32>,
      tpu.vector_store %arg4[%swap3A_289], %broadcast_in_dim3A_17 {strides = array<i32>} : memref<51200xf32, #tpu.memory_space<vmem>>, vector<16xf32>,
      %mul3A_291 = arith.constant 8 : i32
      %mul3A_292 = arith.muli %scan3A_235, %mul3A_291 : i32
      %add3A_293 = arith.constant 7 : i32
      %add3A_294 = arith.addi %mul3A_292, %add3A_293 : i32
      %mul3A_295 = arith.constant 16 : i32
      %mul3A_296 = arith.muli %add3A_294, %mul3A_295 : i32
      %swap3A_297 = arith.index_cast %mul3A_296 : i32 to index
      %swap3A_298 = tpu.vector_load %arg4[%swap3A_297] {strides = array<i32>} : memref<51200xf32, #tpu.memory_space<vmem>>, vector<16xf32>,
      tpu.vector_store %arg4[%swap3A_297], %broadcast_in_dim3A_17 {strides = array<i32>} : memref<51200xf32, #tpu.memory_space<vmem>>, vector<16xf32>,
    }
    %scan3A_21 = arith.constant 400 : i32
    %add3A_22 = arith.constant 3200 : i32
    %add3A_23 = arith.addi %add3A_5, %add3A_22 : i32
    %dma_start3A_24 = arith.constant 1 : i32
    %dma_start3A_25 = arith.constant 3200 : i32
    %dma_start3A_26 = tpu.memref_slice %arg5[%dma_start3A_25] : memref<6400xi32, #tpu.memory_space<vmem>> -> memref<3200xi32, #tpu.memory_space<vmem>>
    %dma_start3A_27 = tpu.memref_slice %arg2[%add3A_23] : memref<1600000xi32, #tpu.memory_space<hbm>> -> memref<3200xi32, #tpu.memory_space<hbm>>
    %dma_start3A_28 = tpu.memref_slice %arg6[%dma_start3A_24] : memref<2x!tpu.dma_semaphore, #tpu.memory_space<semaphore_mem>> -> memref<1x!tpu.dma_semaphore, #tpu.memory_space<semaphore_mem>>
    %dma_start3A_29 = tpu.memref_squeeze %dma_start3A_28 : memref<1x!tpu.dma_semaphore, #tpu.memory_space<semaphore_mem>> -> memref<!tpu.dma_semaphore, #tpu.memory_space<semaphore_mem>>
    %dma_start3A_30 = arith.constant 3200 : i32
    %dma_start3A_31 = tpu.memref_slice %arg5[%dma_start3A_30] : memref<6400xi32, #tpu.memory_space<vmem>> -> memref<3200xi32, #tpu.memory_space<vmem>>
    %dma_start3A_32 = tpu.memref_slice %arg2[%add3A_23] : memref<1600000xi32, #tpu.memory_space<hbm>> -> memref<3200xi32, #tpu.memory_space<hbm>>
    tpu.enqueue_dma source(%dma_start3A_32 : memref<3200xi32, #tpu.memory_space<hbm>>) target(%dma_start3A_31 : memref<3200xi32, #tpu.memory_space<vmem>>) target_semaphore(%dma_start3A_29 : memref<!tpu.dma_semaphore, #tpu.memory_space<semaphore_mem>>)
    %add3A_33 = arith.constant 0 : i32
    %add3A_34 = arith.addi %add3A_5, %add3A_33 : i32
    %dma_wait3A = arith.constant 0 : i32
    %dma_wait3A_35 = arith.constant 0 : i32
    %dma_wait3A_36 = tpu.memref_slice %arg5[%dma_wait3A_35] : memref<6400xi32, #tpu.memory_space<vmem>> -> memref<3200xi32, #tpu.memory_space<vmem>>
    %dma_wait3A_37 = tpu.memref_slice %arg2[%add3A_34] : memref<1600000xi32, #tpu.memory_space<hbm>> -> memref<3200xi32, #tpu.memory_space<hbm>>
    %dma_wait3A_38 = tpu.memref_slice %arg6[%dma_wait3A] : memref<2x!tpu.dma_semaphore, #tpu.memory_space<semaphore_mem>> -> memref<1x!tpu.dma_semaphore, #tpu.memory_space<semaphore_mem>>
    %dma_wait3A_39 = tpu.memref_squeeze %dma_wait3A_38 : memref<1x!tpu.dma_semaphore, #tpu.memory_space<semaphore_mem>> -> memref<!tpu.dma_semaphore, #tpu.memory_space<semaphore_mem>>
    %dma_wait3A_40 = arith.constant 0 : i32
    %dma_wait3A_41 = tpu.memref_slice %arg5[%dma_wait3A_40] : memref<6400xi32, #tpu.memory_space<vmem>> -> memref<3200xi32, #tpu.memory_space<vmem>>
    %dma_wait3A_42 = tpu.memref_slice %arg2[%add3A_34] : memref<1600000xi32, #tpu.memory_space<hbm>> -> memref<3200xi32, #tpu.memory_space<hbm>>
    tpu.wait_dma2 semaphore(%dma_wait3A_39 : memref<!tpu.dma_semaphore, #tpu.memory_space<semaphore_mem>>) src(%dma_wait3A_42 : memref<3200xi32, #tpu.memory_space<hbm>>) dst(%dma_wait3A_41 : memref<3200xi32, #tpu.memory_space<vmem>>)
    %scan3A_43 = arith.constant 0 : i32
    %scan3A_44 = arith.constant 50 : i32
    %scan3A_45 = arith.addi %scan3A_43, %scan3A_44 : i32
    %scan3A_46 = arith.constant 1 : i32
    scf.for %scan3A_235 = %scan3A_43 to %scan3A_45 step %scan3A_46  : i32 {
      %mul3A_236 = arith.constant 4 : i32
      %mul3A_237 = arith.muli %scan3A_235, %mul3A_236 : i32
      %add3A_238 = arith.constant 0 : i32
      %add3A_239 = arith.addi %mul3A_237, %add3A_238 : i32
      %mul3A_240 = arith.constant 16 : i32
      %mul3A_241 = arith.muli %add3A_239, %mul3A_240 : i32
      %add3A_242 = arith.constant 0 : i32
      %add3A_243 = arith.addi %add3A_242, %mul3A_241 : i32
      %get3A_244 = arith.index_cast %add3A_243 : i32 to index
      %get3A_245 = tpu.vector_load %arg5[%get3A_244] {strides = array<i32>} : memref<6400xi32, #tpu.memory_space<vmem>>, vector<16xi32>,
      tpu.vector_store_idx %arg4[%get3A_245], %broadcast_in_dim3A_1 {add = true} : memref<51200xf32, #tpu.memory_space<vmem>>[vector<16xi32>], vector<16xf32>,
      %mul3A_246 = arith.constant 4 : i32
      %mul3A_247 = arith.muli %scan3A_235, %mul3A_246 : i32
      %add3A_248 = arith.constant 1 : i32
      %add3A_249 = arith.addi %mul3A_247, %add3A_248 : i32
      %mul3A_250 = arith.constant 16 : i32
      %mul3A_251 = arith.muli %add3A_249, %mul3A_250 : i32
      %add3A_252 = arith.constant 0 : i32
      %add3A_253 = arith.addi %add3A_252, %mul3A_251 : i32
      %get3A_254 = arith.index_cast %add3A_253 : i32 to index
      %get3A_255 = tpu.vector_load %arg5[%get3A_254] {strides = array<i32>} : memref<6400xi32, #tpu.memory_space<vmem>>, vector<16xi32>,
      tpu.vector_store_idx %arg4[%get3A_255], %broadcast_in_dim3A_1 {add = true} : memref<51200xf32, #tpu.memory_space<vmem>>[vector<16xi32>], vector<16xf32>,
      %mul3A_256 = arith.constant 4 : i32
      %mul3A_257 = arith.muli %scan3A_235, %mul3A_256 : i32
      %add3A_258 = arith.constant 2 : i32
      %add3A_259 = arith.addi %mul3A_257, %add3A_258 : i32
      %mul3A_260 = arith.constant 16 : i32
      %mul3A_261 = arith.muli %add3A_259, %mul3A_260 : i32
      %add3A_262 = arith.constant 0 : i32
      %add3A_263 = arith.addi %add3A_262, %mul3A_261 : i32
      %get3A_264 = arith.index_cast %add3A_263 : i32 to index
      %get3A_265 = tpu.vector_load %arg5[%get3A_264] {strides = array<i32>} : memref<6400xi32, #tpu.memory_space<vmem>>, vector<16xi32>,
      tpu.vector_store_idx %arg4[%get3A_265], %broadcast_in_dim3A_1 {add = true} : memref<51200xf32, #tpu.memory_space<vmem>>[vector<16xi32>], vector<16xf32>,
      %mul3A_266 = arith.constant 4 : i32
      %mul3A_267 = arith.muli %scan3A_235, %mul3A_266 : i32
      %add3A_268 = arith.constant 3 : i32
      %add3A_269 = arith.addi %mul3A_267, %add3A_268 : i32
      %mul3A_270 = arith.constant 16 : i32
      %mul3A_271 = arith.muli %add3A_269, %mul3A_270 : i32
      %add3A_272 = arith.constant 0 : i32
      %add3A_273 = arith.addi %add3A_272, %mul3A_271 : i32
      %get3A_274 = arith.index_cast %add3A_273 : i32 to index
      %get3A_275 = tpu.vector_load %arg5[%get3A_274] {strides = array<i32>} : memref<6400xi32, #tpu.memory_space<vmem>>, vector<16xi32>,
      tpu.vector_store_idx %arg4[%get3A_275], %broadcast_in_dim3A_1 {add = true} : memref<51200xf32, #tpu.memory_space<vmem>>[vector<16xi32>], vector<16xf32>,
    }
    %scan3A_47 = arith.constant 50 : i32
    %add3A_48 = arith.constant 6400 : i32
    %add3A_49 = arith.addi %add3A_5, %add3A_48 : i32
    %dma_start3A_50 = arith.constant 0 : i32
    %dma_start3A_51 = arith.constant 0 : i32
    %dma_start3A_52 = tpu.memref_slice %arg5[%dma_start3A_51] : memref<6400xi32, #tpu.memory_space<vmem>> -> memref<3200xi32, #tpu.memory_space<vmem>>
    %dma_start3A_53 = tpu.memref_slice %arg2[%add3A_49] : memref<1600000xi32, #tpu.memory_space<hbm>> -> memref<3200xi32, #tpu.memory_space<hbm>>
    %dma_start3A_54 = tpu.memref_slice %arg6[%dma_start3A_50] : memref<2x!tpu.dma_semaphore, #tpu.memory_space<semaphore_mem>> -> memref<1x!tpu.dma_semaphore, #tpu.memory_space<semaphore_mem>>
    %dma_start3A_55 = tpu.memref_squeeze %dma_start3A_54 : memref<1x!tpu.dma_semaphore, #tpu.memory_space<semaphore_mem>> -> memref<!tpu.dma_semaphore, #tpu.memory_space<semaphore_mem>>
    %dma_start3A_56 = arith.constant 0 : i32
    %dma_start3A_57 = tpu.memref_slice %arg5[%dma_start3A_56] : memref<6400xi32, #tpu.memory_space<vmem>> -> memref<3200xi32, #tpu.memory_space<vmem>>
    %dma_start3A_58 = tpu.memref_slice %arg2[%add3A_49] : memref<1600000xi32, #tpu.memory_space<hbm>> -> memref<3200xi32, #tpu.memory_space<hbm>>
    tpu.enqueue_dma source(%dma_start3A_58 : memref<3200xi32, #tpu.memory_space<hbm>>) target(%dma_start3A_57 : memref<3200xi32, #tpu.memory_space<vmem>>) target_semaphore(%dma_start3A_55 : memref<!tpu.dma_semaphore, #tpu.memory_space<semaphore_mem>>)
    %add3A_59 = arith.constant 3200 : i32
    %add3A_60 = arith.addi %add3A_5, %add3A_59 : i32
    %dma_wait3A_61 = arith.constant 1 : i32
    %dma_wait3A_62 = arith.constant 3200 : i32
    %dma_wait3A_63 = tpu.memref_slice %arg5[%dma_wait3A_62] : memref<6400xi32, #tpu.memory_space<vmem>> -> memref<3200xi32, #tpu.memory_space<vmem>>
    %dma_wait3A_64 = tpu.memref_slice %arg2[%add3A_60] : memref<1600000xi32, #tpu.memory_space<hbm>> -> memref<3200xi32, #tpu.memory_space<hbm>>
    %dma_wait3A_65 = tpu.memref_slice %arg6[%dma_wait3A_61] : memref<2x!tpu.dma_semaphore, #tpu.memory_space<semaphore_mem>> -> memref<1x!tpu.dma_semaphore, #tpu.memory_space<semaphore_mem>>
    %dma_wait3A_66 = tpu.memref_squeeze %dma_wait3A_65 : memref<1x!tpu.dma_semaphore, #tpu.memory_space<semaphore_mem>> -> memref<!tpu.dma_semaphore, #tpu.memory_space<semaphore_mem>>
    %dma_wait3A_67 = arith.constant 3200 : i32
    %dma_wait3A_68 = tpu.memref_slice %arg5[%dma_wait3A_67] : memref<6400xi32, #tpu.memory_space<vmem>> -> memref<3200xi32, #tpu.memory_space<vmem>>
    %dma_wait3A_69 = tpu.memref_slice %arg2[%add3A_60] : memref<1600000xi32, #tpu.memory_space<hbm>> -> memref<3200xi32, #tpu.memory_space<hbm>>
    tpu.wait_dma2 semaphore(%dma_wait3A_66 : memref<!tpu.dma_semaphore, #tpu.memory_space<semaphore_mem>>) src(%dma_wait3A_69 : memref<3200xi32, #tpu.memory_space<hbm>>) dst(%dma_wait3A_68 : memref<3200xi32, #tpu.memory_space<vmem>>)
    %scan3A_70 = arith.constant 0 : i32
    %scan3A_71 = arith.constant 50 : i32
    %scan3A_72 = arith.addi %scan3A_70, %scan3A_71 : i32
    %scan3A_73 = arith.constant 1 : i32
    scf.for %scan3A_235 = %scan3A_70 to %scan3A_72 step %scan3A_73  : i32 {
      %mul3A_236 = arith.constant 4 : i32
      %mul3A_237 = arith.muli %scan3A_235, %mul3A_236 : i32
      %add3A_238 = arith.constant 0 : i32
      %add3A_239 = arith.addi %mul3A_237, %add3A_238 : i32
      %mul3A_240 = arith.constant 16 : i32
      %mul3A_241 = arith.muli %add3A_239, %mul3A_240 : i32
      %add3A_242 = arith.constant 3200 : i32
      %add3A_243 = arith.addi %add3A_242, %mul3A_241 : i32
      %get3A_244 = arith.index_cast %add3A_243 : i32 to index
      %get3A_245 = tpu.vector_load %arg5[%get3A_244] {strides = array<i32>} : memref<6400xi32, #tpu.memory_space<vmem>>, vector<16xi32>,
      tpu.vector_store_idx %arg4[%get3A_245], %broadcast_in_dim3A_1 {add = true} : memref<51200xf32, #tpu.memory_space<vmem>>[vector<16xi32>], vector<16xf32>,
      %mul3A_246 = arith.constant 4 : i32
      %mul3A_247 = arith.muli %scan3A_235, %mul3A_246 : i32
      %add3A_248 = arith.constant 1 : i32
      %add3A_249 = arith.addi %mul3A_247, %add3A_248 : i32
      %mul3A_250 = arith.constant 16 : i32
      %mul3A_251 = arith.muli %add3A_249, %mul3A_250 : i32
      %add3A_252 = arith.constant 3200 : i32
      %add3A_253 = arith.addi %add3A_252, %mul3A_251 : i32
      %get3A_254 = arith.index_cast %add3A_253 : i32 to index
      %get3A_255 = tpu.vector_load %arg5[%get3A_254] {strides = array<i32>} : memref<6400xi32, #tpu.memory_space<vmem>>, vector<16xi32>,
      tpu.vector_store_idx %arg4[%get3A_255], %broadcast_in_dim3A_1 {add = true} : memref<51200xf32, #tpu.memory_space<vmem>>[vector<16xi32>], vector<16xf32>,
      %mul3A_256 = arith.constant 4 : i32
      %mul3A_257 = arith.muli %scan3A_235, %mul3A_256 : i32
      %add3A_258 = arith.constant 2 : i32
      %add3A_259 = arith.addi %mul3A_257, %add3A_258 : i32
      %mul3A_260 = arith.constant 16 : i32
      %mul3A_261 = arith.muli %add3A_259, %mul3A_260 : i32
      %add3A_262 = arith.constant 3200 : i32
      %add3A_263 = arith.addi %add3A_262, %mul3A_261 : i32
      %get3A_264 = arith.index_cast %add3A_263 : i32 to index
      %get3A_265 = tpu.vector_load %arg5[%get3A_264] {strides = array<i32>} : memref<6400xi32, #tpu.memory_space<vmem>>, vector<16xi32>,
      tpu.vector_store_idx %arg4[%get3A_265], %broadcast_in_dim3A_1 {add = true} : memref<51200xf32, #tpu.memory_space<vmem>>[vector<16xi32>], vector<16xf32>,
      %mul3A_266 = arith.constant 4 : i32
      %mul3A_267 = arith.muli %scan3A_235, %mul3A_266 : i32
      %add3A_268 = arith.constant 3 : i32
      %add3A_269 = arith.addi %mul3A_267, %add3A_268 : i32
      %mul3A_270 = arith.constant 16 : i32
      %mul3A_271 = arith.muli %add3A_269, %mul3A_270 : i32
      %add3A_272 = arith.constant 3200 : i32
      %add3A_273 = arith.addi %add3A_272, %mul3A_271 : i32
      %get3A_274 = arith.index_cast %add3A_273 : i32 to index
      %get3A_275 = tpu.vector_load %arg5[%get3A_274] {strides = array<i32>} : memref<6400xi32, #tpu.memory_space<vmem>>, vector<16xi32>,
      tpu.vector_store_idx %arg4[%get3A_275], %broadcast_in_dim3A_1 {add = true} : memref<51200xf32, #tpu.memory_space<vmem>>[vector<16xi32>], vector<16xf32>,
    }
    %scan3A_74 = arith.constant 50 : i32
    %add3A_75 = arith.constant 9600 : i32
    %add3A_76 = arith.addi %add3A_5, %add3A_75 : i32
    %dma_start3A_77 = arith.constant 1 : i32
    %dma_start3A_78 = arith.constant 3200 : i32
    %dma_start3A_79 = tpu.memref_slice %arg5[%dma_start3A_78] : memref<6400xi32, #tpu.memory_space<vmem>> -> memref<3200xi32, #tpu.memory_space<vmem>>
    %dma_start3A_80 = tpu.memref_slice %arg2[%add3A_76] : memref<1600000xi32, #tpu.memory_space<hbm>> -> memref<3200xi32, #tpu.memory_space<hbm>>
    %dma_start3A_81 = tpu.memref_slice %arg6[%dma_start3A_77] : memref<2x!tpu.dma_semaphore, #tpu.memory_space<semaphore_mem>> -> memref<1x!tpu.dma_semaphore, #tpu.memory_space<semaphore_mem>>
    %dma_start3A_82 = tpu.memref_squeeze %dma_start3A_81 : memref<1x!tpu.dma_semaphore, #tpu.memory_space<semaphore_mem>> -> memref<!tpu.dma_semaphore, #tpu.memory_space<semaphore_mem>>
    %dma_start3A_83 = arith.constant 3200 : i32
    %dma_start3A_84 = tpu.memref_slice %arg5[%dma_start3A_83] : memref<6400xi32, #tpu.memory_space<vmem>> -> memref<3200xi32, #tpu.memory_space<vmem>>
    %dma_start3A_85 = tpu.memref_slice %arg2[%add3A_76] : memref<1600000xi32, #tpu.memory_space<hbm>> -> memref<3200xi32, #tpu.memory_space<hbm>>
    tpu.enqueue_dma source(%dma_start3A_85 : memref<3200xi32, #tpu.memory_space<hbm>>) target(%dma_start3A_84 : memref<3200xi32, #tpu.memory_space<vmem>>) target_semaphore(%dma_start3A_82 : memref<!tpu.dma_semaphore, #tpu.memory_space<semaphore_mem>>)
    %add3A_86 = arith.constant 6400 : i32
    %add3A_87 = arith.addi %add3A_5, %add3A_86 : i32
    %dma_wait3A_88 = arith.constant 0 : i32
    %dma_wait3A_89 = arith.constant 0 : i32
    %dma_wait3A_90 = tpu.memref_slice %arg5[%dma_wait3A_89] : memref<6400xi32, #tpu.memory_space<vmem>> -> memref<3200xi32, #tpu.memory_space<vmem>>
    %dma_wait3A_91 = tpu.memref_slice %arg2[%add3A_87] : memref<1600000xi32, #tpu.memory_space<hbm>> -> memref<3200xi32, #tpu.memory_space<hbm>>
    %dma_wait3A_92 = tpu.memref_slice %arg6[%dma_wait3A_88] : memref<2x!tpu.dma_semaphore, #tpu.memory_space<semaphore_mem>> -> memref<1x!tpu.dma_semaphore, #tpu.memory_space<semaphore_mem>>
    %dma_wait3A_93 = tpu.memref_squeeze %dma_wait3A_92 : memref<1x!tpu.dma_semaphore, #tpu.memory_space<semaphore_mem>> -> memref<!tpu.dma_semaphore, #tpu.memory_space<semaphore_mem>>
    %dma_wait3A_94 = arith.constant 0 : i32
    %dma_wait3A_95 = tpu.memref_slice %arg5[%dma_wait3A_94] : memref<6400xi32, #tpu.memory_space<vmem>> -> memref<3200xi32, #tpu.memory_space<vmem>>
    %dma_wait3A_96 = tpu.memref_slice %arg2[%add3A_87] : memref<1600000xi32, #tpu.memory_space<hbm>> -> memref<3200xi32, #tpu.memory_space<hbm>>
    tpu.wait_dma2 semaphore(%dma_wait3A_93 : memref<!tpu.dma_semaphore, #tpu.memory_space<semaphore_mem>>) src(%dma_wait3A_96 : memref<3200xi32, #tpu.memory_space<hbm>>) dst(%dma_wait3A_95 : memref<3200xi32, #tpu.memory_space<vmem>>)
    %scan3A_97 = arith.constant 0 : i32
    %scan3A_98 = arith.constant 50 : i32
    %scan3A_99 = arith.addi %scan3A_97, %scan3A_98 : i32
    %scan3A_100 = arith.constant 1 : i32
    scf.for %scan3A_235 = %scan3A_97 to %scan3A_99 step %scan3A_100  : i32 {
      %mul3A_236 = arith.constant 4 : i32
      %mul3A_237 = arith.muli %scan3A_235, %mul3A_236 : i32
      %add3A_238 = arith.constant 0 : i32
      %add3A_239 = arith.addi %mul3A_237, %add3A_238 : i32
      %mul3A_240 = arith.constant 16 : i32
      %mul3A_241 = arith.muli %add3A_239, %mul3A_240 : i32
      %add3A_242 = arith.constant 0 : i32
      %add3A_243 = arith.addi %add3A_242, %mul3A_241 : i32
      %get3A_244 = arith.index_cast %add3A_243 : i32 to index
      %get3A_245 = tpu.vector_load %arg5[%get3A_244] {strides = array<i32>} : memref<6400xi32, #tpu.memory_space<vmem>>, vector<16xi32>,
      tpu.vector_store_idx %arg4[%get3A_245], %broadcast_in_dim3A_1 {add = true} : memref<51200xf32, #tpu.memory_space<vmem>>[vector<16xi32>], vector<16xf32>,
      %mul3A_246 = arith.constant 4 : i32
      %mul3A_247 = arith.muli %scan3A_235, %mul3A_246 : i32
      %add3A_248 = arith.constant 1 : i32
      %add3A_249 = arith.addi %mul3A_247, %add3A_248 : i32
      %mul3A_250 = arith.constant 16 : i32
      %mul3A_251 = arith.muli %add3A_249, %mul3A_250 : i32
      %add3A_252 = arith.constant 0 : i32
      %add3A_253 = arith.addi %add3A_252, %mul3A_251 : i32
      %get3A_254 = arith.index_cast %add3A_253 : i32 to index
      %get3A_255 = tpu.vector_load %arg5[%get3A_254] {strides = array<i32>} : memref<6400xi32, #tpu.memory_space<vmem>>, vector<16xi32>,
      tpu.vector_store_idx %arg4[%get3A_255], %broadcast_in_dim3A_1 {add = true} : memref<51200xf32, #tpu.memory_space<vmem>>[vector<16xi32>], vector<16xf32>,
      %mul3A_256 = arith.constant 4 : i32
      %mul3A_257 = arith.muli %scan3A_235, %mul3A_256 : i32
      %add3A_258 = arith.constant 2 : i32
      %add3A_259 = arith.addi %mul3A_257, %add3A_258 : i32
      %mul3A_260 = arith.constant 16 : i32
      %mul3A_261 = arith.muli %add3A_259, %mul3A_260 : i32
      %add3A_262 = arith.constant 0 : i32
      %add3A_263 = arith.addi %add3A_262, %mul3A_261 : i32
      %get3A_264 = arith.index_cast %add3A_263 : i32 to index
      %get3A_265 = tpu.vector_load %arg5[%get3A_264] {strides = array<i32>} : memref<6400xi32, #tpu.memory_space<vmem>>, vector<16xi32>,
      tpu.vector_store_idx %arg4[%get3A_265], %broadcast_in_dim3A_1 {add = true} : memref<51200xf32, #tpu.memory_space<vmem>>[vector<16xi32>], vector<16xf32>,
      %mul3A_266 = arith.constant 4 : i32
      %mul3A_267 = arith.muli %scan3A_235, %mul3A_266 : i32
      %add3A_268 = arith.constant 3 : i32
      %add3A_269 = arith.addi %mul3A_267, %add3A_268 : i32
      %mul3A_270 = arith.constant 16 : i32
      %mul3A_271 = arith.muli %add3A_269, %mul3A_270 : i32
      %add3A_272 = arith.constant 0 : i32
      %add3A_273 = arith.addi %add3A_272, %mul3A_271 : i32
      %get3A_274 = arith.index_cast %add3A_273 : i32 to index
      %get3A_275 = tpu.vector_load %arg5[%get3A_274] {strides = array<i32>} : memref<6400xi32, #tpu.memory_space<vmem>>, vector<16xi32>,
      tpu.vector_store_idx %arg4[%get3A_275], %broadcast_in_dim3A_1 {add = true} : memref<51200xf32, #tpu.memory_space<vmem>>[vector<16xi32>], vector<16xf32>,
    }
    %scan3A_101 = arith.constant 50 : i32
    %add3A_102 = arith.constant 12800 : i32
    %add3A_103 = arith.addi %add3A_5, %add3A_102 : i32
    %dma_start3A_104 = arith.constant 0 : i32
    %dma_start3A_105 = arith.constant 0 : i32
    %dma_start3A_106 = tpu.memref_slice %arg5[%dma_start3A_105] : memref<6400xi32, #tpu.memory_space<vmem>> -> memref<3200xi32, #tpu.memory_space<vmem>>
    %dma_start3A_107 = tpu.memref_slice %arg2[%add3A_103] : memref<1600000xi32, #tpu.memory_space<hbm>> -> memref<3200xi32, #tpu.memory_space<hbm>>
    %dma_start3A_108 = tpu.memref_slice %arg6[%dma_start3A_104] : memref<2x!tpu.dma_semaphore, #tpu.memory_space<semaphore_mem>> -> memref<1x!tpu.dma_semaphore, #tpu.memory_space<semaphore_mem>>
    %dma_start3A_109 = tpu.memref_squeeze %dma_start3A_108 : memref<1x!tpu.dma_semaphore, #tpu.memory_space<semaphore_mem>> -> memref<!tpu.dma_semaphore, #tpu.memory_space<semaphore_mem>>
    %dma_start3A_110 = arith.constant 0 : i32
    %dma_start3A_111 = tpu.memref_slice %arg5[%dma_start3A_110] : memref<6400xi32, #tpu.memory_space<vmem>> -> memref<3200xi32, #tpu.memory_space<vmem>>
    %dma_start3A_112 = tpu.memref_slice %arg2[%add3A_103] : memref<1600000xi32, #tpu.memory_space<hbm>> -> memref<3200xi32, #tpu.memory_space<hbm>>
    tpu.enqueue_dma source(%dma_start3A_112 : memref<3200xi32, #tpu.memory_space<hbm>>) target(%dma_start3A_111 : memref<3200xi32, #tpu.memory_space<vmem>>) target_semaphore(%dma_start3A_109 : memref<!tpu.dma_semaphore, #tpu.memory_space<semaphore_mem>>)
    %add3A_113 = arith.constant 9600 : i32
    %add3A_114 = arith.addi %add3A_5, %add3A_113 : i32
    %dma_wait3A_115 = arith.constant 1 : i32
    %dma_wait3A_116 = arith.constant 3200 : i32
    %dma_wait3A_117 = tpu.memref_slice %arg5[%dma_wait3A_116] : memref<6400xi32, #tpu.memory_space<vmem>> -> memref<3200xi32, #tpu.memory_space<vmem>>
    %dma_wait3A_118 = tpu.memref_slice %arg2[%add3A_114] : memref<1600000xi32, #tpu.memory_space<hbm>> -> memref<3200xi32, #tpu.memory_space<hbm>>
    %dma_wait3A_119 = tpu.memref_slice %arg6[%dma_wait3A_115] : memref<2x!tpu.dma_semaphore, #tpu.memory_space<semaphore_mem>> -> memref<1x!tpu.dma_semaphore, #tpu.memory_space<semaphore_mem>>
    %dma_wait3A_120 = tpu.memref_squeeze %dma_wait3A_119 : memref<1x!tpu.dma_semaphore, #tpu.memory_space<semaphore_mem>> -> memref<!tpu.dma_semaphore, #tpu.memory_space<semaphore_mem>>
    %dma_wait3A_121 = arith.constant 3200 : i32
    %dma_wait3A_122 = tpu.memref_slice %arg5[%dma_wait3A_121] : memref<6400xi32, #tpu.memory_space<vmem>> -> memref<3200xi32, #tpu.memory_space<vmem>>
    %dma_wait3A_123 = tpu.memref_slice %arg2[%add3A_114] : memref<1600000xi32, #tpu.memory_space<hbm>> -> memref<3200xi32, #tpu.memory_space<hbm>>
    tpu.wait_dma2 semaphore(%dma_wait3A_120 : memref<!tpu.dma_semaphore, #tpu.memory_space<semaphore_mem>>) src(%dma_wait3A_123 : memref<3200xi32, #tpu.memory_space<hbm>>) dst(%dma_wait3A_122 : memref<3200xi32, #tpu.memory_space<vmem>>)
    %scan3A_124 = arith.constant 0 : i32
    %scan3A_125 = arith.constant 50 : i32
    %scan3A_126 = arith.addi %scan3A_124, %scan3A_125 : i32
    %scan3A_127 = arith.constant 1 : i32
    scf.for %scan3A_235 = %scan3A_124 to %scan3A_126 step %scan3A_127  : i32 {
      %mul3A_236 = arith.constant 4 : i32
      %mul3A_237 = arith.muli %scan3A_235, %mul3A_236 : i32
      %add3A_238 = arith.constant 0 : i32
      %add3A_239 = arith.addi %mul3A_237, %add3A_238 : i32
      %mul3A_240 = arith.constant 16 : i32
      %mul3A_241 = arith.muli %add3A_239, %mul3A_240 : i32
      %add3A_242 = arith.constant 3200 : i32
      %add3A_243 = arith.addi %add3A_242, %mul3A_241 : i32
      %get3A_244 = arith.index_cast %add3A_243 : i32 to index
      %get3A_245 = tpu.vector_load %arg5[%get3A_244] {strides = array<i32>} : memref<6400xi32, #tpu.memory_space<vmem>>, vector<16xi32>,
      tpu.vector_store_idx %arg4[%get3A_245], %broadcast_in_dim3A_1 {add = true} : memref<51200xf32, #tpu.memory_space<vmem>>[vector<16xi32>], vector<16xf32>,
      %mul3A_246 = arith.constant 4 : i32
      %mul3A_247 = arith.muli %scan3A_235, %mul3A_246 : i32
      %add3A_248 = arith.constant 1 : i32
      %add3A_249 = arith.addi %mul3A_247, %add3A_248 : i32
      %mul3A_250 = arith.constant 16 : i32
      %mul3A_251 = arith.muli %add3A_249, %mul3A_250 : i32
      %add3A_252 = arith.constant 3200 : i32
      %add3A_253 = arith.addi %add3A_252, %mul3A_251 : i32
      %get3A_254 = arith.index_cast %add3A_253 : i32 to index
      %get3A_255 = tpu.vector_load %arg5[%get3A_254] {strides = array<i32>} : memref<6400xi32, #tpu.memory_space<vmem>>, vector<16xi32>,
      tpu.vector_store_idx %arg4[%get3A_255], %broadcast_in_dim3A_1 {add = true} : memref<51200xf32, #tpu.memory_space<vmem>>[vector<16xi32>], vector<16xf32>,
      %mul3A_256 = arith.constant 4 : i32
      %mul3A_257 = arith.muli %scan3A_235, %mul3A_256 : i32
      %add3A_258 = arith.constant 2 : i32
      %add3A_259 = arith.addi %mul3A_257, %add3A_258 : i32
      %mul3A_260 = arith.constant 16 : i32
      %mul3A_261 = arith.muli %add3A_259, %mul3A_260 : i32
      %add3A_262 = arith.constant 3200 : i32
      %add3A_263 = arith.addi %add3A_262, %mul3A_261 : i32
      %get3A_264 = arith.index_cast %add3A_263 : i32 to index
      %get3A_265 = tpu.vector_load %arg5[%get3A_264] {strides = array<i32>} : memref<6400xi32, #tpu.memory_space<vmem>>, vector<16xi32>,
      tpu.vector_store_idx %arg4[%get3A_265], %broadcast_in_dim3A_1 {add = true} : memref<51200xf32, #tpu.memory_space<vmem>>[vector<16xi32>], vector<16xf32>,
      %mul3A_266 = arith.constant 4 : i32
      %mul3A_267 = arith.muli %scan3A_235, %mul3A_266 : i32
      %add3A_268 = arith.constant 3 : i32
      %add3A_269 = arith.addi %mul3A_267, %add3A_268 : i32
      %mul3A_270 = arith.constant 16 : i32
      %mul3A_271 = arith.muli %add3A_269, %mul3A_270 : i32
      %add3A_272 = arith.constant 3200 : i32
      %add3A_273 = arith.addi %add3A_272, %mul3A_271 : i32
      %get3A_274 = arith.index_cast %add3A_273 : i32 to index
      %get3A_275 = tpu.vector_load %arg5[%get3A_274] {strides = array<i32>} : memref<6400xi32, #tpu.memory_space<vmem>>, vector<16xi32>,
      tpu.vector_store_idx %arg4[%get3A_275], %broadcast_in_dim3A_1 {add = true} : memref<51200xf32, #tpu.memory_space<vmem>>[vector<16xi32>], vector<16xf32>,
    }
    %scan3A_128 = arith.constant 50 : i32
    %add3A_129 = arith.constant 16000 : i32
    %add3A_130 = arith.addi %add3A_5, %add3A_129 : i32
    %dma_start3A_131 = arith.constant 1 : i32
    %dma_start3A_132 = arith.constant 3200 : i32
    %dma_start3A_133 = tpu.memref_slice %arg5[%dma_start3A_132] : memref<6400xi32, #tpu.memory_space<vmem>> -> memref<3200xi32, #tpu.memory_space<vmem>>
    %dma_start3A_134 = tpu.memref_slice %arg2[%add3A_130] : memref<1600000xi32, #tpu.memory_space<hbm>> -> memref<3200xi32, #tpu.memory_space<hbm>>
    %dma_start3A_135 = tpu.memref_slice %arg6[%dma_start3A_131] : memref<2x!tpu.dma_semaphore, #tpu.memory_space<semaphore_mem>> -> memref<1x!tpu.dma_semaphore, #tpu.memory_space<semaphore_mem>>
    %dma_start3A_136 = tpu.memref_squeeze %dma_start3A_135 : memref<1x!tpu.dma_semaphore, #tpu.memory_space<semaphore_mem>> -> memref<!tpu.dma_semaphore, #tpu.memory_space<semaphore_mem>>
    %dma_start3A_137 = arith.constant 3200 : i32
    %dma_start3A_138 = tpu.memref_slice %arg5[%dma_start3A_137] : memref<6400xi32, #tpu.memory_space<vmem>> -> memref<3200xi32, #tpu.memory_space<vmem>>
    %dma_start3A_139 = tpu.memref_slice %arg2[%add3A_130] : memref<1600000xi32, #tpu.memory_space<hbm>> -> memref<3200xi32, #tpu.memory_space<hbm>>
    tpu.enqueue_dma source(%dma_start3A_139 : memref<3200xi32, #tpu.memory_space<hbm>>) target(%dma_start3A_138 : memref<3200xi32, #tpu.memory_space<vmem>>) target_semaphore(%dma_start3A_136 : memref<!tpu.dma_semaphore, #tpu.memory_space<semaphore_mem>>)
    %add3A_140 = arith.constant 12800 : i32
    %add3A_141 = arith.addi %add3A_5, %add3A_140 : i32
    %dma_wait3A_142 = arith.constant 0 : i32
    %dma_wait3A_143 = arith.constant 0 : i32
    %dma_wait3A_144 = tpu.memref_slice %arg5[%dma_wait3A_143] : memref<6400xi32, #tpu.memory_space<vmem>> -> memref<3200xi32, #tpu.memory_space<vmem>>
    %dma_wait3A_145 = tpu.memref_slice %arg2[%add3A_141] : memref<1600000xi32, #tpu.memory_space<hbm>> -> memref<3200xi32, #tpu.memory_space<hbm>>
    %dma_wait3A_146 = tpu.memref_slice %arg6[%dma_wait3A_142] : memref<2x!tpu.dma_semaphore, #tpu.memory_space<semaphore_mem>> -> memref<1x!tpu.dma_semaphore, #tpu.memory_space<semaphore_mem>>
    %dma_wait3A_147 = tpu.memref_squeeze %dma_wait3A_146 : memref<1x!tpu.dma_semaphore, #tpu.memory_space<semaphore_mem>> -> memref<!tpu.dma_semaphore, #tpu.memory_space<semaphore_mem>>
    %dma_wait3A_148 = arith.constant 0 : i32
    %dma_wait3A_149 = tpu.memref_slice %arg5[%dma_wait3A_148] : memref<6400xi32, #tpu.memory_space<vmem>> -> memref<3200xi32, #tpu.memory_space<vmem>>
    %dma_wait3A_150 = tpu.memref_slice %arg2[%add3A_141] : memref<1600000xi32, #tpu.memory_space<hbm>> -> memref<3200xi32, #tpu.memory_space<hbm>>
    tpu.wait_dma2 semaphore(%dma_wait3A_147 : memref<!tpu.dma_semaphore, #tpu.memory_space<semaphore_mem>>) src(%dma_wait3A_150 : memref<3200xi32, #tpu.memory_space<hbm>>) dst(%dma_wait3A_149 : memref<3200xi32, #tpu.memory_space<vmem>>)
    %scan3A_151 = arith.constant 0 : i32
    %scan3A_152 = arith.constant 50 : i32
    %scan3A_153 = arith.addi %scan3A_151, %scan3A_152 : i32
    %scan3A_154 = arith.constant 1 : i32
    scf.for %scan3A_235 = %scan3A_151 to %scan3A_153 step %scan3A_154  : i32 {
      %mul3A_236 = arith.constant 4 : i32
      %mul3A_237 = arith.muli %scan3A_235, %mul3A_236 : i32
      %add3A_238 = arith.constant 0 : i32
      %add3A_239 = arith.addi %mul3A_237, %add3A_238 : i32
      %mul3A_240 = arith.constant 16 : i32
      %mul3A_241 = arith.muli %add3A_239, %mul3A_240 : i32
      %add3A_242 = arith.constant 0 : i32
      %add3A_243 = arith.addi %add3A_242, %mul3A_241 : i32
      %get3A_244 = arith.index_cast %add3A_243 : i32 to index
      %get3A_245 = tpu.vector_load %arg5[%get3A_244] {strides = array<i32>} : memref<6400xi32, #tpu.memory_space<vmem>>, vector<16xi32>,
      tpu.vector_store_idx %arg4[%get3A_245], %broadcast_in_dim3A_1 {add = true} : memref<51200xf32, #tpu.memory_space<vmem>>[vector<16xi32>], vector<16xf32>,
      %mul3A_246 = arith.constant 4 : i32
      %mul3A_247 = arith.muli %scan3A_235, %mul3A_246 : i32
      %add3A_248 = arith.constant 1 : i32
      %add3A_249 = arith.addi %mul3A_247, %add3A_248 : i32
      %mul3A_250 = arith.constant 16 : i32
      %mul3A_251 = arith.muli %add3A_249, %mul3A_250 : i32
      %add3A_252 = arith.constant 0 : i32
      %add3A_253 = arith.addi %add3A_252, %mul3A_251 : i32
      %get3A_254 = arith.index_cast %add3A_253 : i32 to index
      %get3A_255 = tpu.vector_load %arg5[%get3A_254] {strides = array<i32>} : memref<6400xi32, #tpu.memory_space<vmem>>, vector<16xi32>,
      tpu.vector_store_idx %arg4[%get3A_255], %broadcast_in_dim3A_1 {add = true} : memref<51200xf32, #tpu.memory_space<vmem>>[vector<16xi32>], vector<16xf32>,
      %mul3A_256 = arith.constant 4 : i32
      %mul3A_257 = arith.muli %scan3A_235, %mul3A_256 : i32
      %add3A_258 = arith.constant 2 : i32
      %add3A_259 = arith.addi %mul3A_257, %add3A_258 : i32
      %mul3A_260 = arith.constant 16 : i32
      %mul3A_261 = arith.muli %add3A_259, %mul3A_260 : i32
      %add3A_262 = arith.constant 0 : i32
      %add3A_263 = arith.addi %add3A_262, %mul3A_261 : i32
      %get3A_264 = arith.index_cast %add3A_263 : i32 to index
      %get3A_265 = tpu.vector_load %arg5[%get3A_264] {strides = array<i32>} : memref<6400xi32, #tpu.memory_space<vmem>>, vector<16xi32>,
      tpu.vector_store_idx %arg4[%get3A_265], %broadcast_in_dim3A_1 {add = true} : memref<51200xf32, #tpu.memory_space<vmem>>[vector<16xi32>], vector<16xf32>,
      %mul3A_266 = arith.constant 4 : i32
      %mul3A_267 = arith.muli %scan3A_235, %mul3A_266 : i32
      %add3A_268 = arith.constant 3 : i32
      %add3A_269 = arith.addi %mul3A_267, %add3A_268 : i32
      %mul3A_270 = arith.constant 16 : i32
      %mul3A_271 = arith.muli %add3A_269, %mul3A_270 : i32
      %add3A_272 = arith.constant 0 : i32
      %add3A_273 = arith.addi %add3A_272, %mul3A_271 : i32
      %get3A_274 = arith.index_cast %add3A_273 : i32 to index
      %get3A_275 = tpu.vector_load %arg5[%get3A_274] {strides = array<i32>} : memref<6400xi32, #tpu.memory_space<vmem>>, vector<16xi32>,
      tpu.vector_store_idx %arg4[%get3A_275], %broadcast_in_dim3A_1 {add = true} : memref<51200xf32, #tpu.memory_space<vmem>>[vector<16xi32>], vector<16xf32>,
    }
    %scan3A_155 = arith.constant 50 : i32
    %add3A_156 = arith.constant 19200 : i32
    %add3A_157 = arith.addi %add3A_5, %add3A_156 : i32
    %dma_start3A_158 = arith.constant 0 : i32
    %dma_start3A_159 = arith.constant 0 : i32
    %dma_start3A_160 = tpu.memref_slice %arg5[%dma_start3A_159] : memref<6400xi32, #tpu.memory_space<vmem>> -> memref<3200xi32, #tpu.memory_space<vmem>>
    %dma_start3A_161 = tpu.memref_slice %arg2[%add3A_157] : memref<1600000xi32, #tpu.memory_space<hbm>> -> memref<3200xi32, #tpu.memory_space<hbm>>
    %dma_start3A_162 = tpu.memref_slice %arg6[%dma_start3A_158] : memref<2x!tpu.dma_semaphore, #tpu.memory_space<semaphore_mem>> -> memref<1x!tpu.dma_semaphore, #tpu.memory_space<semaphore_mem>>
    %dma_start3A_163 = tpu.memref_squeeze %dma_start3A_162 : memref<1x!tpu.dma_semaphore, #tpu.memory_space<semaphore_mem>> -> memref<!tpu.dma_semaphore, #tpu.memory_space<semaphore_mem>>
    %dma_start3A_164 = arith.constant 0 : i32
    %dma_start3A_165 = tpu.memref_slice %arg5[%dma_start3A_164] : memref<6400xi32, #tpu.memory_space<vmem>> -> memref<3200xi32, #tpu.memory_space<vmem>>
    %dma_start3A_166 = tpu.memref_slice %arg2[%add3A_157] : memref<1600000xi32, #tpu.memory_space<hbm>> -> memref<3200xi32, #tpu.memory_space<hbm>>
    tpu.enqueue_dma source(%dma_start3A_166 : memref<3200xi32, #tpu.memory_space<hbm>>) target(%dma_start3A_165 : memref<3200xi32, #tpu.memory_space<vmem>>) target_semaphore(%dma_start3A_163 : memref<!tpu.dma_semaphore, #tpu.memory_space<semaphore_mem>>)
    %add3A_167 = arith.constant 16000 : i32
    %add3A_168 = arith.addi %add3A_5, %add3A_167 : i32
    %dma_wait3A_169 = arith.constant 1 : i32
    %dma_wait3A_170 = arith.constant 3200 : i32
    %dma_wait3A_171 = tpu.memref_slice %arg5[%dma_wait3A_170] : memref<6400xi32, #tpu.memory_space<vmem>> -> memref<3200xi32, #tpu.memory_space<vmem>>
    %dma_wait3A_172 = tpu.memref_slice %arg2[%add3A_168] : memref<1600000xi32, #tpu.memory_space<hbm>> -> memref<3200xi32, #tpu.memory_space<hbm>>
    %dma_wait3A_173 = tpu.memref_slice %arg6[%dma_wait3A_169] : memref<2x!tpu.dma_semaphore, #tpu.memory_space<semaphore_mem>> -> memref<1x!tpu.dma_semaphore, #tpu.memory_space<semaphore_mem>>
    %dma_wait3A_174 = tpu.memref_squeeze %dma_wait3A_173 : memref<1x!tpu.dma_semaphore, #tpu.memory_space<semaphore_mem>> -> memref<!tpu.dma_semaphore, #tpu.memory_space<semaphore_mem>>
    %dma_wait3A_175 = arith.constant 3200 : i32
    %dma_wait3A_176 = tpu.memref_slice %arg5[%dma_wait3A_175] : memref<6400xi32, #tpu.memory_space<vmem>> -> memref<3200xi32, #tpu.memory_space<vmem>>
    %dma_wait3A_177 = tpu.memref_slice %arg2[%add3A_168] : memref<1600000xi32, #tpu.memory_space<hbm>> -> memref<3200xi32, #tpu.memory_space<hbm>>
    tpu.wait_dma2 semaphore(%dma_wait3A_174 : memref<!tpu.dma_semaphore, #tpu.memory_space<semaphore_mem>>) src(%dma_wait3A_177 : memref<3200xi32, #tpu.memory_space<hbm>>) dst(%dma_wait3A_176 : memref<3200xi32, #tpu.memory_space<vmem>>)
    %scan3A_178 = arith.constant 0 : i32
    %scan3A_179 = arith.constant 50 : i32
    %scan3A_180 = arith.addi %scan3A_178, %scan3A_179 : i32
    %scan3A_181 = arith.constant 1 : i32
    scf.for %scan3A_235 = %scan3A_178 to %scan3A_180 step %scan3A_181  : i32 {
      %mul3A_236 = arith.constant 4 : i32
      %mul3A_237 = arith.muli %scan3A_235, %mul3A_236 : i32
      %add3A_238 = arith.constant 0 : i32
      %add3A_239 = arith.addi %mul3A_237, %add3A_238 : i32
      %mul3A_240 = arith.constant 16 : i32
      %mul3A_241 = arith.muli %add3A_239, %mul3A_240 : i32
      %add3A_242 = arith.constant 3200 : i32
      %add3A_243 = arith.addi %add3A_242, %mul3A_241 : i32
      %get3A_244 = arith.index_cast %add3A_243 : i32 to index
      %get3A_245 = tpu.vector_load %arg5[%get3A_244] {strides = array<i32>} : memref<6400xi32, #tpu.memory_space<vmem>>, vector<16xi32>,
      tpu.vector_store_idx %arg4[%get3A_245], %broadcast_in_dim3A_1 {add = true} : memref<51200xf32, #tpu.memory_space<vmem>>[vector<16xi32>], vector<16xf32>,
      %mul3A_246 = arith.constant 4 : i32
      %mul3A_247 = arith.muli %scan3A_235, %mul3A_246 : i32
      %add3A_248 = arith.constant 1 : i32
      %add3A_249 = arith.addi %mul3A_247, %add3A_248 : i32
      %mul3A_250 = arith.constant 16 : i32
      %mul3A_251 = arith.muli %add3A_249, %mul3A_250 : i32
      %add3A_252 = arith.constant 3200 : i32
      %add3A_253 = arith.addi %add3A_252, %mul3A_251 : i32
      %get3A_254 = arith.index_cast %add3A_253 : i32 to index
      %get3A_255 = tpu.vector_load %arg5[%get3A_254] {strides = array<i32>} : memref<6400xi32, #tpu.memory_space<vmem>>, vector<16xi32>,
      tpu.vector_store_idx %arg4[%get3A_255], %broadcast_in_dim3A_1 {add = true} : memref<51200xf32, #tpu.memory_space<vmem>>[vector<16xi32>], vector<16xf32>,
      %mul3A_256 = arith.constant 4 : i32
      %mul3A_257 = arith.muli %scan3A_235, %mul3A_256 : i32
      %add3A_258 = arith.constant 2 : i32
      %add3A_259 = arith.addi %mul3A_257, %add3A_258 : i32
      %mul3A_260 = arith.constant 16 : i32
      %mul3A_261 = arith.muli %add3A_259, %mul3A_260 : i32
      %add3A_262 = arith.constant 3200 : i32
      %add3A_263 = arith.addi %add3A_262, %mul3A_261 : i32
      %get3A_264 = arith.index_cast %add3A_263 : i32 to index
      %get3A_265 = tpu.vector_load %arg5[%get3A_264] {strides = array<i32>} : memref<6400xi32, #tpu.memory_space<vmem>>, vector<16xi32>,
      tpu.vector_store_idx %arg4[%get3A_265], %broadcast_in_dim3A_1 {add = true} : memref<51200xf32, #tpu.memory_space<vmem>>[vector<16xi32>], vector<16xf32>,
      %mul3A_266 = arith.constant 4 : i32
      %mul3A_267 = arith.muli %scan3A_235, %mul3A_266 : i32
      %add3A_268 = arith.constant 3 : i32
      %add3A_269 = arith.addi %mul3A_267, %add3A_268 : i32
      %mul3A_270 = arith.constant 16 : i32
      %mul3A_271 = arith.muli %add3A_269, %mul3A_270 : i32
      %add3A_272 = arith.constant 3200 : i32
      %add3A_273 = arith.addi %add3A_272, %mul3A_271 : i32
      %get3A_274 = arith.index_cast %add3A_273 : i32 to index
      %get3A_275 = tpu.vector_load %arg5[%get3A_274] {strides = array<i32>} : memref<6400xi32, #tpu.memory_space<vmem>>, vector<16xi32>,
      tpu.vector_store_idx %arg4[%get3A_275], %broadcast_in_dim3A_1 {add = true} : memref<51200xf32, #tpu.memory_space<vmem>>[vector<16xi32>], vector<16xf32>,
    }
    %scan3A_182 = arith.constant 50 : i32
    %add3A_183 = arith.constant 22400 : i32
    %add3A_184 = arith.addi %add3A_5, %add3A_183 : i32
    %dma_start3A_185 = arith.constant 1 : i32
    %dma_start3A_186 = arith.constant 3200 : i32
    %dma_start3A_187 = tpu.memref_slice %arg5[%dma_start3A_186] : memref<6400xi32, #tpu.memory_space<vmem>> -> memref<2600xi32, #tpu.memory_space<vmem>>
    %dma_start3A_188 = tpu.memref_slice %arg2[%add3A_184] : memref<1600000xi32, #tpu.memory_space<hbm>> -> memref<2600xi32, #tpu.memory_space<hbm>>
    %dma_start3A_189 = tpu.memref_slice %arg6[%dma_start3A_185] : memref<2x!tpu.dma_semaphore, #tpu.memory_space<semaphore_mem>> -> memref<1x!tpu.dma_semaphore, #tpu.memory_space<semaphore_mem>>
    %dma_start3A_190 = tpu.memref_squeeze %dma_start3A_189 : memref<1x!tpu.dma_semaphore, #tpu.memory_space<semaphore_mem>> -> memref<!tpu.dma_semaphore, #tpu.memory_space<semaphore_mem>>
    %dma_start3A_191 = arith.constant 3200 : i32
    %dma_start3A_192 = tpu.memref_slice %arg5[%dma_start3A_191] : memref<6400xi32, #tpu.memory_space<vmem>> -> memref<2600xi32, #tpu.memory_space<vmem>>
    %dma_start3A_193 = tpu.memref_slice %arg2[%add3A_184] : memref<1600000xi32, #tpu.memory_space<hbm>> -> memref<2600xi32, #tpu.memory_space<hbm>>
    tpu.enqueue_dma source(%dma_start3A_193 : memref<2600xi32, #tpu.memory_space<hbm>>) target(%dma_start3A_192 : memref<2600xi32, #tpu.memory_space<vmem>>) target_semaphore(%dma_start3A_190 : memref<!tpu.dma_semaphore, #tpu.memory_space<semaphore_mem>>)
    %add3A_194 = arith.constant 19200 : i32
    %add3A_195 = arith.addi %add3A_5, %add3A_194 : i32
    %dma_wait3A_196 = arith.constant 0 : i32
    %dma_wait3A_197 = arith.constant 0 : i32
    %dma_wait3A_198 = tpu.memref_slice %arg5[%dma_wait3A_197] : memref<6400xi32, #tpu.memory_space<vmem>> -> memref<3200xi32, #tpu.memory_space<vmem>>
    %dma_wait3A_199 = tpu.memref_slice %arg2[%add3A_195] : memref<1600000xi32, #tpu.memory_space<hbm>> -> memref<3200xi32, #tpu.memory_space<hbm>>
    %dma_wait3A_200 = tpu.memref_slice %arg6[%dma_wait3A_196] : memref<2x!tpu.dma_semaphore, #tpu.memory_space<semaphore_mem>> -> memref<1x!tpu.dma_semaphore, #tpu.memory_space<semaphore_mem>>
    %dma_wait3A_201 = tpu.memref_squeeze %dma_wait3A_200 : memref<1x!tpu.dma_semaphore, #tpu.memory_space<semaphore_mem>> -> memref<!tpu.dma_semaphore, #tpu.memory_space<semaphore_mem>>
    %dma_wait3A_202 = arith.constant 0 : i32
    %dma_wait3A_203 = tpu.memref_slice %arg5[%dma_wait3A_202] : memref<6400xi32, #tpu.memory_space<vmem>> -> memref<3200xi32, #tpu.memory_space<vmem>>
    %dma_wait3A_204 = tpu.memref_slice %arg2[%add3A_195] : memref<1600000xi32, #tpu.memory_space<hbm>> -> memref<3200xi32, #tpu.memory_space<hbm>>
    tpu.wait_dma2 semaphore(%dma_wait3A_201 : memref<!tpu.dma_semaphore, #tpu.memory_space<semaphore_mem>>) src(%dma_wait3A_204 : memref<3200xi32, #tpu.memory_space<hbm>>) dst(%dma_wait3A_203 : memref<3200xi32, #tpu.memory_space<vmem>>)
    %scan3A_205 = arith.constant 0 : i32
    %scan3A_206 = arith.constant 50 : i32
    %scan3A_207 = arith.addi %scan3A_205, %scan3A_206 : i32
    %scan3A_208 = arith.constant 1 : i32
    scf.for %scan3A_235 = %scan3A_205 to %scan3A_207 step %scan3A_208  : i32 {
      %mul3A_236 = arith.constant 4 : i32
      %mul3A_237 = arith.muli %scan3A_235, %mul3A_236 : i32
      %add3A_238 = arith.constant 0 : i32
      %add3A_239 = arith.addi %mul3A_237, %add3A_238 : i32
      %mul3A_240 = arith.constant 16 : i32
      %mul3A_241 = arith.muli %add3A_239, %mul3A_240 : i32
      %add3A_242 = arith.constant 0 : i32
      %add3A_243 = arith.addi %add3A_242, %mul3A_241 : i32
      %get3A_244 = arith.index_cast %add3A_243 : i32 to index
      %get3A_245 = tpu.vector_load %arg5[%get3A_244] {strides = array<i32>} : memref<6400xi32, #tpu.memory_space<vmem>>, vector<16xi32>,
      tpu.vector_store_idx %arg4[%get3A_245], %broadcast_in_dim3A_1 {add = true} : memref<51200xf32, #tpu.memory_space<vmem>>[vector<16xi32>], vector<16xf32>,
      %mul3A_246 = arith.constant 4 : i32
      %mul3A_247 = arith.muli %scan3A_235, %mul3A_246 : i32
      %add3A_248 = arith.constant 1 : i32
      %add3A_249 = arith.addi %mul3A_247, %add3A_248 : i32
      %mul3A_250 = arith.constant 16 : i32
      %mul3A_251 = arith.muli %add3A_249, %mul3A_250 : i32
      %add3A_252 = arith.constant 0 : i32
      %add3A_253 = arith.addi %add3A_252, %mul3A_251 : i32
      %get3A_254 = arith.index_cast %add3A_253 : i32 to index
      %get3A_255 = tpu.vector_load %arg5[%get3A_254] {strides = array<i32>} : memref<6400xi32, #tpu.memory_space<vmem>>, vector<16xi32>,
      tpu.vector_store_idx %arg4[%get3A_255], %broadcast_in_dim3A_1 {add = true} : memref<51200xf32, #tpu.memory_space<vmem>>[vector<16xi32>], vector<16xf32>,
      %mul3A_256 = arith.constant 4 : i32
      %mul3A_257 = arith.muli %scan3A_235, %mul3A_256 : i32
      %add3A_258 = arith.constant 2 : i32
      %add3A_259 = arith.addi %mul3A_257, %add3A_258 : i32
      %mul3A_260 = arith.constant 16 : i32
      %mul3A_261 = arith.muli %add3A_259, %mul3A_260 : i32
      %add3A_262 = arith.constant 0 : i32
      %add3A_263 = arith.addi %add3A_262, %mul3A_261 : i32
      %get3A_264 = arith.index_cast %add3A_263 : i32 to index
      %get3A_265 = tpu.vector_load %arg5[%get3A_264] {strides = array<i32>} : memref<6400xi32, #tpu.memory_space<vmem>>, vector<16xi32>,
      tpu.vector_store_idx %arg4[%get3A_265], %broadcast_in_dim3A_1 {add = true} : memref<51200xf32, #tpu.memory_space<vmem>>[vector<16xi32>], vector<16xf32>,
      %mul3A_266 = arith.constant 4 : i32
      %mul3A_267 = arith.muli %scan3A_235, %mul3A_266 : i32
      %add3A_268 = arith.constant 3 : i32
      %add3A_269 = arith.addi %mul3A_267, %add3A_268 : i32
      %mul3A_270 = arith.constant 16 : i32
      %mul3A_271 = arith.muli %add3A_269, %mul3A_270 : i32
      %add3A_272 = arith.constant 0 : i32
      %add3A_273 = arith.addi %add3A_272, %mul3A_271 : i32
      %get3A_274 = arith.index_cast %add3A_273 : i32 to index
      %get3A_275 = tpu.vector_load %arg5[%get3A_274] {strides = array<i32>} : memref<6400xi32, #tpu.memory_space<vmem>>, vector<16xi32>,
      tpu.vector_store_idx %arg4[%get3A_275], %broadcast_in_dim3A_1 {add = true} : memref<51200xf32, #tpu.memory_space<vmem>>[vector<16xi32>], vector<16xf32>,
    }
    %scan3A_209 = arith.constant 50 : i32
    %add3A_210 = arith.constant 22400 : i32
    %add3A_211 = arith.addi %add3A_5, %add3A_210 : i32
    %dma_wait3A_212 = arith.constant 1 : i32
    %dma_wait3A_213 = arith.constant 3200 : i32
    %dma_wait3A_214 = tpu.memref_slice %arg5[%dma_wait3A_213] : memref<6400xi32, #tpu.memory_space<vmem>> -> memref<2600xi32, #tpu.memory_space<vmem>>
    %dma_wait3A_215 = tpu.memref_slice %arg2[%add3A_211] : memref<1600000xi32, #tpu.memory_space<hbm>> -> memref<2600xi32, #tpu.memory_space<hbm>>
    %dma_wait3A_216 = tpu.memref_slice %arg6[%dma_wait3A_212] : memref<2x!tpu.dma_semaphore, #tpu.memory_space<semaphore_mem>> -> memref<1x!tpu.dma_semaphore, #tpu.memory_space<semaphore_mem>>
    %dma_wait3A_217 = tpu.memref_squeeze %dma_wait3A_216 : memref<1x!tpu.dma_semaphore, #tpu.memory_space<semaphore_mem>> -> memref<!tpu.dma_semaphore, #tpu.memory_space<semaphore_mem>>
    %dma_wait3A_218 = arith.constant 3200 : i32
    %dma_wait3A_219 = tpu.memref_slice %arg5[%dma_wait3A_218] : memref<6400xi32, #tpu.memory_space<vmem>> -> memref<2600xi32, #tpu.memory_space<vmem>>
    %dma_wait3A_220 = tpu.memref_slice %arg2[%add3A_211] : memref<1600000xi32, #tpu.memory_space<hbm>> -> memref<2600xi32, #tpu.memory_space<hbm>>
    tpu.wait_dma2 semaphore(%dma_wait3A_217 : memref<!tpu.dma_semaphore, #tpu.memory_space<semaphore_mem>>) src(%dma_wait3A_220 : memref<2600xi32, #tpu.memory_space<hbm>>) dst(%dma_wait3A_219 : memref<2600xi32, #tpu.memory_space<vmem>>)
    %scan3A_221 = arith.constant 0 : i32
    %scan3A_222 = arith.constant 40 : i32
    %scan3A_223 = arith.addi %scan3A_221, %scan3A_222 : i32
    %scan3A_224 = arith.constant 1 : i32
    scf.for %scan3A_235 = %scan3A_221 to %scan3A_223 step %scan3A_224  : i32 {
      %mul3A_236 = arith.constant 4 : i32
      %mul3A_237 = arith.muli %scan3A_235, %mul3A_236 : i32
      %add3A_238 = arith.constant 0 : i32
      %add3A_239 = arith.addi %mul3A_237, %add3A_238 : i32
      %mul3A_240 = arith.constant 16 : i32
      %mul3A_241 = arith.muli %add3A_239, %mul3A_240 : i32
      %add3A_242 = arith.constant 3200 : i32
      %add3A_243 = arith.addi %add3A_242, %mul3A_241 : i32
      %get3A_244 = arith.index_cast %add3A_243 : i32 to index
      %get3A_245 = tpu.vector_load %arg5[%get3A_244] {strides = array<i32>} : memref<6400xi32, #tpu.memory_space<vmem>>, vector<16xi32>,
      tpu.vector_store_idx %arg4[%get3A_245], %broadcast_in_dim3A_1 {add = true} : memref<51200xf32, #tpu.memory_space<vmem>>[vector<16xi32>], vector<16xf32>,
      %mul3A_246 = arith.constant 4 : i32
      %mul3A_247 = arith.muli %scan3A_235, %mul3A_246 : i32
      %add3A_248 = arith.constant 1 : i32
      %add3A_249 = arith.addi %mul3A_247, %add3A_248 : i32
      %mul3A_250 = arith.constant 16 : i32
      %mul3A_251 = arith.muli %add3A_249, %mul3A_250 : i32
      %add3A_252 = arith.constant 3200 : i32
      %add3A_253 = arith.addi %add3A_252, %mul3A_251 : i32
      %get3A_254 = arith.index_cast %add3A_253 : i32 to index
      %get3A_255 = tpu.vector_load %arg5[%get3A_254] {strides = array<i32>} : memref<6400xi32, #tpu.memory_space<vmem>>, vector<16xi32>,
      tpu.vector_store_idx %arg4[%get3A_255], %broadcast_in_dim3A_1 {add = true} : memref<51200xf32, #tpu.memory_space<vmem>>[vector<16xi32>], vector<16xf32>,
      %mul3A_256 = arith.constant 4 : i32
      %mul3A_257 = arith.muli %scan3A_235, %mul3A_256 : i32
      %add3A_258 = arith.constant 2 : i32
      %add3A_259 = arith.addi %mul3A_257, %add3A_258 : i32
      %mul3A_260 = arith.constant 16 : i32
      %mul3A_261 = arith.muli %add3A_259, %mul3A_260 : i32
      %add3A_262 = arith.constant 3200 : i32
      %add3A_263 = arith.addi %add3A_262, %mul3A_261 : i32
      %get3A_264 = arith.index_cast %add3A_263 : i32 to index
      %get3A_265 = tpu.vector_load %arg5[%get3A_264] {strides = array<i32>} : memref<6400xi32, #tpu.memory_space<vmem>>, vector<16xi32>,
      tpu.vector_store_idx %arg4[%get3A_265], %broadcast_in_dim3A_1 {add = true} : memref<51200xf32, #tpu.memory_space<vmem>>[vector<16xi32>], vector<16xf32>,
      %mul3A_266 = arith.constant 4 : i32
      %mul3A_267 = arith.muli %scan3A_235, %mul3A_266 : i32
      %add3A_268 = arith.constant 3 : i32
      %add3A_269 = arith.addi %mul3A_267, %add3A_268 : i32
      %mul3A_270 = arith.constant 16 : i32
      %mul3A_271 = arith.muli %add3A_269, %mul3A_270 : i32
      %add3A_272 = arith.constant 3200 : i32
      %add3A_273 = arith.addi %add3A_272, %mul3A_271 : i32
      %get3A_274 = arith.index_cast %add3A_273 : i32 to index
      %get3A_275 = tpu.vector_load %arg5[%get3A_274] {strides = array<i32>} : memref<6400xi32, #tpu.memory_space<vmem>>, vector<16xi32>,
      tpu.vector_store_idx %arg4[%get3A_275], %broadcast_in_dim3A_1 {add = true} : memref<51200xf32, #tpu.memory_space<vmem>>[vector<16xi32>], vector<16xf32>,
    }
    %scan3A_225 = arith.constant 40 : i32
    %get3A = arith.constant 5760 : index
    %get3A_226 = tpu.vector_load %arg5[%get3A] {strides = array<i32>} : memref<6400xi32, #tpu.memory_space<vmem>>, vector<16xi32>,
    tpu.vector_store_idx %arg4[%get3A_226], %broadcast_in_dim3A_1 {add = true} : memref<51200xf32, #tpu.memory_space<vmem>>[vector<16xi32>], vector<16xf32>,
    %get3A_227 = arith.constant 5776 : index
    %get3A_228 = tpu.vector_load %arg5[%get3A_227] {strides = array<i32>} : memref<6400xi32, #tpu.memory_space<vmem>>, vector<16xi32>,
    tpu.vector_store_idx %arg4[%get3A_228], %broadcast_in_dim3A_1 {add = true} : memref<51200xf32, #tpu.memory_space<vmem>>[vector<16xi32>], vector<16xf32>,
    %iota3A = tpu.iota {dimensions = array<i32: 0>} : vector<16xi32>
    %lt3A = arith.constant 8 : i32
    %lt3A_229 = vector.broadcast %lt3A : i32 to vector<16xi32>
    %lt3A_230 = arith.cmpi slt, %iota3A, %lt3A_229 : vector<16xi32>
    %get3A_231 = arith.constant 5792 : index
    %get3A_232 = tpu.vector_load %arg5[%get3A_231] {strides = array<i32>} : memref<6400xi32, #tpu.memory_space<vmem>>, vector<16xi32>,
    tpu.vector_store_idx %arg4[%get3A_232], %broadcast_in_dim3A_1 masked %lt3A_230 {add = true} : memref<51200xf32, #tpu.memory_space<vmem>>[vector<16xi32>], vector<16xf32>, vector<16xi1>
    %mul3A_233 = arith.constant 51200 : i32
    %mul3A_234 = arith.muli %add3A, %mul3A_233 : i32
    "tpu.region"() ({
      %run_scoped3A = tpu.sem_alloc : memref<!tpu.dma_semaphore, #tpu.memory_space<semaphore_mem>>
      %dma_start3A_235 = tpu.memref_slice %arg3[%mul3A_234] : memref<1638400xf32, #tpu.memory_space<hbm>> -> memref<51200xf32, #tpu.memory_space<hbm>>
      %dma_start3A_236 = tpu.memref_slice %arg3[%mul3A_234] : memref<1638400xf32, #tpu.memory_space<hbm>> -> memref<51200xf32, #tpu.memory_space<hbm>>
      tpu.enqueue_dma source(%arg4 : memref<51200xf32, #tpu.memory_space<vmem>>) target(%dma_start3A_236 : memref<51200xf32, #tpu.memory_space<hbm>>) target_semaphore(%run_scoped3A : memref<!tpu.dma_semaphore, #tpu.memory_space<semaphore_mem>>)
      %dma_wait3A_237 = tpu.memref_slice %arg3[%mul3A_234] : memref<1638400xf32, #tpu.memory_space<hbm>> -> memref<51200xf32, #tpu.memory_space<hbm>>
      %dma_wait3A_238 = tpu.memref_slice %arg3[%mul3A_234] : memref<1638400xf32, #tpu.memory_space<hbm>> -> memref<51200xf32, #tpu.memory_space<hbm>>
      tpu.wait_dma2 semaphore(%run_scoped3A : memref<!tpu.dma_semaphore, #tpu.memory_space<semaphore_mem>>) src(%arg4 : memref<51200xf32, #tpu.memory_space<vmem>>) dst(%dma_wait3A_238 : memref<51200xf32, #tpu.memory_space<hbm>>)
      tpu.yield
    }) : () -> ()
    return
  }
}

module attributes {stable_mosaic.version = 14 : i64} {
  func.func @_u_body(%arg0: i32, %arg1: memref<400x128xf32, #tpu.memory_space<vmem>>, %arg2: memref<400x128xf32, #tpu.memory_space<vmem>>, %arg3: memref<400x128xf32, #tpu.memory_space<vmem>>, %arg4: memref<400x128xf32, #tpu.memory_space<vmem>>, %arg5: memref<400x128xf32, #tpu.memory_space<vmem>>) attributes {dimension_semantics = [#tpu.dimension_semantics<arbitrary>], iteration_bounds = array<i64: 32>, scalar_prefetch = 0 : i64, scratch_operands = 1 : i64, tpu.core_type = #tpu.core_type<tc>, window_params = [{transform_indices = @transform_0, window_bounds = array<i64: 400, 128>}, {pipeline_mode = #tpu.pipeline_mode<synchronous>, transform_indices = @transform_1, window_bounds = array<i64: 400, 128>}, {pipeline_mode = #tpu.pipeline_mode<synchronous>, transform_indices = @transform_2, window_bounds = array<i64: 400, 128>}, {pipeline_mode = #tpu.pipeline_mode<synchronous>, transform_indices = @transform_3, window_bounds = array<i64: 400, 128>}]} {
    %eq3A = arith.constant 0 : i32
    %eq3A_0 = arith.cmpi eq, %arg0, %eq3A : i32
    %convert_element_type3A = arith.extui %eq3A_0 : i1 to i32
    %cond3A = arith.constant 0 : i32
    %cond3A_1 = arith.cmpi ne, %convert_element_type3A, %cond3A : i32
    scf.if %cond3A_1 {
      %get3A = arith.constant 0 : index
      %get3A_11 = arith.constant 0 : index
      %get3A_12 = vector.load %arg1[%get3A, %get3A_11] : memref<400x128xf32, #tpu.memory_space<vmem>>, vector<400x128xf32>
      %swap3A = arith.constant 0 : index
      %swap3A_13 = arith.constant 0 : index
      %swap3A_14 = vector.load %arg5[%swap3A, %swap3A_13] : memref<400x128xf32, #tpu.memory_space<vmem>>, vector<400x128xf32>
      tpu.vector_store %arg5[%swap3A, %swap3A_13], %get3A_12 {strides = array<i32>} : memref<400x128xf32, #tpu.memory_space<vmem>>, vector<400x128xf32>,
    } else {
    }
    %gt3A = arith.constant 0 : i32
    %gt3A_2 = arith.cmpi sgt, %arg0, %gt3A : i32
    %convert_element_type3A_3 = arith.extui %gt3A_2 : i1 to i32
    %cond3A_4 = arith.constant 0 : i32
    %cond3A_5 = arith.cmpi ne, %convert_element_type3A_3, %cond3A_4 : i32
    scf.if %cond3A_5 {
      %get3A = arith.constant 0 : index
      %get3A_11 = arith.constant 0 : index
      %get3A_12 = vector.load %arg5[%get3A, %get3A_11] : memref<400x128xf32, #tpu.memory_space<vmem>>, vector<400x128xf32>
      %get3A_13 = arith.constant 0 : index
      %get3A_14 = arith.constant 0 : index
      %get3A_15 = vector.load %arg1[%get3A_13, %get3A_14] : memref<400x128xf32, #tpu.memory_space<vmem>>, vector<400x128xf32>
      %add3A = arith.addf %get3A_12, %get3A_15 : vector<400x128xf32>
      %swap3A = arith.constant 0 : index
      %swap3A_16 = arith.constant 0 : index
      %swap3A_17 = vector.load %arg5[%swap3A, %swap3A_16] : memref<400x128xf32, #tpu.memory_space<vmem>>, vector<400x128xf32>
      tpu.vector_store %arg5[%swap3A, %swap3A_16], %add3A {strides = array<i32>} : memref<400x128xf32, #tpu.memory_space<vmem>>, vector<400x128xf32>,
    } else {
    }
    %eq3A_6 = arith.constant 31 : i32
    %eq3A_7 = arith.cmpi eq, %arg0, %eq3A_6 : i32
    %convert_element_type3A_8 = arith.extui %eq3A_7 : i1 to i32
    %cond3A_9 = arith.constant 0 : i32
    %cond3A_10 = arith.cmpi ne, %convert_element_type3A_8, %cond3A_9 : i32
    scf.if %cond3A_10 {
      %get3A = arith.constant 0 : index
      %get3A_11 = arith.constant 0 : index
      %get3A_12 = vector.load %arg5[%get3A, %get3A_11] : memref<400x128xf32, #tpu.memory_space<vmem>>, vector<400x128xf32>
      %add3A = arith.constant 1.000000e+00 : f32
      %add3A_13 = vector.broadcast %add3A : f32 to vector<400x128xf32>
      %add3A_14 = arith.addf %get3A_12, %add3A_13 : vector<400x128xf32>
      %rsqrt3A = math.rsqrt %add3A_14 : vector<400x128xf32>
      %swap3A = arith.constant 0 : index
      %swap3A_15 = arith.constant 0 : index
      %swap3A_16 = vector.load %arg4[%swap3A, %swap3A_15] : memref<400x128xf32, #tpu.memory_space<vmem>>, vector<400x128xf32>
      tpu.vector_store %arg4[%swap3A, %swap3A_15], %rsqrt3A {strides = array<i32>} : memref<400x128xf32, #tpu.memory_space<vmem>>, vector<400x128xf32>,
      %get3A_17 = arith.constant 0 : index
      %get3A_18 = arith.constant 0 : index
      %get3A_19 = vector.load %arg2[%get3A_17, %get3A_18] : memref<400x128xf32, #tpu.memory_space<vmem>>, vector<400x128xf32>
      %mul3A = arith.mulf %rsqrt3A, %get3A_19 : vector<400x128xf32>
      %swap3A_20 = arith.constant 0 : index
      %swap3A_21 = arith.constant 0 : index
      %swap3A_22 = vector.load %arg3[%swap3A_20, %swap3A_21] : memref<400x128xf32, #tpu.memory_space<vmem>>, vector<400x128xf32>
      tpu.vector_store %arg3[%swap3A_20, %swap3A_21], %mul3A {strides = array<i32>} : memref<400x128xf32, #tpu.memory_space<vmem>>, vector<400x128xf32>,
    } else {
    }
    return
  }
  func.func @transform_0(%arg0: i32) -> (i32, i32) {
    %c0_i32 = arith.constant 0 : i32
    %c0_i32_0 = arith.constant 0 : i32
    return %arg0, %c0_i32 : i32, i32
  }
  func.func @transform_1(%arg0: i32) -> (i32, i32) {
    %c0_i32 = arith.constant 0 : i32
    %c0_i32_0 = arith.constant 0 : i32
    %c0_i32_1 = arith.constant 0 : i32
    return %c0_i32, %c0_i32_0 : i32, i32
  }
  func.func @transform_2(%arg0: i32) -> (i32, i32) {
    %c0_i32 = arith.constant 0 : i32
    %c0_i32_0 = arith.constant 0 : i32
    %c0_i32_1 = arith.constant 0 : i32
    return %c0_i32, %c0_i32_0 : i32, i32
  }
  func.func @transform_3(%arg0: i32) -> (i32, i32) {
    %c0_i32 = arith.constant 0 : i32
    %c0_i32_0 = arith.constant 0 : i32
    %c0_i32_1 = arith.constant 0 : i32
    return %c0_i32, %c0_i32_0 : i32, i32
  }
}

module attributes {stable_mosaic.version = 14 : i64} {
  func.func @_head_body(%arg0: i32, %arg1: memref<400x128xf32, #tpu.memory_space<vmem>>, %arg2: memref<400x128xf32, #tpu.memory_space<vmem>>, %arg3: memref<400x128xf32, #tpu.memory_space<vmem>>, %arg4: memref<1x64xf32, #tpu.memory_space<vmem>>, %arg5: memref<1x64xf32, #tpu.memory_space<vmem>>, %arg6: memref<1x64xf32, #tpu.memory_space<vmem>>, %arg7: memref<2x64xf32, #tpu.memory_space<vmem>>, %arg8: memref<1x2xf32, #tpu.memory_space<vmem>>, %arg9: memref<400x128xf32, #tpu.memory_space<vmem>>, %arg10: memref<400x128xf32, #tpu.memory_space<vmem>>, %arg11: memref<400x128xf32, #tpu.memory_space<vmem>>) attributes {dimension_semantics = [#tpu.dimension_semantics<arbitrary>], iteration_bounds = array<i64: 32>, scalar_prefetch = 0 : i64, scratch_operands = 1 : i64, tpu.core_type = #tpu.core_type<tc>, window_params = [{transform_indices = @transform_0, window_bounds = array<i64: 400, 128>}, {pipeline_mode = #tpu.pipeline_mode<synchronous>, transform_indices = @transform_1, window_bounds = array<i64: 400, 128>}, {pipeline_mode = #tpu.pipeline_mode<synchronous>, transform_indices = @transform_2, window_bounds = array<i64: 400, 128>}, {pipeline_mode = #tpu.pipeline_mode<synchronous>, transform_indices = @transform_3, window_bounds = array<i64: 1, 64>}, {pipeline_mode = #tpu.pipeline_mode<synchronous>, transform_indices = @transform_4, window_bounds = array<i64: 1, 64>}, {pipeline_mode = #tpu.pipeline_mode<synchronous>, transform_indices = @transform_5, window_bounds = array<i64: 1, 64>}, {pipeline_mode = #tpu.pipeline_mode<synchronous>, transform_indices = @transform_6, window_bounds = array<i64: 2, 64>}, {pipeline_mode = #tpu.pipeline_mode<synchronous>, transform_indices = @transform_7, window_bounds = array<i64: 1, 2>}, {pipeline_mode = #tpu.pipeline_mode<synchronous>, transform_indices = @transform_8, window_bounds = array<i64: 400, 128>}, {pipeline_mode = #tpu.pipeline_mode<synchronous>, transform_indices = @transform_9, window_bounds = array<i64: 400, 128>}]} {
    %eq3A = arith.constant 0 : i32
    %eq3A_0 = arith.cmpi eq, %arg0, %eq3A : i32
    %convert_element_type3A = arith.extui %eq3A_0 : i1 to i32
    %cond3A = arith.constant 0 : i32
    %cond3A_1 = arith.cmpi ne, %convert_element_type3A, %cond3A : i32
    scf.if %cond3A_1 {
      %get3A = arith.constant 0 : index
      %get3A_11 = arith.constant 0 : index
      %get3A_12 = vector.load %arg1[%get3A, %get3A_11] : memref<400x128xf32, #tpu.memory_space<vmem>>, vector<400x128xf32>
      %swap3A = arith.constant 0 : index
      %swap3A_13 = arith.constant 0 : index
      %swap3A_14 = vector.load %arg11[%swap3A, %swap3A_13] : memref<400x128xf32, #tpu.memory_space<vmem>>, vector<400x128xf32>
      tpu.vector_store %arg11[%swap3A, %swap3A_13], %get3A_12 {strides = array<i32>} : memref<400x128xf32, #tpu.memory_space<vmem>>, vector<400x128xf32>,
    } else {
    }
    %gt3A = arith.constant 0 : i32
    %gt3A_2 = arith.cmpi sgt, %arg0, %gt3A : i32
    %convert_element_type3A_3 = arith.extui %gt3A_2 : i1 to i32
    %cond3A_4 = arith.constant 0 : i32
    %cond3A_5 = arith.cmpi ne, %convert_element_type3A_3, %cond3A_4 : i32
    scf.if %cond3A_5 {
      %get3A = arith.constant 0 : index
      %get3A_11 = arith.constant 0 : index
      %get3A_12 = vector.load %arg11[%get3A, %get3A_11] : memref<400x128xf32, #tpu.memory_space<vmem>>, vector<400x128xf32>
      %get3A_13 = arith.constant 0 : index
      %get3A_14 = arith.constant 0 : index
      %get3A_15 = vector.load %arg1[%get3A_13, %get3A_14] : memref<400x128xf32, #tpu.memory_space<vmem>>, vector<400x128xf32>
      %add3A = arith.addf %get3A_12, %get3A_15 : vector<400x128xf32>
      %swap3A = arith.constant 0 : index
      %swap3A_16 = arith.constant 0 : index
      %swap3A_17 = vector.load %arg11[%swap3A, %swap3A_16] : memref<400x128xf32, #tpu.memory_space<vmem>>, vector<400x128xf32>
      tpu.vector_store %arg11[%swap3A, %swap3A_16], %add3A {strides = array<i32>} : memref<400x128xf32, #tpu.memory_space<vmem>>, vector<400x128xf32>,
    } else {
    }
    %eq3A_6 = arith.constant 31 : i32
    %eq3A_7 = arith.cmpi eq, %arg0, %eq3A_6 : i32
    %convert_element_type3A_8 = arith.extui %eq3A_7 : i1 to i32
    %cond3A_9 = arith.constant 0 : i32
    %cond3A_10 = arith.cmpi ne, %convert_element_type3A_8, %cond3A_9 : i32
    scf.if %cond3A_10 {
      %get3A = arith.constant 0 : index
      %get3A_11 = arith.constant 0 : index
      %get3A_12 = vector.load %arg11[%get3A, %get3A_11] : memref<400x128xf32, #tpu.memory_space<vmem>>, vector<400x128xf32>
      %get3A_13 = arith.constant 0 : index
      %get3A_14 = arith.constant 0 : index
      %get3A_15 = vector.load %arg2[%get3A_13, %get3A_14] : memref<400x128xf32, #tpu.memory_space<vmem>>, vector<400x128xf32>
      %get3A_16 = arith.constant 0 : index
      %get3A_17 = arith.constant 0 : index
      %get3A_18 = vector.load %arg3[%get3A_16, %get3A_17] : memref<400x128xf32, #tpu.memory_space<vmem>>, vector<400x128xf32>
      %mul3A = arith.mulf %get3A_15, %get3A_18 : vector<400x128xf32>
      %add3A = arith.addf %get3A_12, %mul3A : vector<400x128xf32>
      %mul3A_19 = arith.mulf %get3A_15, %add3A : vector<400x128xf32>
      %reduce_sum3A = vector.shape_cast %mul3A_19 : vector<400x128xf32> to vector<1x400x128xf32>
      %reduce_sum3A_20 = arith.constant dense<0.000000e+00> : vector<1xf32>
      %reduce_sum3A_21 = vector.multi_reduction <add>, %reduce_sum3A, %reduce_sum3A_20 [1, 2] : vector<1x400x128xf32> to vector<1xf32>
      %reduce_sum3A_22 = vector.shape_cast %reduce_sum3A_21 : vector<1xf32> to vector<1x1x1xf32>
      %reduce_sum3A_23 = vector.extract %reduce_sum3A_22[0, 0, 0] : f32 from vector<1x1x1xf32>
      %mul3A_24 = arith.constant 2.000000e-05 : f32
      %mul3A_25 = arith.mulf %reduce_sum3A_23, %mul3A_24 : f32
      %mul3A_26 = arith.mulf %mul3A_19, %mul3A_19 : vector<400x128xf32>
      %reduce_sum3A_27 = vector.shape_cast %mul3A_26 : vector<400x128xf32> to vector<1x400x128xf32>
      %reduce_sum3A_28 = arith.constant dense<0.000000e+00> : vector<1xf32>
      %reduce_sum3A_29 = vector.multi_reduction <add>, %reduce_sum3A_27, %reduce_sum3A_28 [1, 2] : vector<1x400x128xf32> to vector<1xf32>
      %reduce_sum3A_30 = vector.shape_cast %reduce_sum3A_29 : vector<1xf32> to vector<1x1x1xf32>
      %reduce_sum3A_31 = vector.extract %reduce_sum3A_30[0, 0, 0] : f32 from vector<1x1x1xf32>
      %mul3A_32 = arith.constant 2.000000e-05 : f32
      %mul3A_33 = arith.mulf %reduce_sum3A_31, %mul3A_32 : f32
      %mul3A_34 = arith.mulf %mul3A_25, %mul3A_25 : f32
      %sub3A = arith.subf %mul3A_33, %mul3A_34 : f32
      %get3A_35 = arith.constant 0 : index
      %get3A_36 = arith.constant 0 : index
      %get3A_37 = vector.load %arg4[%get3A_35, %get3A_36] : memref<1x64xf32, #tpu.memory_space<vmem>>, vector<1x64xf32>
      %mul3A_38 = vector.broadcast %sub3A : f32 to vector<1x64xf32>
      %mul3A_39 = arith.mulf %mul3A_38, %get3A_37 : vector<1x64xf32>
      %mul3A_40 = arith.mulf %mul3A_39, %get3A_37 : vector<1x64xf32>
      %add3A_41 = arith.constant 9.99999974E-6 : f32
      %add3A_42 = vector.broadcast %add3A_41 : f32 to vector<1x64xf32>
      %add3A_43 = arith.addf %mul3A_40, %add3A_42 : vector<1x64xf32>
      %rsqrt3A = math.rsqrt %add3A_43 : vector<1x64xf32>
      %mul3A_44 = arith.mulf %get3A_37, %rsqrt3A : vector<1x64xf32>
      %get3A_45 = arith.constant 0 : index
      %get3A_46 = arith.constant 0 : index
      %get3A_47 = vector.load %arg5[%get3A_45, %get3A_46] : memref<1x64xf32, #tpu.memory_space<vmem>>, vector<1x64xf32>
      %mul3A_48 = arith.mulf %mul3A_44, %get3A_47 : vector<1x64xf32>
      %get3A_49 = arith.constant 0 : index
      %get3A_50 = arith.constant 0 : index
      %get3A_51 = vector.load %arg7[%get3A_49, %get3A_50] : memref<2x64xf32, #tpu.memory_space<vmem>>, vector<1x64xf32>
      %mul3A_52 = arith.mulf %mul3A_48, %get3A_51 : vector<1x64xf32>
      %reduce_sum3A_53 = vector.shape_cast %mul3A_52 : vector<1x64xf32> to vector<1x1x64xf32>
      %reduce_sum3A_54 = arith.constant dense<0.000000e+00> : vector<1xf32>
      %reduce_sum3A_55 = vector.multi_reduction <add>, %reduce_sum3A_53, %reduce_sum3A_54 [1, 2] : vector<1x1x64xf32> to vector<1xf32>
      %reduce_sum3A_56 = vector.shape_cast %reduce_sum3A_55 : vector<1xf32> to vector<1x1x1xf32>
      %reduce_sum3A_57 = vector.extract %reduce_sum3A_56[0, 0, 0] : f32 from vector<1x1x1xf32>
      %get3A_58 = arith.constant 1 : index
      %get3A_59 = arith.constant 0 : index
      %get3A_60 = vector.load %arg7[%get3A_58, %get3A_59] : memref<2x64xf32, #tpu.memory_space<vmem>>, vector<1x64xf32>
      %mul3A_61 = arith.mulf %mul3A_48, %get3A_60 : vector<1x64xf32>
      %reduce_sum3A_62 = vector.shape_cast %mul3A_61 : vector<1x64xf32> to vector<1x1x64xf32>
      %reduce_sum3A_63 = arith.constant dense<0.000000e+00> : vector<1xf32>
      %reduce_sum3A_64 = vector.multi_reduction <add>, %reduce_sum3A_62, %reduce_sum3A_63 [1, 2] : vector<1x1x64xf32> to vector<1xf32>
      %reduce_sum3A_65 = vector.shape_cast %reduce_sum3A_64 : vector<1xf32> to vector<1x1x1xf32>
      %reduce_sum3A_66 = vector.extract %reduce_sum3A_65[0, 0, 0] : f32 from vector<1x1x1xf32>
      %get3A_67 = arith.constant 0 : index
      %get3A_68 = arith.constant 0 : index
      %get3A_69 = vector.load %arg6[%get3A_67, %get3A_68] : memref<1x64xf32, #tpu.memory_space<vmem>>, vector<1x64xf32>
      %get3A_70 = arith.constant 0 : index
      %get3A_71 = arith.constant 0 : index
      %get3A_72 = vector.load %arg7[%get3A_70, %get3A_71] : memref<2x64xf32, #tpu.memory_space<vmem>>, vector<1x64xf32>
      %mul3A_73 = arith.mulf %get3A_69, %get3A_72 : vector<1x64xf32>
      %reduce_sum3A_74 = vector.shape_cast %mul3A_73 : vector<1x64xf32> to vector<1x1x64xf32>
      %reduce_sum3A_75 = arith.constant dense<0.000000e+00> : vector<1xf32>
      %reduce_sum3A_76 = vector.multi_reduction <add>, %reduce_sum3A_74, %reduce_sum3A_75 [1, 2] : vector<1x1x64xf32> to vector<1xf32>
      %reduce_sum3A_77 = vector.shape_cast %reduce_sum3A_76 : vector<1xf32> to vector<1x1x1xf32>
      %reduce_sum3A_78 = vector.extract %reduce_sum3A_77[0, 0, 0] : f32 from vector<1x1x1xf32>
      %get3A_79 = arith.constant 0 : index
      %get3A_80 = arith.constant 0 : index
      %get3A_81 = vector.load %arg8[%get3A_79, %get3A_80] : memref<1x2xf32, #tpu.memory_space<vmem>>, vector<1x1xf32>
      %get3A_82 = vector.extract %get3A_81[0, 0] : f32 from vector<1x1xf32>
      %add3A_83 = arith.addf %reduce_sum3A_78, %get3A_82 : f32
      %get3A_84 = arith.constant 0 : index
      %get3A_85 = arith.constant 0 : index
      %get3A_86 = vector.load %arg6[%get3A_84, %get3A_85] : memref<1x64xf32, #tpu.memory_space<vmem>>, vector<1x64xf32>
      %get3A_87 = arith.constant 1 : index
      %get3A_88 = arith.constant 0 : index
      %get3A_89 = vector.load %arg7[%get3A_87, %get3A_88] : memref<2x64xf32, #tpu.memory_space<vmem>>, vector<1x64xf32>
      %mul3A_90 = arith.mulf %get3A_86, %get3A_89 : vector<1x64xf32>
      %reduce_sum3A_91 = vector.shape_cast %mul3A_90 : vector<1x64xf32> to vector<1x1x64xf32>
      %reduce_sum3A_92 = arith.constant dense<0.000000e+00> : vector<1xf32>
      %reduce_sum3A_93 = vector.multi_reduction <add>, %reduce_sum3A_91, %reduce_sum3A_92 [1, 2] : vector<1x1x64xf32> to vector<1xf32>
      %reduce_sum3A_94 = vector.shape_cast %reduce_sum3A_93 : vector<1xf32> to vector<1x1x1xf32>
      %reduce_sum3A_95 = vector.extract %reduce_sum3A_94[0, 0, 0] : f32 from vector<1x1x1xf32>
      %get3A_96 = arith.constant 0 : index
      %get3A_97 = arith.constant 1 : index
      %get3A_98 = vector.load %arg8[%get3A_96, %get3A_97] : memref<1x2xf32, #tpu.memory_space<vmem>>, vector<1x1xf32>
      %get3A_99 = vector.extract %get3A_98[0, 0] : f32 from vector<1x1xf32>
      %add3A_100 = arith.addf %reduce_sum3A_95, %get3A_99 : f32
      %sub3A_101 = vector.broadcast %mul3A_25 : f32 to vector<400x128xf32>
      %sub3A_102 = arith.subf %mul3A_19, %sub3A_101 : vector<400x128xf32>
      %mul3A_103 = vector.broadcast %reduce_sum3A_57 : f32 to vector<400x128xf32>
      %mul3A_104 = arith.mulf %sub3A_102, %mul3A_103 : vector<400x128xf32>
      %add3A_105 = vector.broadcast %add3A_83 : f32 to vector<400x128xf32>
      %add3A_106 = arith.addf %mul3A_104, %add3A_105 : vector<400x128xf32>
      %max3A = arith.constant 0.000000e+00 : f32
      %max3A_107 = vector.broadcast %max3A : f32 to vector<400x128xf32>
      %max3A_108 = arith.maximumf %add3A_106, %max3A_107 : vector<400x128xf32>
      %mul3A_109 = vector.broadcast %reduce_sum3A_66 : f32 to vector<400x128xf32>
      %mul3A_110 = arith.mulf %sub3A_102, %mul3A_109 : vector<400x128xf32>
      %add3A_111 = vector.broadcast %add3A_100 : f32 to vector<400x128xf32>
      %add3A_112 = arith.addf %mul3A_110, %add3A_111 : vector<400x128xf32>
      %max3A_113 = arith.constant 0.000000e+00 : f32
      %max3A_114 = vector.broadcast %max3A_113 : f32 to vector<400x128xf32>
      %max3A_115 = arith.maximumf %add3A_112, %max3A_114 : vector<400x128xf32>
      %max3A_116 = arith.maximumf %max3A_108, %max3A_115 : vector<400x128xf32>
      %sub3A_117 = arith.subf %max3A_108, %max3A_116 : vector<400x128xf32>
      %exp3A = math.exp %sub3A_117 : vector<400x128xf32>
      %sub3A_118 = arith.subf %max3A_115, %max3A_116 : vector<400x128xf32>
      %exp3A_119 = math.exp %sub3A_118 : vector<400x128xf32>
      %add3A_120 = arith.addf %exp3A, %exp3A_119 : vector<400x128xf32>
      %div3A = arith.divf %exp3A, %add3A_120 : vector<400x128xf32>
      %swap3A = arith.constant 0 : index
      %swap3A_121 = arith.constant 0 : index
      %swap3A_122 = vector.load %arg9[%swap3A, %swap3A_121] : memref<400x128xf32, #tpu.memory_space<vmem>>, vector<400x128xf32>
      tpu.vector_store %arg9[%swap3A, %swap3A_121], %div3A {strides = array<i32>} : memref<400x128xf32, #tpu.memory_space<vmem>>, vector<400x128xf32>,
      %div3A_123 = arith.divf %exp3A_119, %add3A_120 : vector<400x128xf32>
      %swap3A_124 = arith.constant 0 : index
      %swap3A_125 = arith.constant 0 : index
      %swap3A_126 = vector.load %arg10[%swap3A_124, %swap3A_125] : memref<400x128xf32, #tpu.memory_space<vmem>>, vector<400x128xf32>
      tpu.vector_store %arg10[%swap3A_124, %swap3A_125], %div3A_123 {strides = array<i32>} : memref<400x128xf32, #tpu.memory_space<vmem>>, vector<400x128xf32>,
    } else {
    }
    return
  }
  func.func @transform_0(%arg0: i32) -> (i32, i32) {
    %c0_i32 = arith.constant 0 : i32
    %c0_i32_0 = arith.constant 0 : i32
    return %arg0, %c0_i32 : i32, i32
  }
  func.func @transform_1(%arg0: i32) -> (i32, i32) {
    %c0_i32 = arith.constant 0 : i32
    %c0_i32_0 = arith.constant 0 : i32
    %c0_i32_1 = arith.constant 0 : i32
    return %c0_i32, %c0_i32_0 : i32, i32
  }
  func.func @transform_2(%arg0: i32) -> (i32, i32) {
    %c0_i32 = arith.constant 0 : i32
    %c0_i32_0 = arith.constant 0 : i32
    %c0_i32_1 = arith.constant 0 : i32
    return %c0_i32, %c0_i32_0 : i32, i32
  }
  func.func @transform_3(%arg0: i32) -> (i32, i32) {
    %c0_i32 = arith.constant 0 : i32
    %c0_i32_0 = arith.constant 0 : i32
    %c0_i32_1 = arith.constant 0 : i32
    return %c0_i32, %c0_i32_0 : i32, i32
  }
  func.func @transform_4(%arg0: i32) -> (i32, i32) {
    %c0_i32 = arith.constant 0 : i32
    %c0_i32_0 = arith.constant 0 : i32
    %c0_i32_1 = arith.constant 0 : i32
    return %c0_i32, %c0_i32_0 : i32, i32
  }
  func.func @transform_5(%arg0: i32) -> (i32, i32) {
    %c0_i32 = arith.constant 0 : i32
    %c0_i32_0 = arith.constant 0 : i32
    %c0_i32_1 = arith.constant 0 : i32
    return %c0_i32, %c0_i32_0 : i32, i32
  }
  func.func @transform_6(%arg0: i32) -> (i32, i32) {
    %c0_i32 = arith.constant 0 : i32
    %c0_i32_0 = arith.constant 0 : i32
    %c0_i32_1 = arith.constant 0 : i32
    return %c0_i32, %c0_i32_0 : i32, i32
  }
  func.func @transform_7(%arg0: i32) -> (i32, i32) {
    %c0_i32 = arith.constant 0 : i32
    %c0_i32_0 = arith.constant 0 : i32
    %c0_i32_1 = arith.constant 0 : i32
    return %c0_i32, %c0_i32_0 : i32, i32
  }
  func.func @transform_8(%arg0: i32) -> (i32, i32) {
    %c0_i32 = arith.constant 0 : i32
    %c0_i32_0 = arith.constant 0 : i32
    %c0_i32_1 = arith.constant 0 : i32
    return %c0_i32, %c0_i32_0 : i32, i32
  }
  func.func @transform_9(%arg0: i32) -> (i32, i32) {
    %c0_i32 = arith.constant 0 : i32
    %c0_i32_0 = arith.constant 0 : i32
    %c0_i32_1 = arith.constant 0 : i32
    return %c0_i32, %c0_i32_0 : i32, i32
  }
}

</mosaic_0001>

<sc_bundles>
// kernel: kernel.6.cloned.1.call-start
scs
__scs_entry_jumppad:
0x0: {  	(pc) =	sbr.rel $0x88, $3  }
0x1: {  	(tag) =	ssettag $0x0;
	lr =	simm.s32 $0x1  }
0x2: {  	[smem:$0x3F9A] =	sst lr;
	_ =	strace $0xD0000000  }
0x3: {  	_ = 	snop  }
0x4: {  	_ = 	snop  }
0x5: {  	_ = 	snop  }
0x6: {  	_ = 	snop  }
0x7: {  	_ = 	snop  }
__scs_overlays_trampoline_lowered:
0x8: {  	[smem:$0x3FA9] =	sst s0  }
0x9: {  	[smem:$0x3FAA] =	sst s1  }
0xa: {  	[smem:$0x3FAB] =	sst s2  }
0xb: {  	[smem:$0x3FAC] =	sst s3  }
0xc: {  	[smem:$0x3FAD] =	sst s4  }
0xd: {  	[smem:$0x3FAE] =	sst s5  }
0xe: {  	[smem:$0x3FAF] =	sst s6  }
0xf: {  	[smem:$0x3FB0] =	sst s7  }
0x10: {  	[smem:$0x3FB1] =	sst s8  }
0x11: {  	[smem:$0x3FB2] =	sst s9;
	s0 =	simm.s32 @!p0 $0x0  }
0x12: {  	s1 =	sld [smem:$0x3F98];
	s0 =	simm.s32 @p0 $0x1  }
0x13: {  	[smem:$0x3FB3] =	sst s0;
	s0 =	simm.s32 @!p1 $0x0  }
0x14: {  	s2 =	sld [smem:$0x3F97];
	s0 =	simm.s32 @p1 $0x1  }
0x15: {  	[smem:$0x3FB4] =	sst s0;
	s0 =	simm.s32 @!p2 $0x0  }
0x16: {  	s3 =	sld [smem:$0x3FDB];
	s0 =	simm.s32 @p2 $0x1  }
0x17: {  	s4 =	simm.s32 $0x1BF5;
	[smem:$0x3FB6] =	sst s0  }
0x18: {  	s0 =	sld [smem:$0x3F99];
	_ =	swait.ge [sflag:s4], $0x0  }
0x19: {  	s7 =	sld [smem:$0x3F9A]  }
0x1a: {  	s8 =	sadd.s32 $0xFFFFE003, lr  }
0x1b: {  	s9 =	sadd.s32 $0xFFFFFEF7, lr;
	s5 =	simm.s32 $0xFFFFFFFF;
	p2 =	slt.u32 s8, $0xFFFFF086  }
0x1c: {  	p1 =	slt.u32 s9, $0xF7A;
	s5 =	simm.s32 @!p2 $0x0  }
0x1d: {  	s5 =	simm.s32 @p1 $0x1;
	p0 =	seq.s32 s7, s2  }
0x1e: {  	s7 =	smul.u32 @!p0 $0xF7A, s2;
	p2 =	seq.s32 @!p0 s5, $0x0  }
0x1f: {  	s9 =	smul.u32 $0xF7A, s1;
	s8 =	simm.s32 @!p0 $0x1BF5;
	p2 =	por !p2, p0  }
0x20: {  	[sflag:s8] =	ssyncset.s32 @!p0 $0xFFFFF086;
	s6 =	sadd.s32 @!p0 s3, s7;
	s7 =	simm.s32 @!p0 $0x108  }
0x21: {  	s3 =	sadd.s32 s3, s9;
	s6 =	sadd.s32 @!p0 $0x88, s6;
	s7 =	simm.s32 @p2 $0x1082  }
0x22: {  	[simem:s7], [sflag:s8] =	dma.local @!p0 [hbm:s6], $0xF7A  }
0x23: {  	s9 =	sor.u32 $0xD0000000, s2;
	s6 =	simm.s32 $0x108;
	_ =	swait.ge @!p0 [sflag:s8], $0x0  }
0x24: {  	s3 =	sadd.s32 $0x88, s3;
	s6 =	simm.s32 @!p1 $0x1082;
	[sflag:s4] =	ssyncset.s32 $0xFFFFF086  }
0x25: {  	[simem:s6], [sflag:s4] =	dma.local [hbm:s3], $0xF7A  }
0x26: {  	[smem:$0x3F9A] =	sst s1;
	(tag) =	ssettag s2;
	_ =	strace s9  }
0x27: {  	s1 =	sld [smem:$0x3FAA]  }
0x28: {  	s2 =	sld [smem:$0x3FAB]  }
0x29: {  	s4 =	sld [smem:$0x3FAD]  }
0x2a: {  	p0 =	seq.s32 s5, $0x0;
	s5 =	sld [smem:$0x3FAE]  }
0x2b: {  	s6 =	sld [smem:$0x3FAF]  }
0x2c: {  	s7 =	sld [smem:$0x3FB0]  }
0x2d: {  	s3 =	simm.s32 $0x108;
	s8 =	sld [smem:$0x3FB1]  }
0x2e: {  	s3 =	simm.s32 @!p0 $0x1082;
	s9 =	sld [smem:$0x3FB2]  }
0x2f: {  	lr =	sadd.s32 s0, s3;
	s0 =	sld [smem:$0x3FA9]  }
0x30: {  	s3 =	sld [smem:$0x3FAC]  }
0x31: {  	[smem:$0x3FB5] =	sst s10  }
0x32: {  	s10 =	sld [smem:$0x3FB3];
	_ =	sdelay $0x3  }
0x33: {  	p0 =	seq.s32 s10, $0x1;
	s10 =	sld [smem:$0x3FB5];
	_ =	sdelay $0x3  }
0x34: {  	[smem:$0x3FB5] =	sst s10  }
0x35: {  	s10 =	sld [smem:$0x3FB4];
	_ =	sdelay $0x3  }
0x36: {  	p1 =	seq.s32 s10, $0x1;
	s10 =	sld [smem:$0x3FB5];
	_ =	sdelay $0x3  }
0x37: {  	[smem:$0x3FB5] =	sst s10  }
0x38: {  	s10 =	sld [smem:$0x3FB6]  }
0x39: {  	_ = 	snop;
	(pc) =	sbr.ind lr, $3  }
0x3a: {  	_ = 	snop  }
0x3b: {  	_ = 	snop  }
0x3c: {  	p2 =	seq.s32 s10, $0x1;
	s10 =	sld [smem:$0x3FB5]  }
0x3d: {  	_ =	shalt  }
0x3e: {  	_ =	shalt  }
0x3f: {  	_ =	shalt  }
0x40: {  	_ =	shalt  }
0x41: {  	_ =	shalt  }
0x42: {  	_ =	shalt  }
0x43: {  	_ =	shalt  }
0x44: {  	_ =	shalt  }
0x45: {  	_ =	shalt  }
0x46: {  	_ =	shalt  }
0x47: {  	_ =	shalt  }
0x48: {  	_ =	shalt  }
0x49: {  	_ =	shalt  }
0x4a: {  	_ =	shalt  }
0x4b: {  	_ =	shalt  }
0x4c: {  	_ =	shalt  }
0x4d: {  	_ =	shalt  }
0x4e: {  	_ =	shalt  }
0x4f: {  	_ =	shalt  }
0x50: {  	_ =	shalt  }
0x51: {  	_ =	shalt  }
0x52: {  	_ =	shalt  }
0x53: {  	_ =	shalt  }
0x54: {  	_ =	shalt  }
0x55: {  	_ =	shalt  }
0x56: {  	_ =	shalt  }
0x57: {  	_ =	shalt  }
0x58: {  	_ =	shalt  }
0x59: {  	_ =	shalt  }
0x5a: {  	_ =	shalt  }
0x5b: {  	_ =	shalt  }
0x5c: {  	_ =	shalt  }
0x5d: {  	_ =	shalt  }
0x5e: {  	_ =	shalt  }
0x5f: {  	_ =	shalt  }
0x60: {  	_ =	shalt  }
0x61: {  	_ =	shalt  }
0x62: {  	_ =	shalt  }
0x63: {  	_ =	shalt  }
0x64: {  	_ =	shalt  }
0x65: {  	_ =	shalt  }
0x66: {  	_ =	shalt  }
0x67: {  	_ =	shalt  }
0x68: {  	_ =	shalt  }
0x69: {  	_ =	shalt  }
0x6a: {  	_ =	shalt  }
0x6b: {  	_ =	shalt  }
0x6c: {  	_ =	shalt  }
0x6d: {  	_ =	shalt  }
0x6e: {  	_ =	shalt  }
0x6f: {  	_ =	shalt  }
0x70: {  	_ =	shalt  }
0x71: {  	_ =	shalt  }
0x72: {  	_ =	shalt  }
0x73: {  	_ =	shalt  }
0x74: {  	_ =	shalt  }
0x75: {  	_ =	shalt  }
0x76: {  	_ =	shalt  }
0x77: {  	_ =	shalt  }
0x78: {  	_ =	shalt  }
0x79: {  	_ =	shalt  }
0x7a: {  	_ =	shalt  }
0x7b: {  	_ =	shalt  }
0x7c: {  	_ =	shalt  }
0x7d: {  	_ =	shalt  }
0x7e: {  	_ =	shalt  }
0x7f: {  	_ =	shalt  }
0x80: {  	_ =	shalt  }
0x81: {  	_ =	shalt  }
0x82: {  	_ =	shalt  }
0x83: {  	_ =	shalt  }
0x84: {  	_ =	shalt  }
0x85: {  	_ =	shalt  }
0x86: {  	_ =	shalt  }
0x87: {  	_ =	shalt  }
.Lfunc_end0:
.L_simem_size_0:
called_computation_lowered:
.L_overlay_start_0:
0x88: {  	s2 =	sld [smem:$0x3FD9]  }
0x89: {  	s3 =	sld [smem:$0x3FFE];
	_ =	sdelay $0x1  }
0x8a: {  	s1 =	srdreg.scid  }
0x8b: {  	s0 =	sand.u32 $0x1, s1  }
0x8c: {  	s16 =	sshll.u32 s0, $0xA;
	s2 =	sadd.s32 s3, s2  }
0x8d: {  	s2 =	sadd.s32 s2, s16  }
0x8e: {  	[smem:$0x3FC1] =	sst s2  }
0x8f: {  	_ = 	snop  }
0x90: {  	(tm) =	ssettm $0x1  }
0x91: {  	s17 =	sld [smem:$0x3FFB];
	_ =	sdelay $0x3  }
0x92: {  	_ =	strace s17  }
0x93: {  	s2 =	sld [smem:$0x3FFC];
	_ =	sdelay $0x3  }
0x94: {  	_ =	strace s2  }
0x95: {  	s2 =	sld [smem:$0x3FFD];
	_ =	sdelay $0x3  }
0x96: {  	_ =	strace s2  }
0x97: {  	_ =	strace $0x8FFFFFFF  }
0x98: {  	s18 =	sld [smem:$0x3FDB];
	_ =	sdelay $0x1  }
0x99: {  	s19 =	simm.s32 $_scs_section_size  }
0x9a: {  	s4 =	simm.s32 $_size__tile_overlayer_lowered;
	s5 =	simm.s32 $_tile_overlayer_lowered  }
0x9b: {  	s22 =	simm.s32 $0x1BFF;
	s21 =	sshll.u32 s5, $0x1;
	s2 =	sadd.s32 s19, s18  }
0x9c: {  	s6 =	simm.s32 $0x0;
	s20 =	sshll.u32 s4, $0x1;
	s4 =	sadd.s32 s21, s2  }
0x9d: {  	[timem:s6], [sflag:s22] =	dma.local [hbm:s4], s20  }
0x9e: {  	_ =	swait.ge [sflag:s22], s20  }
0x9f: {  	s3 =	ssub.s32 $0x0, s20;
	[sflag:s22] =	ssyncset.done $0x0  }
0xa0: {  	[sflag:s22] =	ssyncadd.s32 s3;
	_ =	sdelay $0x1  }
0xa1: {  	s23 =	simm.s32 $0x1B8B  }
0xa2: {  	_ =	swait.ge [sflag:s23], $0x1  }
0xa3: {  	[sflag:s23] =	ssyncset.done $0x0  }
0xa4: {  	s25 =	simm.s32 $0x1B8E;
	s24 =	sld [smem:$0x3FFE];
	[sflag:s23] =	ssyncadd.s32 $0xFFFFFFFF  }
0xa5: {  	s26 =	simm.s32 $execute0_lowered;
	[smem:$0x3FD2] =	sst s25  }
0xa6: {  	s4 =	sshll.u32 s26, $0x1;
	_ =	strace $0x80000046;
	[dreg:$0x1] =	wrdreg $0xFFFFFFFF  }
0xa7: {  	s28 =	simm.s32 $_size_execute0_lowered;
	s2 =	sadd.s32 s2, s4;
	[dreg:$0x0] =	wrdreg $0x0  }
0xa8: {  	s4 =	sshll.u32 s28, $0x1;
	[dreg:$0x2] =	wrdreg s2  }
0xa9: {  	[dreg:$0x3] =	wrdreg s4  }
0xaa: {  	[dreg:$0x4] =	wrdreg $0xC0  }
0xab: {  	_ =	task [dreg:s6], $0x5FFFF  }
0xac: {  	[dreg:$0x1] =	wrdreg $0xFFFFFFFF  }
0xad: {  	[dreg:$0x0] =	wrdreg $0x60  }
0xae: {  	[dreg:$0x2] =	wrdreg s24  }
0xaf: {  	[dreg:$0x3] =	wrdreg $0x9  }
0xb0: {  	_ =	task.clear_ibuf [dreg:s6], $0x4FFFF;
	_ =	strace $0x90000046  }
0xb1: {  	s29 =	simm.s32 $0x9;
	_ =	strace $0x80000048  }
0xb2: {  	_ =	swait.ge [sflag:s29], $0x1  }
0xb3: {  	[sflag:s29] =	ssyncadd.s32 $0xFFFFFFFF  }
0xb4: {  	_ =	strace $0x90000048  }
0xb5: {  	_ =	sfence  }
0xb6: {  	s30 =	sld [smem:$0x0];
	_ =	sdelay $0x2  }
0xb7: {  	s31 =	sshll.u32 s1, $0xD;
	s1 =	sshrl.u32 s1, $0x2  }
0xb8: {  	s3 =	sand.u32 $0x4000, s31;
	s1 =	sadd.s32 s1, s30  }
0xb9: {  	s0 =	sor.u32 s3, s0;
	s1 =	sshll.u32 s1, $0x11  }
0xba: {  	s0 =	sor.u32 s1, s0  }
0xbb: {  	s0 =	sadd.s32 $0x8F2B, s0  }
0xbc: {  	[sflag:s0] =	ssyncadd.remote.s32 $0x1  }
0xbd: {  	_ =	sfence.sel $0xFFFF  }
0xbe: {  	[dreg:$0x0] =	wrdreg $0xFFFFFFFF;
	(pc) =	sbr.abs _section_cstart, $3  }
0xbf: {  	[dreg:$0x1] =	wrdreg $0xFFFFFFFF  }
0xc0: {  	_ =	task.clear_ibuf [dreg:s6], $0x2FFFF;
	_ =	strace $0x9FFFFFFF  }
0xc1: {  	(tm) =	ssettm $0x7FFFFFFF  }
tec
execute0_lowered:
.L_overlay_start_1:
0x0: {  	(tag) =	ssettag $0x1  }
0x1: {  	s0 =	srdreg.scid  }
0x2: {  	s4 =	rddreg [dreg:$0x0];
	s2 =	simm.s32 $0x0;
	s13 =	simm.s32 $0xC800  }
0x3: {  	s14 =	simm.s32 $0xD480;
	s15 =	simm.s32 $0x1;
	s3 =	sand.u32 $0x1, s0  }
0x4: {  	s16 =	simm.s32 $0x2;
	s0 =	stileid.u32;
	s1 =	sshll.u32 s3, $0x4  }
0x5: {  	s17 =	simm.s32 $0x3;
	s18 =	simm.s32 $0x0;
	s5 =	sor.u32 s0, s1  }
0x6: {  	[smem:$0x7FF] =	sst s2;
	s3 =	ssub.s32 $0x2, s3;
	s6 =	smul.u32 $0x61A8, s5  }
0x7: {  	s1 =	rddreg [dreg:$0x1];
	s31 =	sshrl.u32 s3, $0x1;
	s5 =	smul.u32 $0x1900, s5  }
0x8: {  	_ =	strace $0x80000047;
	s12 =	ssub.s32 s3, s31;
	s6 =	sshrl.u32 s6, $0x3  }
0x9: {  	s12 =	smax.u32 s12, $0x1;
	s11 =	sadd.s32 s5, s4;
	s10 =	sadd.s32 s6, s4  }
0xa: {  	s11 =	sadd.s32 $0x32C00, s11;
	s3 =	sadd.s32 $0x1A4A0, s10;
	s4 =	sadd.s32 $0x1A630, s10  }
0xb: {  	s5 =	sadd.s32 $0x1A7C0, s10;
	s6 =	sadd.s32 $0x1A950, s10;
	s7 =	sadd.s32 $0x1AAE0, s10  }
0xc: {  	v0 =	vimm.f32 $0.0e+00;
	v1 =	vimm.f32 $1.000000000e+00;
	s8 =	sadd.s32 $0x1AC70, s10;
	s9 =	sadd.s32 $0x1AE00, s10;
	s10 =	sadd.s32 $0x1AF90, s10  }
.LBB2_1:
0xd: {  	[tilespmem:s13], [sflag:$0x1] =	stream.linear.gather [hbm4b:s3+s2], $0xC80, $0x38;
	[tilespmem:$0xE100] =	vst v63  }
0xe: {  	s19 =	simm.s32 $0x0;
	s20 =	simm.s32 $0x200  }
.LBB2_2:
0xf: {  	p0 =	sne.s32 s20, $0x31E00;
	[tilespmem:s19+$0x70] =	vst v0  }
0x10: {  	[tilespmem:s19+$0x0] =	vst v0  }
0x11: {  	[tilespmem:s19+$0x10] =	vst v0  }
.Ltmp0:
0x12: {  	[tilespmem:s19+$0x20] =	vst v0;
	(pc) =	sbr.rel @p0 .LBB2_2-.Ltmp0, $4  }
0x13: {  	[tilespmem:s19+$0x30] =	vst v0  }
0x14: {  	[tilespmem:s19+$0x40] =	vst v0  }
0x15: {  	[tilespmem:s19+$0x50] =	vst v0  }
0x16: {  	[tilespmem:s19+$0x60] =	vst v0;
	s19 =	sshra.s32 s20, $0x2;
	s20 =	sadd.s32 $0x200, s20  }
0x17: {  	[tilespmem:s19+$0x70] =	vst v0  }
0x18: {  	[tilespmem:s19+$0x0] =	vst v0  }
0x19: {  	[tilespmem:s19+$0x10] =	vst v0  }
0x1a: {  	[tilespmem:s19+$0x20] =	vst v0  }
0x1b: {  	[tilespmem:s19+$0x30] =	vst v0  }
0x1c: {  	[tilespmem:s19+$0x40] =	vst v0  }
0x1d: {  	[tilespmem:s19+$0x50] =	vst v0  }
0x1e: {  	[tilespmem:s19+$0x60] =	vst v0;
	s19 =	simm.s32 $0x0  }
0x1f: {  	[tilespmem:s14], [sflag:$0x2] =	stream.linear.gather [hbm4b:s4+s19], $0xC80, $0x38;
	[tilespmem:$0xE100] =	vst v63  }
0x20: {  	_ =	swait.ge [sflag:s15], $0xC80  }
0x21: {  	[sflag:s15] =	ssyncset.done $0x0  }
0x22: {  	[sflag:s15] =	ssyncadd.s32 $0xFFFFF380  }
.LBB2_4:
0x23: {  	s20 =	sshra.s32 s19, $0x2  }
0x24: {  	v2 =	vld [tilespmem:s20+$0xC800];
	_ =	sdelay $0x7  }
0x25: {  	[tilespmem:v2+s2+$0x0] =	vst.idx.add.f32.msk $0xffff, v1  }
0x26: {  	v2 =	vld [tilespmem:s20+$0xC810];
	_ =	sdelay $0x7  }
0x27: {  	[tilespmem:v2+s2+$0x0] =	vst.idx.add.f32.msk $0xffff, v1  }
0x28: {  	v2 =	vld [tilespmem:s20+$0xC820];
	_ =	sdelay $0x7  }
0x29: {  	[tilespmem:v2+s2+$0x0] =	vst.idx.add.f32.msk $0xffff, v1  }
0x2a: {  	v2 =	vld [tilespmem:s20+$0xC830];
	_ =	sdelay $0x2  }
0x2b: {  	p0 =	sne.s32 s19, $0x3100  }
.Ltmp1:
0x2c: {  	_ = 	snop;
	(pc) =	sbr.rel @p0 .LBB2_4-.Ltmp1, $2  }
0x2d: {  	_ =	sdelay $0x2  }
0x2e: {  	s19 =	sadd.s32 $0x100, s19;
	[tilespmem:v2+s2+$0x0] =	vst.idx.add.f32.msk $0xffff, v1  }
0x2f: {  	s19 =	simm.s32 $0x0  }
0x30: {  	[tilespmem:s13], [sflag:$0x1] =	stream.linear.gather [hbm4b:s5+s19], $0xC80, $0x38;
	[tilespmem:$0xE100] =	vst v63  }
0x31: {  	_ =	swait.ge [sflag:s16], $0xC80  }
0x32: {  	[sflag:s16] =	ssyncset.done $0x0  }
0x33: {  	s20 =	simm.s32 $0xD4B0;
	[sflag:s16] =	ssyncadd.s32 $0xFFFFF380  }
.LBB2_6:
0x34: {  	s21 =	sand.u32 $0xFC0, s19  }
0x35: {  	v2 =	vld [tilespmem:s21+$0xD480];
	_ =	sdelay $0x7  }
0x36: {  	[tilespmem:v2+s2+$0x0] =	vst.idx.add.f32.msk $0xffff, v1  }
0x37: {  	v2 =	vld [tilespmem:s20+$0xFFFFFFE0];
	_ =	sdelay $0x7  }
0x38: {  	[tilespmem:v2+s2+$0x0] =	vst.idx.add.f32.msk $0xffff, v1  }
0x39: {  	v2 =	vld [tilespmem:s20+$0xFFFFFFF0];
	_ =	sdelay $0x7  }
0x3a: {  	[tilespmem:v2+s2+$0x0] =	vst.idx.add.f32.msk $0xffff, v1  }
0x3b: {  	v2 =	vld [tilespmem:s20+$0x0];
	_ =	sdelay $0x2  }
0x3c: {  	p0 =	sne.s32 s19, $0xC40  }
.Ltmp2:
0x3d: {  	_ = 	snop;
	(pc) =	sbr.rel @p0 .LBB2_6-.Ltmp2, $2  }
0x3e: {  	_ =	sdelay $0x2  }
0x3f: {  	s19 =	sadd.s32 $0x40, s19;
	s20 =	sadd.s32 $0x40, s20;
	[tilespmem:v2+s2+$0x0] =	vst.idx.add.f32.msk $0xffff, v1  }
0x40: {  	s19 =	simm.s32 $0x0  }
0x41: {  	[tilespmem:s14], [sflag:$0x2] =	stream.linear.gather [hbm4b:s6+s19], $0xC80, $0x38;
	[tilespmem:$0xE100] =	vst v63  }
0x42: {  	_ =	swait.ge [sflag:s15], $0xC80  }
0x43: {  	[sflag:s15] =	ssyncset.done $0x0  }
0x44: {  	[sflag:s15] =	ssyncadd.s32 $0xFFFFF380  }
.LBB2_8:
0x45: {  	s20 =	sshra.s32 s19, $0x2  }
0x46: {  	v2 =	vld [tilespmem:s20+$0xC800];
	_ =	sdelay $0x7  }
0x47: {  	[tilespmem:v2+s2+$0x0] =	vst.idx.add.f32.msk $0xffff, v1  }
0x48: {  	v2 =	vld [tilespmem:s20+$0xC810];
	_ =	sdelay $0x7  }
0x49: {  	[tilespmem:v2+s2+$0x0] =	vst.idx.add.f32.msk $0xffff, v1  }
0x4a: {  	v2 =	vld [tilespmem:s20+$0xC820];
	_ =	sdelay $0x7  }
0x4b: {  	[tilespmem:v2+s2+$0x0] =	vst.idx.add.f32.msk $0xffff, v1  }
0x4c: {  	v2 =	vld [tilespmem:s20+$0xC830];
	_ =	sdelay $0x2  }
0x4d: {  	p0 =	sne.s32 s19, $0x3100  }
.Ltmp3:
0x4e: {  	_ = 	snop;
	(pc) =	sbr.rel @p0 .LBB2_8-.Ltmp3, $2  }
0x4f: {  	_ =	sdelay $0x2  }
0x50: {  	s19 =	sadd.s32 $0x100, s19;
	[tilespmem:v2+s2+$0x0] =	vst.idx.add.f32.msk $0xffff, v1  }
0x51: {  	s19 =	simm.s32 $0x0  }
0x52: {  	[tilespmem:s13], [sflag:$0x1] =	stream.linear.gather [hbm4b:s7+s19], $0xC80, $0x38;
	[tilespmem:$0xE100] =	vst v63  }
0x53: {  	_ =	swait.ge [sflag:s16], $0xC80  }
0x54: {  	[sflag:s16] =	ssyncset.done $0x0  }
0x55: {  	s20 =	simm.s32 $0xD4B0;
	[sflag:s16] =	ssyncadd.s32 $0xFFFFF380  }
.LBB2_10:
0x56: {  	s21 =	sand.u32 $0xFC0, s19  }
0x57: {  	v2 =	vld [tilespmem:s21+$0xD480];
	_ =	sdelay $0x7  }
0x58: {  	[tilespmem:v2+s2+$0x0] =	vst.idx.add.f32.msk $0xffff, v1  }
0x59: {  	v2 =	vld [tilespmem:s20+$0xFFFFFFE0];
	_ =	sdelay $0x7  }
0x5a: {  	[tilespmem:v2+s2+$0x0] =	vst.idx.add.f32.msk $0xffff, v1  }
0x5b: {  	v2 =	vld [tilespmem:s20+$0xFFFFFFF0];
	_ =	sdelay $0x7  }
0x5c: {  	[tilespmem:v2+s2+$0x0] =	vst.idx.add.f32.msk $0xffff, v1  }
0x5d: {  	v2 =	vld [tilespmem:s20+$0x0];
	_ =	sdelay $0x2  }
0x5e: {  	p0 =	sne.s32 s19, $0xC40  }
.Ltmp4:
0x5f: {  	_ = 	snop;
	(pc) =	sbr.rel @p0 .LBB2_10-.Ltmp4, $2  }
0x60: {  	_ =	sdelay $0x2  }
0x61: {  	s19 =	sadd.s32 $0x40, s19;
	s20 =	sadd.s32 $0x40, s20;
	[tilespmem:v2+s2+$0x0] =	vst.idx.add.f32.msk $0xffff, v1  }
0x62: {  	s19 =	simm.s32 $0x0  }
0x63: {  	[tilespmem:s14], [sflag:$0x2] =	stream.linear.gather [hbm4b:s8+s19], $0xC80, $0x38;
	[tilespmem:$0xE100] =	vst v63  }
0x64: {  	_ =	swait.ge [sflag:s15], $0xC80  }
0x65: {  	[sflag:s15] =	ssyncset.done $0x0  }
0x66: {  	[sflag:s15] =	ssyncadd.s32 $0xFFFFF380  }
.LBB2_12:
0x67: {  	s20 =	sshra.s32 s19, $0x2  }
0x68: {  	v2 =	vld [tilespmem:s20+$0xC800];
	_ =	sdelay $0x7  }
0x69: {  	[tilespmem:v2+s2+$0x0] =	vst.idx.add.f32.msk $0xffff, v1  }
0x6a: {  	v2 =	vld [tilespmem:s20+$0xC810];
	_ =	sdelay $0x7  }
0x6b: {  	[tilespmem:v2+s2+$0x0] =	vst.idx.add.f32.msk $0xffff, v1  }
0x6c: {  	v2 =	vld [tilespmem:s20+$0xC820];
	_ =	sdelay $0x7  }
0x6d: {  	[tilespmem:v2+s2+$0x0] =	vst.idx.add.f32.msk $0xffff, v1  }
0x6e: {  	v2 =	vld [tilespmem:s20+$0xC830];
	_ =	sdelay $0x2  }
0x6f: {  	p0 =	sne.s32 s19, $0x3100  }
.Ltmp5:
0x70: {  	_ = 	snop;
	(pc) =	sbr.rel @p0 .LBB2_12-.Ltmp5, $2  }
0x71: {  	_ =	sdelay $0x2  }
0x72: {  	s19 =	sadd.s32 $0x100, s19;
	[tilespmem:v2+s2+$0x0] =	vst.idx.add.f32.msk $0xffff, v1  }
0x73: {  	s19 =	simm.s32 $0x0  }
0x74: {  	[tilespmem:s13], [sflag:$0x1] =	stream.linear.gather [hbm4b:s9+s19], $0xC80, $0x38;
	[tilespmem:$0xE100] =	vst v63  }
0x75: {  	_ =	swait.ge [sflag:s16], $0xC80  }
0x76: {  	[sflag:s16] =	ssyncset.done $0x0  }
0x77: {  	s20 =	simm.s32 $0xD4B0;
	[sflag:s16] =	ssyncadd.s32 $0xFFFFF380  }
.LBB2_14:
0x78: {  	s21 =	sand.u32 $0xFC0, s19  }
0x79: {  	v2 =	vld [tilespmem:s21+$0xD480];
	_ =	sdelay $0x7  }
0x7a: {  	[tilespmem:v2+s2+$0x0] =	vst.idx.add.f32.msk $0xffff, v1  }
0x7b: {  	v2 =	vld [tilespmem:s20+$0xFFFFFFE0];
	_ =	sdelay $0x7  }
0x7c: {  	[tilespmem:v2+s2+$0x0] =	vst.idx.add.f32.msk $0xffff, v1  }
0x7d: {  	v2 =	vld [tilespmem:s20+$0xFFFFFFF0];
	_ =	sdelay $0x7  }
0x7e: {  	[tilespmem:v2+s2+$0x0] =	vst.idx.add.f32.msk $0xffff, v1  }
0x7f: {  	v2 =	vld [tilespmem:s20+$0x0];
	_ =	sdelay $0x2  }
0x80: {  	p0 =	sne.s32 s19, $0xC40  }
.Ltmp6:
0x81: {  	_ = 	snop;
	(pc) =	sbr.rel @p0 .LBB2_14-.Ltmp6, $2  }
0x82: {  	_ =	sdelay $0x2  }
0x83: {  	s19 =	sadd.s32 $0x40, s19;
	s20 =	sadd.s32 $0x40, s20;
	[tilespmem:v2+s2+$0x0] =	vst.idx.add.f32.msk $0xffff, v1  }
0x84: {  	s19 =	simm.s32 $0x0  }
0x85: {  	[tilespmem:s14], [sflag:$0x2] =	stream.linear.gather [hbm4b:s10+s19], $0xA28, $0x38;
	[tilespmem:$0xE100] =	vst v63  }
0x86: {  	_ =	swait.ge [sflag:s15], $0xC80  }
0x87: {  	[sflag:s15] =	ssyncset.done $0x0  }
0x88: {  	[sflag:s15] =	ssyncadd.s32 $0xFFFFF380  }
.LBB2_16:
0x89: {  	s20 =	sshra.s32 s19, $0x2  }
0x8a: {  	v2 =	vld [tilespmem:s20+$0xC800];
	_ =	sdelay $0x7  }
0x8b: {  	[tilespmem:v2+s2+$0x0] =	vst.idx.add.f32.msk $0xffff, v1  }
0x8c: {  	v2 =	vld [tilespmem:s20+$0xC810];
	_ =	sdelay $0x7  }
0x8d: {  	[tilespmem:v2+s2+$0x0] =	vst.idx.add.f32.msk $0xffff, v1  }
0x8e: {  	v2 =	vld [tilespmem:s20+$0xC820];
	_ =	sdelay $0x7  }
0x8f: {  	[tilespmem:v2+s2+$0x0] =	vst.idx.add.f32.msk $0xffff, v1  }
0x90: {  	v2 =	vld [tilespmem:s20+$0xC830];
	_ =	sdelay $0x2  }
0x91: {  	p0 =	sne.s32 s19, $0x3100  }
.Ltmp7:
0x92: {  	_ = 	snop;
	(pc) =	sbr.rel @p0 .LBB2_16-.Ltmp7, $2  }
0x93: {  	_ =	sdelay $0x2  }
0x94: {  	s19 =	sadd.s32 $0x100, s19;
	[tilespmem:v2+s2+$0x0] =	vst.idx.add.f32.msk $0xffff, v1  }
0x95: {  	_ =	swait.ge [sflag:s16], $0xA28  }
0x96: {  	[sflag:s16] =	ssyncset.done $0x0  }
0x97: {  	s19 =	simm.s32 $0x0;
	s20 =	simm.s32 $0xD4B0;
	[sflag:s16] =	ssyncadd.s32 $0xFFFFF5D8  }
.LBB2_18:
0x98: {  	s21 =	sand.u32 $0xFC0, s19  }
0x99: {  	v2 =	vld [tilespmem:s21+$0xD480];
	_ =	sdelay $0x7  }
0x9a: {  	[tilespmem:v2+s2+$0x0] =	vst.idx.add.f32.msk $0xffff, v1  }
0x9b: {  	v2 =	vld [tilespmem:s20+$0xFFFFFFE0];
	_ =	sdelay $0x7  }
0x9c: {  	[tilespmem:v2+s2+$0x0] =	vst.idx.add.f32.msk $0xffff, v1  }
0x9d: {  	v2 =	vld [tilespmem:s20+$0xFFFFFFF0];
	_ =	sdelay $0x7  }
0x9e: {  	[tilespmem:v2+s2+$0x0] =	vst.idx.add.f32.msk $0xffff, v1  }
0x9f: {  	v2 =	vld [tilespmem:s20+$0x0];
	_ =	sdelay $0x2  }
0xa0: {  	p0 =	sne.s32 s19, $0x9C0  }
.Ltmp8:
0xa1: {  	_ = 	snop;
	(pc) =	sbr.rel @p0 .LBB2_18-.Ltmp8, $2  }
0xa2: {  	_ =	sdelay $0x2  }
0xa3: {  	s19 =	sadd.s32 $0x40, s19;
	s20 =	sadd.s32 $0x40, s20;
	[tilespmem:v2+s2+$0x0] =	vst.idx.add.f32.msk $0xffff, v1  }
0xa4: {  	v2 =	vld [tilespmem:$0xDE80];
	_ =	sdelay $0x7  }
0xa5: {  	[tilespmem:v2+s2+$0x0] =	vst.idx.add.f32.msk $0xffff, v1  }
0xa6: {  	v2 =	vld [tilespmem:$0xDE90];
	_ =	sdelay $0x7  }
0xa7: {  	[tilespmem:v2+s2+$0x0] =	vst.idx.add.f32.msk $0xffff, v1  }
0xa8: {  	v2 =	vld [tilespmem:$0xDEA0];
	_ =	sdelay $0x5  }
0xa9: {  	s18 =	sadd.s32 $0x1, s18  }
0xaa: {  	p0 =	sne.s32 s18, s12  }
.Ltmp9:
0xab: {  	[tilespmem:v2+s2+$0x0] =	vst.idx.add.f32.msk $0xff, v1;
	(pc) =	sbr.rel @p0 .LBB2_1-.Ltmp9, $4  }
0xac: {  	[hbm4b:s11+s2] =	stream.linear.scatter [tilespmem:s2], [sflag:$0x3], $0xC800, $0x38;
	[tilespmem:$0xE100] =	vst v63  }
0xad: {  	_ =	swait.ge [sflag:s17], $0xC800  }
0xae: {  	[sflag:s17] =	ssyncset.done $0x0  }
0xaf: {  	[sflag:s17] =	ssyncadd.s32 $0xFFFF3800  }
0xb0: {  	_ =	sfence.sel $0x180000  }
0xb1: {  	[bflag:$0x0] =	sbarrier.arrive $0xFFFF  }
0xb2: {  	p0 =	sne.s32 s0, $0x0;
	_ =	strace $0x90000047  }
0xb3: {  	s0 =	sadd.s32 @!p0 $0x100000, s1;
	[bflag:$0x2] =	sbarrier.arrive $0xFFFF  }
0xb4: {  	[sflag:s0] =	ssyncadd.tile.s32 @!p0 $0x1;
	_ =	shalt  }
.Lfunc_end2:
_tile_overlayer_lowered:
.L_overlay_start_2:
0xb5: {  	(tag) =	ssettag $0x2  }
0xb6: {  	s0 =	rddreg [dreg:$0x0];
	s2 =	stileid.u32  }
0xb7: {  	s1 =	rddreg [dreg:$0x1];
	p0 =	sne.s32 s2, $0x0  }
0xb8: {  	s3 =	rddreg [dreg:$0x2];
	[bflag:$0x3] =	sbarrier.arrive $0xFFFF;
	s2 =	simm.s32 @!p0 $0x1C03  }
0xb9: {  	[timem:s3], [sflag:s2] =	dma.local @!p0 [hbm:s0], s1  }
0xba: {  	s0 =	simm.s32 @!p0 $0x3  }
0xbb: {  	_ =	swait.ge @!p0 [sflag:s0], s1  }
0xbc: {  	s1 =	ssub.s32 @!p0 $0x0, s1;
	[sflag:s0] =	ssyncset.done @!p0 $0x0  }
0xbd: {  	[sflag:s0] =	ssyncadd.s32 @!p0 s1  }
0xbe: {  	[bflag:$0x3] =	sbarrier.arrive $0xFFFF  }
0xbf: {  	_ =	shalt  }

// kernel: kernel.9.cloned.1.call-start
scs
__scs_entry_jumppad:
0x0: {  	(pc) =	sbr.rel $0x88, $3  }
0x1: {  	(tag) =	ssettag $0x0;
	lr =	simm.s32 $0x1  }
0x2: {  	[smem:$0x3F9A] =	sst lr;
	_ =	strace $0xD0000000  }
0x3: {  	_ = 	snop  }
0x4: {  	_ = 	snop  }
0x5: {  	_ = 	snop  }
0x6: {  	_ = 	snop  }
0x7: {  	_ = 	snop  }
__scs_overlays_trampoline_lowered:
0x8: {  	[smem:$0x3FA9] =	sst s0  }
0x9: {  	[smem:$0x3FAA] =	sst s1  }
0xa: {  	[smem:$0x3FAB] =	sst s2  }
0xb: {  	[smem:$0x3FAC] =	sst s3  }
0xc: {  	[smem:$0x3FAD] =	sst s4  }
0xd: {  	[smem:$0x3FAE] =	sst s5  }
0xe: {  	[smem:$0x3FAF] =	sst s6  }
0xf: {  	[smem:$0x3FB0] =	sst s7  }
0x10: {  	[smem:$0x3FB1] =	sst s8  }
0x11: {  	[smem:$0x3FB2] =	sst s9;
	s0 =	simm.s32 @!p0 $0x0  }
0x12: {  	s1 =	sld [smem:$0x3F98];
	s0 =	simm.s32 @p0 $0x1  }
0x13: {  	[smem:$0x3FB3] =	sst s0;
	s0 =	simm.s32 @!p1 $0x0  }
0x14: {  	s2 =	sld [smem:$0x3F97];
	s0 =	simm.s32 @p1 $0x1  }
0x15: {  	[smem:$0x3FB4] =	sst s0;
	s0 =	simm.s32 @!p2 $0x0  }
0x16: {  	s3 =	sld [smem:$0x3FDB];
	s0 =	simm.s32 @p2 $0x1  }
0x17: {  	s4 =	simm.s32 $0x1BF5;
	[smem:$0x3FB6] =	sst s0  }
0x18: {  	s0 =	sld [smem:$0x3F99];
	_ =	swait.ge [sflag:s4], $0x0  }
0x19: {  	s7 =	sld [smem:$0x3F9A]  }
0x1a: {  	s8 =	sadd.s32 $0xFFFFE003, lr  }
0x1b: {  	s9 =	sadd.s32 $0xFFFFFEF7, lr;
	s5 =	simm.s32 $0xFFFFFFFF;
	p2 =	slt.u32 s8, $0xFFFFF086  }
0x1c: {  	p1 =	slt.u32 s9, $0xF7A;
	s5 =	simm.s32 @!p2 $0x0  }
0x1d: {  	s5 =	simm.s32 @p1 $0x1;
	p0 =	seq.s32 s7, s2  }
0x1e: {  	s7 =	smul.u32 @!p0 $0xF7A, s2;
	p2 =	seq.s32 @!p0 s5, $0x0  }
0x1f: {  	s9 =	smul.u32 $0xF7A, s1;
	s8 =	simm.s32 @!p0 $0x1BF5;
	p2 =	por !p2, p0  }
0x20: {  	[sflag:s8] =	ssyncset.s32 @!p0 $0xFFFFF086;
	s6 =	sadd.s32 @!p0 s3, s7;
	s7 =	simm.s32 @!p0 $0x108  }
0x21: {  	s3 =	sadd.s32 s3, s9;
	s6 =	sadd.s32 @!p0 $0x88, s6;
	s7 =	simm.s32 @p2 $0x1082  }
0x22: {  	[simem:s7], [sflag:s8] =	dma.local @!p0 [hbm:s6], $0xF7A  }
0x23: {  	s9 =	sor.u32 $0xD0000000, s2;
	s6 =	simm.s32 $0x108;
	_ =	swait.ge @!p0 [sflag:s8], $0x0  }
0x24: {  	s3 =	sadd.s32 $0x88, s3;
	s6 =	simm.s32 @!p1 $0x1082;
	[sflag:s4] =	ssyncset.s32 $0xFFFFF086  }
0x25: {  	[simem:s6], [sflag:s4] =	dma.local [hbm:s3], $0xF7A  }
0x26: {  	[smem:$0x3F9A] =	sst s1;
	(tag) =	ssettag s2;
	_ =	strace s9  }
0x27: {  	s1 =	sld [smem:$0x3FAA]  }
0x28: {  	s2 =	sld [smem:$0x3FAB]  }
0x29: {  	s4 =	sld [smem:$0x3FAD]  }
0x2a: {  	p0 =	seq.s32 s5, $0x0;
	s5 =	sld [smem:$0x3FAE]  }
0x2b: {  	s6 =	sld [smem:$0x3FAF]  }
0x2c: {  	s7 =	sld [smem:$0x3FB0]  }
0x2d: {  	s3 =	simm.s32 $0x108;
	s8 =	sld [smem:$0x3FB1]  }
0x2e: {  	s3 =	simm.s32 @!p0 $0x1082;
	s9 =	sld [smem:$0x3FB2]  }
0x2f: {  	lr =	sadd.s32 s0, s3;
	s0 =	sld [smem:$0x3FA9]  }
0x30: {  	s3 =	sld [smem:$0x3FAC]  }
0x31: {  	[smem:$0x3FB5] =	sst s10  }
0x32: {  	s10 =	sld [smem:$0x3FB3];
	_ =	sdelay $0x3  }
0x33: {  	p0 =	seq.s32 s10, $0x1;
	s10 =	sld [smem:$0x3FB5];
	_ =	sdelay $0x3  }
0x34: {  	[smem:$0x3FB5] =	sst s10  }
0x35: {  	s10 =	sld [smem:$0x3FB4];
	_ =	sdelay $0x3  }
0x36: {  	p1 =	seq.s32 s10, $0x1;
	s10 =	sld [smem:$0x3FB5];
	_ =	sdelay $0x3  }
0x37: {  	[smem:$0x3FB5] =	sst s10  }
0x38: {  	s10 =	sld [smem:$0x3FB6]  }
0x39: {  	_ = 	snop;
	(pc) =	sbr.ind lr, $3  }
0x3a: {  	_ = 	snop  }
0x3b: {  	_ = 	snop  }
0x3c: {  	p2 =	seq.s32 s10, $0x1;
	s10 =	sld [smem:$0x3FB5]  }
0x3d: {  	_ =	shalt  }
0x3e: {  	_ =	shalt  }
0x3f: {  	_ =	shalt  }
0x40: {  	_ =	shalt  }
0x41: {  	_ =	shalt  }
0x42: {  	_ =	shalt  }
0x43: {  	_ =	shalt  }
0x44: {  	_ =	shalt  }
0x45: {  	_ =	shalt  }
0x46: {  	_ =	shalt  }
0x47: {  	_ =	shalt  }
0x48: {  	_ =	shalt  }
0x49: {  	_ =	shalt  }
0x4a: {  	_ =	shalt  }
0x4b: {  	_ =	shalt  }
0x4c: {  	_ =	shalt  }
0x4d: {  	_ =	shalt  }
0x4e: {  	_ =	shalt  }
0x4f: {  	_ =	shalt  }
0x50: {  	_ =	shalt  }
0x51: {  	_ =	shalt  }
0x52: {  	_ =	shalt  }
0x53: {  	_ =	shalt  }
0x54: {  	_ =	shalt  }
0x55: {  	_ =	shalt  }
0x56: {  	_ =	shalt  }
0x57: {  	_ =	shalt  }
0x58: {  	_ =	shalt  }
0x59: {  	_ =	shalt  }
0x5a: {  	_ =	shalt  }
0x5b: {  	_ =	shalt  }
0x5c: {  	_ =	shalt  }
0x5d: {  	_ =	shalt  }
0x5e: {  	_ =	shalt  }
0x5f: {  	_ =	shalt  }
0x60: {  	_ =	shalt  }
0x61: {  	_ =	shalt  }
0x62: {  	_ =	shalt  }
0x63: {  	_ =	shalt  }
0x64: {  	_ =	shalt  }
0x65: {  	_ =	shalt  }
0x66: {  	_ =	shalt  }
0x67: {  	_ =	shalt  }
0x68: {  	_ =	shalt  }
0x69: {  	_ =	shalt  }
0x6a: {  	_ =	shalt  }
0x6b: {  	_ =	shalt  }
0x6c: {  	_ =	shalt  }
0x6d: {  	_ =	shalt  }
0x6e: {  	_ =	shalt  }
0x6f: {  	_ =	shalt  }
0x70: {  	_ =	shalt  }
0x71: {  	_ =	shalt  }
0x72: {  	_ =	shalt  }
0x73: {  	_ =	shalt  }
0x74: {  	_ =	shalt  }
0x75: {  	_ =	shalt  }
0x76: {  	_ =	shalt  }
0x77: {  	_ =	shalt  }
0x78: {  	_ =	shalt  }
0x79: {  	_ =	shalt  }
0x7a: {  	_ =	shalt  }
0x7b: {  	_ =	shalt  }
0x7c: {  	_ =	shalt  }
0x7d: {  	_ =	shalt  }
0x7e: {  	_ =	shalt  }
0x7f: {  	_ =	shalt  }
0x80: {  	_ =	shalt  }
0x81: {  	_ =	shalt  }
0x82: {  	_ =	shalt  }
0x83: {  	_ =	shalt  }
0x84: {  	_ =	shalt  }
0x85: {  	_ =	shalt  }
0x86: {  	_ =	shalt  }
0x87: {  	_ =	shalt  }
.Lfunc_end0:
.L_simem_size_0:
called_computation.1_lowered:
.L_overlay_start_0:
0x88: {  	s2 =	sld [smem:$0x3FD9]  }
0x89: {  	s3 =	sld [smem:$0x3FFE];
	_ =	sdelay $0x1  }
0x8a: {  	s1 =	srdreg.scid  }
0x8b: {  	s0 =	sand.u32 $0x1, s1  }
0x8c: {  	s17 =	sshll.u32 s0, $0xA;
	s2 =	sadd.s32 s3, s2  }
0x8d: {  	s2 =	sadd.s32 s2, s17  }
0x8e: {  	[smem:$0x3FC1] =	sst s2  }
0x8f: {  	_ = 	snop  }
0x90: {  	s2 =	sld [smem:$0x3FD0];
	(tm) =	ssettm $0x1  }
0x91: {  	s18 =	sld [smem:$0x3FFB];
	_ =	sdelay $0x3  }
0x92: {  	_ =	strace s18  }
0x93: {  	s3 =	sld [smem:$0x3FFC];
	_ =	sdelay $0x3  }
0x94: {  	_ =	strace s3  }
0x95: {  	s3 =	sld [smem:$0x3FFD];
	_ =	sdelay $0x3  }
0x96: {  	_ =	strace s3  }
0x97: {  	_ =	strace $0x8FFFFFFF  }
0x98: {  	s19 =	sld [smem:$0x3FDB];
	_ =	sdelay $0x1  }
0x99: {  	s4 =	simm.s32 $_scs_section_size  }
0x9a: {  	s5 =	simm.s32 $_size__tile_overlayer_lowered;
	s6 =	simm.s32 $_tile_overlayer_lowered  }
0x9b: {  	s22 =	simm.s32 $0x1BFF;
	s21 =	sshll.u32 s6, $0x1;
	s3 =	sadd.s32 s4, s19  }
0x9c: {  	s7 =	simm.s32 $0x0;
	s20 =	sshll.u32 s5, $0x1;
	s5 =	sadd.s32 s21, s3  }
0x9d: {  	[timem:s7], [sflag:s22] =	dma.local [hbm:s5], s20  }
0x9e: {  	_ =	swait.ge [sflag:s22], s20  }
0x9f: {  	s4 =	ssub.s32 $0x0, s20;
	[sflag:s22] =	ssyncset.done $0x0  }
0xa0: {  	[sflag:s22] =	ssyncadd.s32 s4;
	_ =	sdelay $0x1  }
0xa1: {  	s23 =	simm.s32 $0x1B8B  }
0xa2: {  	_ =	swait.ge [sflag:s23], $0x1  }
0xa3: {  	[sflag:s23] =	ssyncset.done $0x0  }
0xa4: {  	s25 =	simm.s32 $0x1B8E;
	s24 =	sld [smem:$0x3FFE];
	[sflag:s23] =	ssyncadd.s32 $0xFFFFFFFF  }
0xa5: {  	s26 =	simm.s32 $execute0_lowered;
	[smem:$0x3FD2] =	sst s25  }
0xa6: {  	s5 =	sshll.u32 s26, $0x1;
	_ =	strace $0x80000049;
	[dreg:$0x1] =	wrdreg $0xFFFFFFFF  }
0xa7: {  	s28 =	simm.s32 $_size_execute0_lowered;
	s3 =	sadd.s32 s3, s5;
	[dreg:$0x0] =	wrdreg $0x0  }
0xa8: {  	s5 =	sshll.u32 s28, $0x1;
	[dreg:$0x2] =	wrdreg s3  }
0xa9: {  	[dreg:$0x3] =	wrdreg s5  }
0xaa: {  	[dreg:$0x4] =	wrdreg $0xC0  }
0xab: {  	_ =	task [dreg:s7], $0x5FFFF  }
0xac: {  	[dreg:$0x1] =	wrdreg $0xFFFFFFFF  }
0xad: {  	[dreg:$0x0] =	wrdreg $0x60  }
0xae: {  	[dreg:$0x2] =	wrdreg s24  }
0xaf: {  	[dreg:$0x3] =	wrdreg s2  }
0xb0: {  	[dreg:$0x4] =	wrdreg $0x9  }
0xb1: {  	_ =	task.clear_ibuf [dreg:s7], $0x5FFFF;
	_ =	strace $0x90000049  }
0xb2: {  	s29 =	simm.s32 $0x9;
	_ =	strace $0x8000004B  }
0xb3: {  	_ =	swait.ge [sflag:s29], $0x1  }
0xb4: {  	[sflag:s29] =	ssyncadd.s32 $0xFFFFFFFF  }
0xb5: {  	_ =	strace $0x9000004B  }
0xb6: {  	_ =	sfence  }
0xb7: {  	s30 =	sld [smem:$0x0];
	_ =	sdelay $0x2  }
0xb8: {  	s31 =	sshll.u32 s1, $0xD;
	s1 =	sshrl.u32 s1, $0x2  }
0xb9: {  	s3 =	sand.u32 $0x4000, s31;
	s1 =	sadd.s32 s1, s30  }
0xba: {  	s0 =	sor.u32 s3, s0;
	s1 =	sshll.u32 s1, $0x11  }
0xbb: {  	s0 =	sor.u32 s1, s0  }
0xbc: {  	s0 =	sadd.s32 $0x8F2B, s0  }
0xbd: {  	[sflag:s0] =	ssyncadd.remote.s32 $0x1  }
0xbe: {  	_ =	sfence.sel $0xFFFF  }
0xbf: {  	[dreg:$0x0] =	wrdreg $0xFFFFFFFF;
	(pc) =	sbr.abs _section_cstart, $3  }
0xc0: {  	[dreg:$0x1] =	wrdreg $0xFFFFFFFF  }
0xc1: {  	_ =	task.clear_ibuf [dreg:s7], $0x2FFFF;
	_ =	strace $0x9FFFFFFF  }
0xc2: {  	(tm) =	ssettm $0x7FFFFFFF  }
0xc3: {  	_ =	shalt  }
tec
execute0_lowered:
.L_overlay_start_1:
0x0: {  	(tag) =	ssettag $0x1  }
0x1: {  	s0 =	srdreg.scid  }
0x2: {  	s1 =	rddreg [dreg:$0x0];
	s3 =	stileid.u32  }
0x3: {  	s22 =	simm.s32 $0x19000;
	s28 =	simm.s32 $0x1;
	s0 =	sand.u32 $0x1, s0  }
0x4: {  	s29 =	simm.s32 $0x3;
	s30 =	simm.s32 $0xC800;
	s2 =	sshll.u32 s0, $0x4  }
0x5: {  	s31 =	simm.s32 $0x2;
	s0 =	ssub.s32 $0x2, s0;
	s2 =	sor.u32 s3, s2  }
0x6: {  	s3 =	simm.s32 $0x0;
	s5 =	sshrl.u32 s0, $0x1;
	s4 =	smul.u32 $0x61A8, s2  }
0x7: {  	[smem:$0x7FF] =	sst s3;
	s2 =	smul.u32 $0x1900, s2;
	s0 =	ssub.s32 s0, s5  }
0x8: {  	_ =	strace $0x8000004A;
	s21 =	smax.u32 s0, $0x1;
	s4 =	sshrl.u32 s4, $0x3  }
0x9: {  	s0 =	simm.s32 $0x6;
	s4 =	sadd.s32 s4, s1;
	s1 =	sadd.s32 s2, s1  }
0xa: {  	s2 =	simm.s32 $0x0;
	s23 =	sadd.s32 $0x1E00, s4;
	s24 =	sadd.s32 $0x1A4A0, s4  }
0xb: {  	s25 =	sadd.s32 $0x1F90, s4;
	s26 =	sadd.s32 $0x1A630, s4;
	s8 =	sadd.s32 $0x2120, s4  }
0xc: {  	s9 =	sadd.s32 $0x1A7C0, s4;
	s10 =	sadd.s32 $0x22B0, s4;
	s11 =	sadd.s32 $0x1A950, s4  }
0xd: {  	s12 =	sadd.s32 $0x2440, s4;
	s13 =	sadd.s32 $0x1AAE0, s4;
	s14 =	sadd.s32 $0x25D0, s4  }
0xe: {  	s15 =	sadd.s32 $0x1AC70, s4;
	s16 =	sadd.s32 $0x2760, s4;
	[dreg:$0x3] =	wrdreg s23  }
0xf: {  	s17 =	sadd.s32 $0x1AE00, s4;
	s18 =	sadd.s32 $0x28F0, s4;
	[dreg:$0x4] =	wrdreg s24  }
0x10: {  	s19 =	sadd.s32 $0x1AF90, s4;
	s20 =	sadd.s32 $0x32C00, s1;
	[dreg:$0x5] =	wrdreg s25  }
0x11: {  	s1 =	simm.s32 $0x4;
	[dreg:$0x6] =	wrdreg s26;
	s23 =	simm.s32 $0x1A900  }
0x12: {  	v0 =	vimm.f32 $0.0e+00;
	s24 =	simm.s32 $0x5;
	s25 =	simm.s32 $0x19C80;
	s26 =	simm.s32 $0x1B580  }
.LBB2_1:
0x13: {  	s4 =	rddreg [dreg:$0x3]  }
0x14: {  	[tilespmem:s22], [sflag:$0x1] =	stream.linear.gather [hbm4b:s4+s3], $0xC80, $0x38;
	[tilespmem:$0x1C200] =	vst v63  }
0x15: {  	s6 =	rddreg [dreg:$0x4]  }
0x16: {  	[tilespmem:s23], [sflag:$0x3] =	stream.linear.gather [hbm4b:s6+s3], $0xC80, $0x38;
	[tilespmem:$0x1C200] =	vst v63  }
0x17: {  	s7 =	rddreg [dreg:$0x1];
	s5 =	simm.s32 $0x200;
	s4 =	simm.s32 $0x0  }
0x18: {  	[tilespmem:s3], [sflag:$0x5] =	stream.linear.gather [hbm4b:s7+s3], $0xC800, $0x38;
	[tilespmem:$0x1C200] =	vst v63  }
.LBB2_2:
0x19: {  	p0 =	sne.s32 s5, $0x31E00;
	[tilespmem:s4+$0xC870] =	vst v0  }
0x1a: {  	[tilespmem:s4+$0xC800] =	vst v0  }
0x1b: {  	[tilespmem:s4+$0xC810] =	vst v0  }
.Ltmp0:
0x1c: {  	[tilespmem:s4+$0xC820] =	vst v0;
	(pc) =	sbr.rel @p0 .LBB2_2-.Ltmp0, $4  }
0x1d: {  	[tilespmem:s4+$0xC830] =	vst v0  }
0x1e: {  	[tilespmem:s4+$0xC840] =	vst v0  }
0x1f: {  	[tilespmem:s4+$0xC850] =	vst v0  }
0x20: {  	[tilespmem:s4+$0xC860] =	vst v0;
	s4 =	sshra.s32 s5, $0x2;
	s5 =	sadd.s32 $0x200, s5  }
0x21: {  	[tilespmem:s4+$0xC870] =	vst v0  }
0x22: {  	[tilespmem:s4+$0xC800] =	vst v0  }
0x23: {  	[tilespmem:s4+$0xC810] =	vst v0  }
0x24: {  	[tilespmem:s4+$0xC820] =	vst v0  }
0x25: {  	[tilespmem:s4+$0xC830] =	vst v0  }
0x26: {  	[tilespmem:s4+$0xC840] =	vst v0  }
0x27: {  	[tilespmem:s4+$0xC850] =	vst v0  }
0x28: {  	[tilespmem:s4+$0xC860] =	vst v0  }
0x29: {  	_ =	swait.ge [sflag:s24], $0xC800  }
0x2a: {  	[sflag:s24] =	ssyncset.done $0x0  }
0x2b: {  	s4 =	simm.s32 $0x0;
	s5 =	rddreg [dreg:$0x5];
	[sflag:s24] =	ssyncadd.s32 $0xFFFF3800  }
0x2c: {  	[tilespmem:s25], [sflag:$0x2] =	stream.linear.gather [hbm4b:s5+s4], $0xC80, $0x38;
	[tilespmem:$0x1C200] =	vst v63  }
0x2d: {  	s7 =	rddreg [dreg:$0x6]  }
0x2e: {  	[tilespmem:s26], [sflag:$0x4] =	stream.linear.gather [hbm4b:s7+s4], $0xC80, $0x38;
	[tilespmem:$0x1C200] =	vst v63  }
0x2f: {  	_ =	swait.ge [sflag:s28], $0xC80  }
0x30: {  	[sflag:s28] =	ssyncset.done $0x0  }
0x31: {  	[sflag:s28] =	ssyncadd.s32 $0xFFFFF380  }
0x32: {  	_ =	swait.ge [sflag:s29], $0xC80  }
0x33: {  	[sflag:s29] =	ssyncset.done $0x0  }
0x34: {  	[sflag:s29] =	ssyncadd.s32 $0xFFFFF380  }
.LBB2_4:
0x35: {  	s5 =	sshra.s32 s4, $0x2  }
0x36: {  	v1 =	vld [tilespmem:s5+$0x19000];
	_ =	sdelay $0x4  }
0x37: {  	v2 =	vld [tilespmem:s5+$0x1A900];
	_ =	sdelay $0x2  }
0x38: {  	v1 =	vld.idx.msk [tilespmem:v1+s3+$0x0], $0xffff;
	_ =	sdelay $0x4  }
0x39: {  	[tilespmem:v2+s30+$0x0] =	vst.idx.add.f32.msk $0xffff, v1  }
0x3a: {  	v1 =	vld [tilespmem:s5+$0x19010];
	_ =	sdelay $0x4  }
0x3b: {  	v2 =	vld [tilespmem:s5+$0x1A910];
	_ =	sdelay $0x2  }
0x3c: {  	v1 =	vld.idx.msk [tilespmem:v1+s3+$0x0], $0xffff;
	_ =	sdelay $0x4  }
0x3d: {  	[tilespmem:v2+s30+$0x0] =	vst.idx.add.f32.msk $0xffff, v1  }
0x3e: {  	v1 =	vld [tilespmem:s5+$0x19020];
	_ =	sdelay $0x4  }
0x3f: {  	v2 =	vld [tilespmem:s5+$0x1A920];
	_ =	sdelay $0x2  }
0x40: {  	v1 =	vld.idx.msk [tilespmem:v1+s3+$0x0], $0xffff;
	_ =	sdelay $0x4  }
0x41: {  	[tilespmem:v2+s30+$0x0] =	vst.idx.add.f32.msk $0xffff, v1  }
0x42: {  	v1 =	vld [tilespmem:s5+$0x19030];
	_ =	sdelay $0x4  }
0x43: {  	v2 =	vld [tilespmem:s5+$0x1A930];
	_ =	sdelay $0x2  }
0x44: {  	p0 =	sne.s32 s4, $0x3100;
	v1 =	vld.idx.msk [tilespmem:v1+s3+$0x0], $0xffff  }
.Ltmp1:
0x45: {  	_ = 	snop;
	(pc) =	sbr.rel @p0 .LBB2_4-.Ltmp1, $2  }
0x46: {  	_ =	sdelay $0x2  }
0x47: {  	s4 =	sadd.s32 $0x100, s4;
	[tilespmem:v2+s30+$0x0] =	vst.idx.add.f32.msk $0xffff, v1  }
0x48: {  	s4 =	simm.s32 $0x0  }
0x49: {  	[tilespmem:s22], [sflag:$0x1] =	stream.linear.gather [hbm4b:s8+s4], $0xC80, $0x38;
	[tilespmem:$0x1C200] =	vst v63  }
0x4a: {  	_ = 	snop  }
0x4b: {  	[tilespmem:s23], [sflag:$0x3] =	stream.linear.gather [hbm4b:s9+s4], $0xC80, $0x38;
	[tilespmem:$0x1C200] =	vst v63  }
0x4c: {  	_ =	swait.ge [sflag:s31], $0xC80  }
0x4d: {  	[sflag:s31] =	ssyncset.done $0x0  }
0x4e: {  	[sflag:s31] =	ssyncadd.s32 $0xFFFFF380  }
0x4f: {  	_ =	swait.ge [sflag:s1], $0xC80  }
0x50: {  	[sflag:s1] =	ssyncset.done $0x0  }
0x51: {  	s5 =	simm.s32 $0x1B5B0;
	s6 =	simm.s32 $0x19CB0;
	[sflag:s1] =	ssyncadd.s32 $0xFFFFF380  }
.LBB2_6:
0x52: {  	s7 =	sand.u32 $0xFC0, s4  }
0x53: {  	v1 =	vld [tilespmem:s7+$0x19C80];
	_ =	sdelay $0x4  }
0x54: {  	v2 =	vld [tilespmem:s7+$0x1B580];
	_ =	sdelay $0x2  }
0x55: {  	v1 =	vld.idx.msk [tilespmem:v1+s3+$0x0], $0xffff;
	_ =	sdelay $0x4  }
0x56: {  	[tilespmem:v2+s30+$0x0] =	vst.idx.add.f32.msk $0xffff, v1  }
0x57: {  	v1 =	vld [tilespmem:s6+$0xFFFFFFE0];
	_ =	sdelay $0x4  }
0x58: {  	v2 =	vld [tilespmem:s5+$0xFFFFFFE0];
	_ =	sdelay $0x2  }
0x59: {  	v1 =	vld.idx.msk [tilespmem:v1+s3+$0x0], $0xffff;
	_ =	sdelay $0x4  }
0x5a: {  	[tilespmem:v2+s30+$0x0] =	vst.idx.add.f32.msk $0xffff, v1  }
0x5b: {  	v1 =	vld [tilespmem:s6+$0xFFFFFFF0];
	_ =	sdelay $0x4  }
0x5c: {  	v2 =	vld [tilespmem:s5+$0xFFFFFFF0];
	_ =	sdelay $0x2  }
0x5d: {  	v1 =	vld.idx.msk [tilespmem:v1+s3+$0x0], $0xffff;
	_ =	sdelay $0x4  }
0x5e: {  	[tilespmem:v2+s30+$0x0] =	vst.idx.add.f32.msk $0xffff, v1  }
0x5f: {  	v1 =	vld [tilespmem:s6+$0x0];
	_ =	sdelay $0x4  }
0x60: {  	v2 =	vld [tilespmem:s5+$0x0];
	_ =	sdelay $0x2  }
0x61: {  	p0 =	sne.s32 s4, $0xC40;
	v1 =	vld.idx.msk [tilespmem:v1+s3+$0x0], $0xffff  }
.Ltmp2:
0x62: {  	_ = 	snop;
	(pc) =	sbr.rel @p0 .LBB2_6-.Ltmp2, $2  }
0x63: {  	_ =	sdelay $0x2  }
0x64: {  	s4 =	sadd.s32 $0x40, s4;
	s5 =	sadd.s32 $0x40, s5;
	s6 =	sadd.s32 $0x40, s6;
	[tilespmem:v2+s30+$0x0] =	vst.idx.add.f32.msk $0xffff, v1  }
0x65: {  	s4 =	simm.s32 $0x0  }
0x66: {  	[tilespmem:s25], [sflag:$0x2] =	stream.linear.gather [hbm4b:s10+s4], $0xC80, $0x38;
	[tilespmem:$0x1C200] =	vst v63  }
0x67: {  	_ = 	snop  }
0x68: {  	[tilespmem:s26], [sflag:$0x4] =	stream.linear.gather [hbm4b:s11+s4], $0xC80, $0x38;
	[tilespmem:$0x1C200] =	vst v63  }
0x69: {  	_ =	swait.ge [sflag:s28], $0xC80  }
0x6a: {  	[sflag:s28] =	ssyncset.done $0x0  }
0x6b: {  	[sflag:s28] =	ssyncadd.s32 $0xFFFFF380  }
0x6c: {  	_ =	swait.ge [sflag:s29], $0xC80  }
0x6d: {  	[sflag:s29] =	ssyncset.done $0x0  }
0x6e: {  	[sflag:s29] =	ssyncadd.s32 $0xFFFFF380  }
.LBB2_8:
0x6f: {  	s5 =	sshra.s32 s4, $0x2  }
0x70: {  	v1 =	vld [tilespmem:s5+$0x19000];
	_ =	sdelay $0x4  }
0x71: {  	v2 =	vld [tilespmem:s5+$0x1A900];
	_ =	sdelay $0x2  }
0x72: {  	v1 =	vld.idx.msk [tilespmem:v1+s3+$0x0], $0xffff;
	_ =	sdelay $0x4  }
0x73: {  	[tilespmem:v2+s30+$0x0] =	vst.idx.add.f32.msk $0xffff, v1  }
0x74: {  	v1 =	vld [tilespmem:s5+$0x19010];
	_ =	sdelay $0x4  }
0x75: {  	v2 =	vld [tilespmem:s5+$0x1A910];
	_ =	sdelay $0x2  }
0x76: {  	v1 =	vld.idx.msk [tilespmem:v1+s3+$0x0], $0xffff;
	_ =	sdelay $0x4  }
0x77: {  	[tilespmem:v2+s30+$0x0] =	vst.idx.add.f32.msk $0xffff, v1  }
0x78: {  	v1 =	vld [tilespmem:s5+$0x19020];
	_ =	sdelay $0x4  }
0x79: {  	v2 =	vld [tilespmem:s5+$0x1A920];
	_ =	sdelay $0x2  }
0x7a: {  	v1 =	vld.idx.msk [tilespmem:v1+s3+$0x0], $0xffff;
	_ =	sdelay $0x4  }
0x7b: {  	[tilespmem:v2+s30+$0x0] =	vst.idx.add.f32.msk $0xffff, v1  }
0x7c: {  	v1 =	vld [tilespmem:s5+$0x19030];
	_ =	sdelay $0x4  }
0x7d: {  	v2 =	vld [tilespmem:s5+$0x1A930];
	_ =	sdelay $0x2  }
0x7e: {  	p0 =	sne.s32 s4, $0x3100;
	v1 =	vld.idx.msk [tilespmem:v1+s3+$0x0], $0xffff  }
.Ltmp3:
0x7f: {  	_ = 	snop;
	(pc) =	sbr.rel @p0 .LBB2_8-.Ltmp3, $2  }
0x80: {  	_ =	sdelay $0x2  }
0x81: {  	s4 =	sadd.s32 $0x100, s4;
	[tilespmem:v2+s30+$0x0] =	vst.idx.add.f32.msk $0xffff, v1  }
0x82: {  	s4 =	simm.s32 $0x0  }
0x83: {  	[tilespmem:s22], [sflag:$0x1] =	stream.linear.gather [hbm4b:s12+s4], $0xC80, $0x38;
	[tilespmem:$0x1C200] =	vst v63  }
0x84: {  	_ = 	snop  }
0x85: {  	[tilespmem:s23], [sflag:$0x3] =	stream.linear.gather [hbm4b:s13+s4], $0xC80, $0x38;
	[tilespmem:$0x1C200] =	vst v63  }
0x86: {  	_ =	swait.ge [sflag:s31], $0xC80  }
0x87: {  	[sflag:s31] =	ssyncset.done $0x0  }
0x88: {  	[sflag:s31] =	ssyncadd.s32 $0xFFFFF380  }
0x89: {  	_ =	swait.ge [sflag:s1], $0xC80  }
0x8a: {  	[sflag:s1] =	ssyncset.done $0x0  }
0x8b: {  	s5 =	simm.s32 $0x1B5B0;
	s6 =	simm.s32 $0x19CB0;
	[sflag:s1] =	ssyncadd.s32 $0xFFFFF380  }
.LBB2_10:
0x8c: {  	s7 =	sand.u32 $0xFC0, s4  }
0x8d: {  	v1 =	vld [tilespmem:s7+$0x19C80];
	_ =	sdelay $0x4  }
0x8e: {  	v2 =	vld [tilespmem:s7+$0x1B580];
	_ =	sdelay $0x2  }
0x8f: {  	v1 =	vld.idx.msk [tilespmem:v1+s3+$0x0], $0xffff;
	_ =	sdelay $0x4  }
0x90: {  	[tilespmem:v2+s30+$0x0] =	vst.idx.add.f32.msk $0xffff, v1  }
0x91: {  	v1 =	vld [tilespmem:s6+$0xFFFFFFE0];
	_ =	sdelay $0x4  }
0x92: {  	v2 =	vld [tilespmem:s5+$0xFFFFFFE0];
	_ =	sdelay $0x2  }
0x93: {  	v1 =	vld.idx.msk [tilespmem:v1+s3+$0x0], $0xffff;
	_ =	sdelay $0x4  }
0x94: {  	[tilespmem:v2+s30+$0x0] =	vst.idx.add.f32.msk $0xffff, v1  }
0x95: {  	v1 =	vld [tilespmem:s6+$0xFFFFFFF0];
	_ =	sdelay $0x4  }
0x96: {  	v2 =	vld [tilespmem:s5+$0xFFFFFFF0];
	_ =	sdelay $0x2  }
0x97: {  	v1 =	vld.idx.msk [tilespmem:v1+s3+$0x0], $0xffff;
	_ =	sdelay $0x4  }
0x98: {  	[tilespmem:v2+s30+$0x0] =	vst.idx.add.f32.msk $0xffff, v1  }
0x99: {  	v1 =	vld [tilespmem:s6+$0x0];
	_ =	sdelay $0x4  }
0x9a: {  	v2 =	vld [tilespmem:s5+$0x0];
	_ =	sdelay $0x2  }
0x9b: {  	p0 =	sne.s32 s4, $0xC40;
	v1 =	vld.idx.msk [tilespmem:v1+s3+$0x0], $0xffff  }
.Ltmp4:
0x9c: {  	_ = 	snop;
	(pc) =	sbr.rel @p0 .LBB2_10-.Ltmp4, $2  }
0x9d: {  	_ =	sdelay $0x2  }
0x9e: {  	s4 =	sadd.s32 $0x40, s4;
	s5 =	sadd.s32 $0x40, s5;
	s6 =	sadd.s32 $0x40, s6;
	[tilespmem:v2+s30+$0x0] =	vst.idx.add.f32.msk $0xffff, v1  }
0x9f: {  	s4 =	simm.s32 $0x0  }
0xa0: {  	[tilespmem:s25], [sflag:$0x2] =	stream.linear.gather [hbm4b:s14+s4], $0xC80, $0x38;
	[tilespmem:$0x1C200] =	vst v63  }
0xa1: {  	_ = 	snop  }
0xa2: {  	[tilespmem:s26], [sflag:$0x4] =	stream.linear.gather [hbm4b:s15+s4], $0xC80, $0x38;
	[tilespmem:$0x1C200] =	vst v63  }
0xa3: {  	_ =	swait.ge [sflag:s28], $0xC80  }
0xa4: {  	[sflag:s28] =	ssyncset.done $0x0  }
0xa5: {  	[sflag:s28] =	ssyncadd.s32 $0xFFFFF380  }
0xa6: {  	_ =	swait.ge [sflag:s29], $0xC80  }
0xa7: {  	[sflag:s29] =	ssyncset.done $0x0  }
0xa8: {  	[sflag:s29] =	ssyncadd.s32 $0xFFFFF380  }
.LBB2_12:
0xa9: {  	s5 =	sshra.s32 s4, $0x2  }
0xaa: {  	v1 =	vld [tilespmem:s5+$0x19000];
	_ =	sdelay $0x4  }
0xab: {  	v2 =	vld [tilespmem:s5+$0x1A900];
	_ =	sdelay $0x2  }
0xac: {  	v1 =	vld.idx.msk [tilespmem:v1+s3+$0x0], $0xffff;
	_ =	sdelay $0x4  }
0xad: {  	[tilespmem:v2+s30+$0x0] =	vst.idx.add.f32.msk $0xffff, v1  }
0xae: {  	v1 =	vld [tilespmem:s5+$0x19010];
	_ =	sdelay $0x4  }
0xaf: {  	v2 =	vld [tilespmem:s5+$0x1A910];
	_ =	sdelay $0x2  }
0xb0: {  	v1 =	vld.idx.msk [tilespmem:v1+s3+$0x0], $0xffff;
	_ =	sdelay $0x4  }
0xb1: {  	[tilespmem:v2+s30+$0x0] =	vst.idx.add.f32.msk $0xffff, v1  }
0xb2: {  	v1 =	vld [tilespmem:s5+$0x19020];
	_ =	sdelay $0x4  }
0xb3: {  	v2 =	vld [tilespmem:s5+$0x1A920];
	_ =	sdelay $0x2  }
0xb4: {  	v1 =	vld.idx.msk [tilespmem:v1+s3+$0x0], $0xffff;
	_ =	sdelay $0x4  }
0xb5: {  	[tilespmem:v2+s30+$0x0] =	vst.idx.add.f32.msk $0xffff, v1  }
0xb6: {  	v1 =	vld [tilespmem:s5+$0x19030];
	_ =	sdelay $0x4  }
0xb7: {  	v2 =	vld [tilespmem:s5+$0x1A930];
	_ =	sdelay $0x2  }
0xb8: {  	p0 =	sne.s32 s4, $0x3100;
	v1 =	vld.idx.msk [tilespmem:v1+s3+$0x0], $0xffff  }
.Ltmp5:
0xb9: {  	_ = 	snop;
	(pc) =	sbr.rel @p0 .LBB2_12-.Ltmp5, $2  }
0xba: {  	_ =	sdelay $0x2  }
0xbb: {  	s4 =	sadd.s32 $0x100, s4;
	[tilespmem:v2+s30+$0x0] =	vst.idx.add.f32.msk $0xffff, v1  }
0xbc: {  	s4 =	simm.s32 $0x0  }
0xbd: {  	[tilespmem:s22], [sflag:$0x1] =	stream.linear.gather [hbm4b:s16+s4], $0xC80, $0x38;
	[tilespmem:$0x1C200] =	vst v63  }
0xbe: {  	_ = 	snop  }
0xbf: {  	[tilespmem:s23], [sflag:$0x3] =	stream.linear.gather [hbm4b:s17+s4], $0xC80, $0x38;
	[tilespmem:$0x1C200] =	vst v63  }
0xc0: {  	_ =	swait.ge [sflag:s31], $0xC80  }
0xc1: {  	[sflag:s31] =	ssyncset.done $0x0  }
0xc2: {  	[sflag:s31] =	ssyncadd.s32 $0xFFFFF380  }
0xc3: {  	_ =	swait.ge [sflag:s1], $0xC80  }
0xc4: {  	[sflag:s1] =	ssyncset.done $0x0  }
0xc5: {  	s5 =	simm.s32 $0x1B5B0;
	s6 =	simm.s32 $0x19CB0;
	[sflag:s1] =	ssyncadd.s32 $0xFFFFF380  }
.LBB2_14:
0xc6: {  	s7 =	sand.u32 $0xFC0, s4  }
0xc7: {  	v1 =	vld [tilespmem:s7+$0x19C80];
	_ =	sdelay $0x4  }
0xc8: {  	v2 =	vld [tilespmem:s7+$0x1B580];
	_ =	sdelay $0x2  }
0xc9: {  	v1 =	vld.idx.msk [tilespmem:v1+s3+$0x0], $0xffff;
	_ =	sdelay $0x4  }
0xca: {  	[tilespmem:v2+s30+$0x0] =	vst.idx.add.f32.msk $0xffff, v1  }
0xcb: {  	v1 =	vld [tilespmem:s6+$0xFFFFFFE0];
	_ =	sdelay $0x4  }
0xcc: {  	v2 =	vld [tilespmem:s5+$0xFFFFFFE0];
	_ =	sdelay $0x2  }
0xcd: {  	v1 =	vld.idx.msk [tilespmem:v1+s3+$0x0], $0xffff;
	_ =	sdelay $0x4  }
0xce: {  	[tilespmem:v2+s30+$0x0] =	vst.idx.add.f32.msk $0xffff, v1  }
0xcf: {  	v1 =	vld [tilespmem:s6+$0xFFFFFFF0];
	_ =	sdelay $0x4  }
0xd0: {  	v2 =	vld [tilespmem:s5+$0xFFFFFFF0];
	_ =	sdelay $0x2  }
0xd1: {  	v1 =	vld.idx.msk [tilespmem:v1+s3+$0x0], $0xffff;
	_ =	sdelay $0x4  }
0xd2: {  	[tilespmem:v2+s30+$0x0] =	vst.idx.add.f32.msk $0xffff, v1  }
0xd3: {  	v1 =	vld [tilespmem:s6+$0x0];
	_ =	sdelay $0x4  }
0xd4: {  	v2 =	vld [tilespmem:s5+$0x0];
	_ =	sdelay $0x2  }
0xd5: {  	p0 =	sne.s32 s4, $0xC40;
	v1 =	vld.idx.msk [tilespmem:v1+s3+$0x0], $0xffff  }
.Ltmp6:
0xd6: {  	_ = 	snop;
	(pc) =	sbr.rel @p0 .LBB2_14-.Ltmp6, $2  }
0xd7: {  	_ =	sdelay $0x2  }
0xd8: {  	s4 =	sadd.s32 $0x40, s4;
	s5 =	sadd.s32 $0x40, s5;
	s6 =	sadd.s32 $0x40, s6;
	[tilespmem:v2+s30+$0x0] =	vst.idx.add.f32.msk $0xffff, v1  }
0xd9: {  	s4 =	simm.s32 $0x0  }
0xda: {  	[tilespmem:s25], [sflag:$0x2] =	stream.linear.gather [hbm4b:s18+s4], $0xA28, $0x38;
	[tilespmem:$0x1C200] =	vst v63  }
0xdb: {  	_ = 	snop  }
0xdc: {  	[tilespmem:s26], [sflag:$0x4] =	stream.linear.gather [hbm4b:s19+s4], $0xA28, $0x38;
	[tilespmem:$0x1C200] =	vst v63  }
0xdd: {  	_ =	swait.ge [sflag:s28], $0xC80  }
0xde: {  	[sflag:s28] =	ssyncset.done $0x0  }
0xdf: {  	[sflag:s28] =	ssyncadd.s32 $0xFFFFF380  }
0xe0: {  	_ =	swait.ge [sflag:s29], $0xC80  }
0xe1: {  	[sflag:s29] =	ssyncset.done $0x0  }
0xe2: {  	[sflag:s29] =	ssyncadd.s32 $0xFFFFF380  }
.LBB2_16:
0xe3: {  	s5 =	sshra.s32 s4, $0x2  }
0xe4: {  	v1 =	vld [tilespmem:s5+$0x19000];
	_ =	sdelay $0x4  }
0xe5: {  	v2 =	vld [tilespmem:s5+$0x1A900];
	_ =	sdelay $0x2  }
0xe6: {  	v1 =	vld.idx.msk [tilespmem:v1+s3+$0x0], $0xffff;
	_ =	sdelay $0x4  }
0xe7: {  	[tilespmem:v2+s30+$0x0] =	vst.idx.add.f32.msk $0xffff, v1  }
0xe8: {  	v1 =	vld [tilespmem:s5+$0x19010];
	_ =	sdelay $0x4  }
0xe9: {  	v2 =	vld [tilespmem:s5+$0x1A910];
	_ =	sdelay $0x2  }
0xea: {  	v1 =	vld.idx.msk [tilespmem:v1+s3+$0x0], $0xffff;
	_ =	sdelay $0x4  }
0xeb: {  	[tilespmem:v2+s30+$0x0] =	vst.idx.add.f32.msk $0xffff, v1  }
0xec: {  	v1 =	vld [tilespmem:s5+$0x19020];
	_ =	sdelay $0x4  }
0xed: {  	v2 =	vld [tilespmem:s5+$0x1A920];
	_ =	sdelay $0x2  }
0xee: {  	v1 =	vld.idx.msk [tilespmem:v1+s3+$0x0], $0xffff;
	_ =	sdelay $0x4  }
0xef: {  	[tilespmem:v2+s30+$0x0] =	vst.idx.add.f32.msk $0xffff, v1  }
0xf0: {  	v1 =	vld [tilespmem:s5+$0x19030];
	_ =	sdelay $0x4  }
0xf1: {  	v2 =	vld [tilespmem:s5+$0x1A930];
	_ =	sdelay $0x2  }
0xf2: {  	p0 =	sne.s32 s4, $0x3100;
	v1 =	vld.idx.msk [tilespmem:v1+s3+$0x0], $0xffff  }
.Ltmp7:
0xf3: {  	_ = 	snop;
	(pc) =	sbr.rel @p0 .LBB2_16-.Ltmp7, $2  }
0xf4: {  	_ =	sdelay $0x2  }
0xf5: {  	s4 =	sadd.s32 $0x100, s4;
	[tilespmem:v2+s30+$0x0] =	vst.idx.add.f32.msk $0xffff, v1  }
0xf6: {  	_ =	swait.ge [sflag:s31], $0xA28  }
0xf7: {  	[sflag:s31] =	ssyncset.done $0x0  }
0xf8: {  	[sflag:s31] =	ssyncadd.s32 $0xFFFFF5D8  }
0xf9: {  	_ =	swait.ge [sflag:s1], $0xA28  }
0xfa: {  	s4 =	simm.s32 $0x0;
	[sflag:s1] =	ssyncset.done $0x0  }
0xfb: {  	s5 =	simm.s32 $0x1B5B0;
	s6 =	simm.s32 $0x19CB0;
	[sflag:s1] =	ssyncadd.s32 $0xFFFFF5D8  }
.LBB2_18:
0xfc: {  	s7 =	sand.u32 $0xFC0, s4  }
0xfd: {  	v1 =	vld [tilespmem:s7+$0x19C80];
	_ =	sdelay $0x4  }
0xfe: {  	v2 =	vld [tilespmem:s7+$0x1B580];
	_ =	sdelay $0x2  }
0xff: {  	v1 =	vld.idx.msk [tilespmem:v1+s3+$0x0], $0xffff;
	_ =	sdelay $0x4  }
0x100: {  	[tilespmem:v2+s30+$0x0] =	vst.idx.add.f32.msk $0xffff, v1  }
0x101: {  	v1 =	vld [tilespmem:s6+$0xFFFFFFE0];
	_ =	sdelay $0x4  }
0x102: {  	v2 =	vld [tilespmem:s5+$0xFFFFFFE0];
	_ =	sdelay $0x2  }
0x103: {  	v1 =	vld.idx.msk [tilespmem:v1+s3+$0x0], $0xffff;
	_ =	sdelay $0x4  }
0x104: {  	[tilespmem:v2+s30+$0x0] =	vst.idx.add.f32.msk $0xffff, v1  }
0x105: {  	v1 =	vld [tilespmem:s6+$0xFFFFFFF0];
	_ =	sdelay $0x4  }
0x106: {  	v2 =	vld [tilespmem:s5+$0xFFFFFFF0];
	_ =	sdelay $0x2  }
0x107: {  	v1 =	vld.idx.msk [tilespmem:v1+s3+$0x0], $0xffff;
	_ =	sdelay $0x4  }
0x108: {  	[tilespmem:v2+s30+$0x0] =	vst.idx.add.f32.msk $0xffff, v1  }
0x109: {  	v1 =	vld [tilespmem:s6+$0x0];
	_ =	sdelay $0x4  }
0x10a: {  	v2 =	vld [tilespmem:s5+$0x0];
	_ =	sdelay $0x2  }
0x10b: {  	p0 =	sne.s32 s4, $0x9C0;
	v1 =	vld.idx.msk [tilespmem:v1+s3+$0x0], $0xffff  }
.Ltmp8:
0x10c: {  	_ = 	snop;
	(pc) =	sbr.rel @p0 .LBB2_18-.Ltmp8, $2  }
0x10d: {  	_ =	sdelay $0x2  }
0x10e: {  	s4 =	sadd.s32 $0x40, s4;
	s5 =	sadd.s32 $0x40, s5;
	s6 =	sadd.s32 $0x40, s6;
	[tilespmem:v2+s30+$0x0] =	vst.idx.add.f32.msk $0xffff, v1  }
0x10f: {  	v1 =	vld [tilespmem:$0x1A680];
	_ =	sdelay $0x4  }
0x110: {  	v2 =	vld [tilespmem:$0x1BF80];
	_ =	sdelay $0x2  }
0x111: {  	v1 =	vld.idx.msk [tilespmem:v1+s3+$0x0], $0xffff;
	_ =	sdelay $0x4  }
0x112: {  	[tilespmem:v2+s30+$0x0] =	vst.idx.add.f32.msk $0xffff, v1  }
0x113: {  	v1 =	vld [tilespmem:$0x1A690];
	_ =	sdelay $0x4  }
0x114: {  	v2 =	vld [tilespmem:$0x1BF90];
	_ =	sdelay $0x2  }
0x115: {  	v1 =	vld.idx.msk [tilespmem:v1+s3+$0x0], $0xffff;
	_ =	sdelay $0x4  }
0x116: {  	[tilespmem:v2+s30+$0x0] =	vst.idx.add.f32.msk $0xffff, v1  }
0x117: {  	v1 =	vld [tilespmem:$0x1A6A0];
	_ =	sdelay $0x4  }
0x118: {  	v2 =	vld [tilespmem:$0x1BFA0];
	_ =	sdelay $0x2  }
0x119: {  	v1 =	vld.idx.msk [tilespmem:v1+s3+$0x0], $0xff;
	_ =	sdelay $0x2  }
0x11a: {  	s2 =	sadd.s32 $0x1, s2  }
0x11b: {  	p0 =	sne.s32 s2, s21  }
.Ltmp9:
0x11c: {  	[tilespmem:v2+s30+$0x0] =	vst.idx.add.f32.msk $0xff, v1;
	(pc) =	sbr.rel @p0 .LBB2_1-.Ltmp9, $4  }
0x11d: {  	[hbm4b:s20+s3] =	stream.linear.scatter [tilespmem:s30], [sflag:$0x6], $0xC800, $0x38;
	[tilespmem:$0x1C200] =	vst v63  }
0x11e: {  	_ =	swait.ge [sflag:s0], $0xC800  }
0x11f: {  	[sflag:s0] =	ssyncset.done $0x0  }
0x120: {  	[sflag:s0] =	ssyncadd.s32 $0xFFFF3800  }
0x121: {  	_ =	sfence.sel $0x180000  }
0x122: {  	[bflag:$0x0] =	sbarrier.arrive $0xFFFF  }
0x123: {  	_ =	strace $0x9000004A  }
0x124: {  	s0 =	stileid.u32;
	[bflag:$0x2] =	sbarrier.arrive $0xFFFF  }
0x125: {  	p0 =	sne.s32 s0, $0x0;
	s0 =	rddreg [dreg:$0x2]  }
0x126: {  	s0 =	sadd.s32 @!p0 $0x100000, s0  }
0x127: {  	[sflag:s0] =	ssyncadd.tile.s32 @!p0 $0x1;
	_ =	shalt  }
.Lfunc_end2:
_tile_overlayer_lowered:
.L_overlay_start_2:
0x128: {  	(tag) =	ssettag $0x2  }
0x129: {  	s0 =	rddreg [dreg:$0x0];
	s2 =	stileid.u32  }
0x12a: {  	s1 =	rddreg [dreg:$0x1];
	p0 =	sne.s32 s2, $0x0  }
0x12b: {  	s3 =	rddreg [dreg:$0x2];
	[bflag:$0x3] =	sbarrier.arrive $0xFFFF;
	s2 =	simm.s32 @!p0 $0x1C06  }
0x12c: {  	[timem:s3], [sflag:s2] =	dma.local @!p0 [hbm:s0], s1  }
0x12d: {  	s0 =	simm.s32 @!p0 $0x6  }
0x12e: {  	_ =	swait.ge @!p0 [sflag:s0], s1  }
0x12f: {  	s1 =	ssub.s32 @!p0 $0x0, s1;
	[sflag:s0] =	ssyncset.done @!p0 $0x0  }
0x130: {  	[sflag:s0] =	ssyncadd.s32 @!p0 s1  }
0x131: {  	[bflag:$0x3] =	sbarrier.arrive $0xFFFF  }
0x132: {  	_ =	shalt  }

</sc_bundles>
